<compile_context>
chip_gen: v7x
topology: tpu7x:2x2x1
jax: 0.10.2.dev20260603
libtpu: 0.0.44.dev20260713+nightly
codegen_flags: <defaults>
</compile_context>

<pallas_src>
import functools

import jax
import jax.numpy as jnp
from jax import lax
from jax.experimental import pallas as pl
from jax.experimental.pallas import tpu as pltpu
from jax.experimental.pallas import tpu_sc as plsc

B = 16
C = 256
NCLS = 80
K = 300
N = 5376
T = 256
NT = N // T
MAXK = (1 << 30) - 1
KPAD = 304
KOUT = 384
BOXOUT = 1280


def _stage1_body(x_ref, ws_ref, bs_ref, w0_ref, b0_ref,
                 w1_ref, b1_ref, w2_ref, b2_ref,
                 *rest):
    mem_ref, logits_ref, pbox_ref, scores_ref = rest[-4:]
    del rest
    x = x_ref[0]
    mem = x.T
    mem_ref[0] = mem
    logits = jnp.dot(mem[:, :128], ws_ref[:128],
                     preferred_element_type=jnp.float32) + bs_ref[...]
    logits = logits + jnp.dot(mem[:, 128:], ws_ref[128:],
                              preferred_element_type=jnp.float32)
    logits_ref[0] = logits
    mem_bf = mem.astype(jnp.bfloat16)
    h = jnp.dot(mem_bf, w0_ref[...], preferred_element_type=jnp.float32)
    h = jnp.maximum(h + b0_ref[...], 0.0).astype(jnp.bfloat16)
    h = jnp.dot(h, w1_ref[...], preferred_element_type=jnp.float32)
    h = jnp.maximum(h + b1_ref[...], 0.0).astype(jnp.bfloat16)
    bx = jnp.dot(h, w2_ref[...], preferred_element_type=jnp.float32)
    bx = bx + b2_ref[...]
    pbox_ref[0] = jax.nn.sigmoid(bx)
    sc = jax.nn.sigmoid(jnp.max(logits, axis=-1))
    scores_ref[...] = sc.reshape(scores_ref.shape)


def _stage1_scale(x, ntok, toff, weights, prev, tc):
    nblk = ntok // tc
    nb = tc // T
    shapes = [
        jax.ShapeDtypeStruct((B, N, C), jnp.float32),
        jax.ShapeDtypeStruct((B, N, NCLS), jnp.float32),
        jax.ShapeDtypeStruct((B, N, 4), jnp.float32),
        jax.ShapeDtypeStruct((B * (ntok // T), 1, T), jnp.float32),
    ]
    any_spec = pl.BlockSpec(memory_space=pl.ANY)
    in_specs = [
        pl.BlockSpec((1, C, tc), lambda b, t: (b, 0, t)),
        pl.BlockSpec((C, NCLS), lambda b, t: (0, 0)),
        pl.BlockSpec((1, NCLS), lambda b, t: (0, 0)),
        pl.BlockSpec((C, C), lambda b, t: (0, 0)),
        pl.BlockSpec((1, C), lambda b, t: (0, 0)),
        pl.BlockSpec((C, C), lambda b, t: (0, 0)),
        pl.BlockSpec((1, C), lambda b, t: (0, 0)),
        pl.BlockSpec((C, 4), lambda b, t: (0, 0)),
        pl.BlockSpec((1, 4), lambda b, t: (0, 0)),
    ]
    aliases = {}
    args = (x,) + weights
    if prev is not None:
        in_specs += [any_spec, any_spec, any_spec]
        aliases = {9: 0, 10: 1, 11: 2}
        args = args + tuple(prev)
    return pl.pallas_call(
        _stage1_body,
        grid=(B, nblk),
        in_specs=in_specs,
        out_specs=[
            pl.BlockSpec((1, tc, C), lambda b, t: (b, toff // tc + t, 0)),
            pl.BlockSpec((1, tc, NCLS), lambda b, t: (b, toff // tc + t, 0)),
            pl.BlockSpec((1, tc, 4), lambda b, t: (b, toff // tc + t, 0)),
            pl.BlockSpec((nb, 1, T),
                         lambda b, t: (b * (ntok // T) // nb + t, 0, 0)),
        ],
        out_shape=shapes,
        input_output_aliases=aliases,
    )(*args)


def _stage1(x3, x4, x5, Ws, bs, W0, b0, W1, b1, W2, b2):
    weights = (Ws, bs, W0, b0, W1, b1, W2, b2)
    m, lg, pb, sc3 = _stage1_scale(x3, 4096, 0, weights, None, 1024)
    m, lg, pb, sc4 = _stage1_scale(x4, 1024, 4096, weights, (m, lg, pb), 1024)
    m, lg, pb, sc5 = _stage1_scale(x5, 256, 5120, weights, (m, lg, pb), 256)
    scores = jnp.concatenate(
        [sc3.reshape(B, 4096), sc4.reshape(B, 1024), sc5.reshape(B, 256)],
        axis=1)
    return m, lg, pb, scores


def _topk_body(keys_hbm, mem_hbm, pbox_hbm,
               tks_hbm, tki_hbm, tkmem_hbm, refp_hbm,
               ka, ia, kb, ib, hist, g0, g1, g2, g3,
               gmem, pbv, gbox, sem):
    wid = lax.axis_index("s") * 2 + lax.axis_index("c")

    @pl.when(wid < B)
    def _():
        b = wid
        pltpu.sync_copy(keys_hbm.at[b], ka)
        lanes = lax.iota(jnp.int32, 16)

        def init_body(i, carry):
            off = i * 16
            ia[pl.ds(off, 16)] = lanes + off
            return carry

        lax.fori_loop(0, N // 16, init_body, 0, unroll=8)

        def one_pass(shift, src_k, src_i, dst_k, dst_i):
            def clear_body(i, carry):
                hist[pl.ds(i * 16, 16)] = jnp.zeros((16,), jnp.int32)
                return carry

            lax.fori_loop(0, 64, clear_body, 0, unroll=8)

            def hist_body(i, carry):
                k = src_k[pl.ds(i * 16, 16)]
                d = (k >> shift) & 1023
                cnt, last = plsc.scan_count(d)
                plsc.addupdate_scatter(hist, [d], cnt, mask=last)
                return carry

            lax.fori_loop(0, N // 16, hist_body, 0, unroll=4)

            def scan_body(i, carry):
                v = hist[pl.ds(i * 16, 16)]
                c = plsc.cumsum(v)
                hist[pl.ds(i * 16, 16)] = c - v + carry
                return carry + jnp.max(c)

            lax.fori_loop(0, 64, scan_body, jnp.int32(0))

            def perm_body(i, carry):
                off = i * 16
                k = src_k[pl.ds(off, 16)]
                ii = src_i[pl.ds(off, 16)]
                d = (k >> shift) & 1023
                cnt, last = plsc.scan_count(d)
                base = plsc.load_gather(hist, [d])
                pos = base + cnt - 1
                plsc.store_scatter(dst_k, [pos], k)
                plsc.store_scatter(dst_i, [pos], ii)
                plsc.addupdate_scatter(hist, [d], cnt, mask=last)
                return carry

            lax.fori_loop(0, N // 16, perm_body, 0, unroll=4)

        one_pass(0, ka, ia, kb, ib)
        one_pass(10, kb, ib, ka, ia)
        one_pass(20, ka, ia, kb, ib)

        pltpu.sync_copy(kb.at[pl.ds(0, KOUT)], tks_hbm.at[b])
        pltpu.sync_copy(ib.at[pl.ds(0, KOUT)], tki_hbm.at[b])

        base_row = b * N
        chunks = ((g0, 0, 128), (g1, 128, 24), (g2, 152, 128), (g3, 280, 24))

        def gidx_body(j, carry):
            off = j * 16
            p = lanes + off
            gi = ib[pl.ds(off, 16)] + base_row
            for gref, lo, sz in chunks:
                m = jnp.logical_and(p >= lo, p < lo + sz)
                pc = jnp.clip(p - lo, 0, sz - 1)
                plsc.store_scatter(gref, [pc], gi, mask=m)
            return carry

        lax.fori_loop(0, KPAD // 16, gidx_body, 0)

        pltpu.async_copy(mem_hbm.at[g0], gmem.at[pl.ds(0, 128)], sem).wait()
        pltpu.async_copy(mem_hbm.at[g1], gmem.at[pl.ds(128, 24)], sem).wait()
        pltpu.sync_copy(gmem, tkmem_hbm.at[b, pl.ds(0, 152)])
        pltpu.async_copy(mem_hbm.at[g2], gmem.at[pl.ds(0, 128)], sem).wait()
        pltpu.async_copy(mem_hbm.at[g3], gmem.at[pl.ds(128, 24)], sem).wait()
        pltpu.sync_copy(gmem, tkmem_hbm.at[b, pl.ds(152, 152)])

        pltpu.sync_copy(pbox_hbm.at[b], pbv)

        def box_body(j, carry):
            e = lanes + j * 16
            row = plsc.load_gather(ib, [e >> 2])
            val = plsc.load_gather(pbv, [row * 4 + (e & 3)])
            gbox[pl.ds(j * 16, 16)] = val
            return carry

        lax.fori_loop(0, BOXOUT // 16, box_body, 0)
        pltpu.sync_copy(gbox, refp_hbm.at[b])


_topk_kernel = functools.partial(
    pl.kernel,
    out_type=[
        jax.ShapeDtypeStruct((B, KOUT), jnp.int32),
        jax.ShapeDtypeStruct((B, KOUT), jnp.int32),
        jax.ShapeDtypeStruct((B, KPAD, C), jnp.float32),
        jax.ShapeDtypeStruct((B, BOXOUT), jnp.float32),
    ],
    mesh=plsc.VectorSubcoreMesh(core_axis_name="c", subcore_axis_name="s"),
    compiler_params=pltpu.CompilerParams(needs_layout_passes=False),
    scratch_types=[
        pltpu.VMEM((N,), jnp.int32),
        pltpu.VMEM((N,), jnp.int32),
        pltpu.VMEM((N,), jnp.int32),
        pltpu.VMEM((N,), jnp.int32),
        pltpu.VMEM((1024,), jnp.int32),
        pltpu.VMEM((128,), jnp.int32),
        pltpu.VMEM((24,), jnp.int32),
        pltpu.VMEM((128,), jnp.int32),
        pltpu.VMEM((24,), jnp.int32),
        pltpu.VMEM((152, C), jnp.float32),
        pltpu.VMEM((N * 4,), jnp.float32),
        pltpu.VMEM((BOXOUT,), jnp.float32),
        pltpu.SemaphoreType.DMA,
    ],
)(_topk_body)


def _tgt_body(tkm_ref, wq_ref, bq_ref, out_ref):
    res = jnp.dot(tkm_ref[0], wq_ref[...],
                  preferred_element_type=jnp.float32)
    out_ref[0] = res[:K] + bq_ref[...]


def _tgt(tkmem_pad, Wq, bq):
    return pl.pallas_call(
        _tgt_body,
        grid=(B,),
        in_specs=[
            pl.BlockSpec((1, KPAD, C), lambda b: (b, 0, 0)),
            pl.BlockSpec((C, C), lambda b: (0, 0)),
            pl.BlockSpec((1, C), lambda b: (0, 0)),
        ],
        out_specs=pl.BlockSpec((1, K, C), lambda b: (b, 0, 0)),
        out_shape=jax.ShapeDtypeStruct((B, K, C), jnp.float32),
    )(tkmem_pad, Wq, bq)


def kernel(s3, s4, s5, Ws, bs, W0, b0, W1, b1, W2, b2, Wq, bq):
    x3 = s3.reshape(B, C, 64 * 64)
    x4 = s4.reshape(B, C, 32 * 32)
    x5 = s5.reshape(B, C, 16 * 16)
    mem, logits, pboxes, scores3 = _stage1(
        x3, x4, x5, Ws, bs.reshape(1, NCLS),
        W0.astype(jnp.bfloat16), b0.reshape(1, C),
        W1.astype(jnp.bfloat16), b1.reshape(1, C),
        W2.astype(jnp.bfloat16), b2.reshape(1, 4))
    keys = MAXK - lax.bitcast_convert_type(scores3, jnp.int32)
    tkk_pad, tki_pad, tkmem_pad, refp_flat = _topk_kernel(
        keys, mem.reshape(B * N, C), pboxes.reshape(B, N * 4))
    tks_pad = lax.bitcast_convert_type(MAXK - tkk_pad, jnp.float32)
    refp = refp_flat[:, :K * 4].reshape(B, K, 4)
    tgt = _tgt(tkmem_pad, Wq, bq.reshape(1, C))
    spatial_shapes = jnp.array([[64, 64], [32, 32], [16, 16]], dtype=jnp.int32)
    level_start_index = jnp.array([0, 4096, 5120], dtype=jnp.int32)
    return (tgt, refp, mem, spatial_shapes, level_start_index,
            logits, pboxes, tki_pad[:, :K], tks_pad[:, :K])

# --- scband reference (transcript-rebuilt; emitter-appended) ---
"""Pipeline reference for scband-rtdetrhead-80290118632056 (READ-ONLY COPY).

The authoritative reference and input builder live on the scoring server;
editing this copy changes nothing except your own understanding.
"""

import jax, jax.numpy as jnp
import numpy as np

B = 16
C = 256
NUM_CLASSES = 80
NUM_QUERIES = 300


def setup_inputs(seed: int = 0) -> dict:
    key = jax.random.key(seed)
    ks = jax.random.split(key, 16)
    s3 = jax.random.normal(ks[0], (B, C, 64, 64), dtype=jnp.float32)
    s4 = jax.random.normal(ks[1], (B, C, 32, 32), dtype=jnp.float32)
    s5 = jax.random.normal(ks[2], (B, C, 16, 16), dtype=jnp.float32)
    sc = 0.02
    Ws = jax.random.normal(ks[3], (C, NUM_CLASSES), dtype=jnp.float32) * sc
    bs = jnp.zeros((NUM_CLASSES,), dtype=jnp.float32)
    W0 = jax.random.normal(ks[4], (C, C), dtype=jnp.float32) * sc
    b0 = jnp.zeros((C,), dtype=jnp.float32)
    W1 = jax.random.normal(ks[5], (C, C), dtype=jnp.float32) * sc
    b1 = jnp.zeros((C,), dtype=jnp.float32)
    W2 = jax.random.normal(ks[6], (C, 4), dtype=jnp.float32) * sc
    b2 = jnp.zeros((4,), dtype=jnp.float32)
    Wq = jax.random.normal(ks[7], (C, C), dtype=jnp.float32) * sc
    bq = jnp.zeros((C,), dtype=jnp.float32)
    return {"s3": s3, "s4": s4, "s5": s5, "Ws": Ws, "bs": bs, "W0": W0, "b0": b0,
            "W1": W1, "b1": b1, "W2": W2, "b2": b2, "Wq": Wq, "bq": bq}


def _flatten_multi_scale(feat_list):
    memories = []
    shapes = []
    for f in feat_list:
        b, c, h, w = f.shape
        memories.append(jnp.transpose(f.reshape(b, c, h * w), (0, 2, 1)))
        shapes.append([h, w])
    memory = jnp.concatenate(memories, axis=1)
    spatial_shapes = jnp.array(shapes, dtype=jnp.int32)
    lsi = [0]
    for i in range(len(shapes) - 1):
        lsi.append(lsi[-1] + shapes[i][0] * shapes[i][1])
    level_start_index = jnp.array(lsi, dtype=jnp.int32)
    return memory, spatial_shapes, level_start_index


def reference(s3, s4, s5, Ws, bs, W0, b0, W1, b1, W2, b2, Wq, bq):
    memory, spatial_shapes, level_start_index = _flatten_multi_scale([s3, s4, s5])
    # encoder heads
    enc_logits = memory @ Ws + bs                      # [B, N, num_classes]
    h = jax.nn.relu(memory @ W0 + b0)
    h = jax.nn.relu(h @ W1 + b1)
    enc_boxes = h @ W2 + b2                            # [B, N, 4]
    # top-k query selection by max class score
    scores = jnp.max(jax.nn.sigmoid(enc_logits), axis=-1)   # [B, N]
    topk_scores, topk_indices = jax.lax.top_k(scores, NUM_QUERIES)
    topk_memory = jnp.take_along_axis(memory, topk_indices[:, :, None], axis=1)    # [B, K, C]
    topk_boxes = jnp.take_along_axis(enc_boxes, topk_indices[:, :, None], axis=1)  # [B, K, 4]
    tgt = topk_memory @ Wq + bq
    ref_points = jax.nn.sigmoid(topk_boxes)
    pred_boxes = jax.nn.sigmoid(enc_boxes)
    # targets=None -> no denoising branch
    return (tgt, ref_points, memory, spatial_shapes, level_start_index,
            enc_logits, pred_boxes, topk_indices, topk_scores)

if __name__ == "__main__":
    import jax
    _d = setup_inputs()
    print(jax.jit(kernel)(*tuple(_d.values())))

</pallas_src>

<mosaic_0001>
#map = affine_map<(d0, d1) -> (0, 0)>
#map1 = affine_map<(d0, d1) -> (0, 0, 0)>
module attributes {stable_mosaic.version = 14 : i64} {
  func.func @_topk_body(%arg0: i32, %arg1: i32, %arg2: memref<16x5376xi32, #tpu.memory_space<hbm>>, %arg3: memref<86016x256xf32, #tpu.memory_space<hbm>>, %arg4: memref<16x21504xf32, #tpu.memory_space<hbm>>, %arg5: memref<16x384xi32, #tpu.memory_space<hbm>>, %arg6: memref<16x384xi32, #tpu.memory_space<hbm>>, %arg7: memref<16x304x256xf32, #tpu.memory_space<hbm>>, %arg8: memref<16x1280xf32, #tpu.memory_space<hbm>>, %arg9: memref<5376xi32, #tpu.memory_space<vmem>>, %arg10: memref<5376xi32, #tpu.memory_space<vmem>>, %arg11: memref<5376xi32, #tpu.memory_space<vmem>>, %arg12: memref<5376xi32, #tpu.memory_space<vmem>>, %arg13: memref<1024xi32, #tpu.memory_space<vmem>>, %arg14: memref<128xi32, #tpu.memory_space<vmem>>, %arg15: memref<24xi32, #tpu.memory_space<vmem>>, %arg16: memref<128xi32, #tpu.memory_space<vmem>>, %arg17: memref<24xi32, #tpu.memory_space<vmem>>, %arg18: memref<152x256xf32, #tpu.memory_space<vmem>>, %arg19: memref<21504xf32, #tpu.memory_space<vmem>>, %arg20: memref<1280xf32, #tpu.memory_space<vmem>>, %arg21: memref<!tpu.dma_semaphore, #tpu.memory_space<semaphore_mem>>) attributes {dimension_semantics = [#tpu.dimension_semantics<core_parallel>, #tpu.dimension_semantics<subcore_parallel>], iteration_bounds = array<i64: 2, 16>, scalar_prefetch = 0 : i64, scratch_operands = 13 : i64, tpu.core_type = #tpu.core_type<sc_vector_subcore>, window_params = [{transform_indices = #map}, {transform_indices = #map}, {transform_indices = #map}, {transform_indices = #map}, {transform_indices = #map}, {transform_indices = #map1}, {transform_indices = #map}]} {
    %mul3A = arith.constant 2 : i32
    %mul3A_0 = arith.muli %arg1, %mul3A : i32
    %add3A = arith.addi %mul3A_0, %arg0 : i32
    %lt3A = arith.constant 16 : i32
    %lt3A_1 = arith.cmpi slt, %add3A, %lt3A : i32
    %convert_element_type3A = arith.extui %lt3A_1 : i1 to i32
    %cond3A = arith.constant 0 : i32
    %cond3A_2 = arith.cmpi ne, %convert_element_type3A, %cond3A : i32
    scf.if %cond3A_2 {
      "tpu.region"() ({
        %run_scoped3A = tpu.sem_alloc : memref<!tpu.dma_semaphore, #tpu.memory_space<semaphore_mem>>
        %dma_start3A_143 = arith.constant 0 : i32
        %dma_start3A_144 = tpu.memref_slice %arg2[%add3A, %dma_start3A_143] : memref<16x5376xi32, #tpu.memory_space<hbm>> -> memref<1x5376xi32, #tpu.memory_space<hbm>>
        %dma_start3A_145 = tpu.memref_squeeze %dma_start3A_144 : memref<1x5376xi32, #tpu.memory_space<hbm>> -> memref<5376xi32, #tpu.memory_space<hbm>>
        %dma_start3A_146 = arith.constant 0 : i32
        %dma_start3A_147 = tpu.memref_slice %arg2[%add3A, %dma_start3A_146] : memref<16x5376xi32, #tpu.memory_space<hbm>> -> memref<1x5376xi32, #tpu.memory_space<hbm>>
        %dma_start3A_148 = tpu.memref_squeeze %dma_start3A_147 : memref<1x5376xi32, #tpu.memory_space<hbm>> -> memref<5376xi32, #tpu.memory_space<hbm>>
        tpu.enqueue_dma source(%dma_start3A_148 : memref<5376xi32, #tpu.memory_space<hbm>>) target(%arg9 : memref<5376xi32, #tpu.memory_space<vmem>>) target_semaphore(%run_scoped3A : memref<!tpu.dma_semaphore, #tpu.memory_space<semaphore_mem>>)
        %dma_wait3A_149 = arith.constant 0 : i32
        %dma_wait3A_150 = tpu.memref_slice %arg2[%add3A, %dma_wait3A_149] : memref<16x5376xi32, #tpu.memory_space<hbm>> -> memref<1x5376xi32, #tpu.memory_space<hbm>>
        %dma_wait3A_151 = tpu.memref_squeeze %dma_wait3A_150 : memref<1x5376xi32, #tpu.memory_space<hbm>> -> memref<5376xi32, #tpu.memory_space<hbm>>
        %dma_wait3A_152 = arith.constant 0 : i32
        %dma_wait3A_153 = tpu.memref_slice %arg2[%add3A, %dma_wait3A_152] : memref<16x5376xi32, #tpu.memory_space<hbm>> -> memref<1x5376xi32, #tpu.memory_space<hbm>>
        %dma_wait3A_154 = tpu.memref_squeeze %dma_wait3A_153 : memref<1x5376xi32, #tpu.memory_space<hbm>> -> memref<5376xi32, #tpu.memory_space<hbm>>
        tpu.wait_dma2 semaphore(%run_scoped3A : memref<!tpu.dma_semaphore, #tpu.memory_space<semaphore_mem>>) src(%dma_wait3A_154 : memref<5376xi32, #tpu.memory_space<hbm>>) dst(%arg9 : memref<5376xi32, #tpu.memory_space<vmem>>)
        tpu.yield
      }) : () -> ()
      %iota3A = tpu.iota {dimensions = array<i32: 0>} : vector<16xi32>
      %scan3A = arith.constant 0 : i32
      %scan3A_3 = arith.constant 0 : i32
      %scan3A_4 = arith.constant 336 : i32
      %scan3A_5 = arith.addi %scan3A_3, %scan3A_4 : i32
      %scan3A_6 = arith.constant 8 : i32
      scf.for %scan3A_143 = %scan3A_3 to %scan3A_5 step %scan3A_6  : i32 {
        %mul3A_144 = arith.constant 16 : i32
        %mul3A_145 = arith.muli %scan3A_143, %mul3A_144 : i32
        %add3A_146 = vector.broadcast %mul3A_145 : i32 to vector<16xi32>
        %add3A_147 = arith.addi %iota3A, %add3A_146 : vector<16xi32>
        %swap3A = arith.index_cast %mul3A_145 : i32 to index
        %swap3A_148 = tpu.vector_load %arg10[%swap3A] {strides = array<i32>} : memref<5376xi32, #tpu.memory_space<vmem>>, vector<16xi32>,
        tpu.vector_store %arg10[%swap3A], %add3A_147 {strides = array<i32>} : memref<5376xi32, #tpu.memory_space<vmem>>, vector<16xi32>,
        %scan3A_149 = arith.constant 1 : i32
        %scan3A_150 = arith.addi %scan3A_143, %scan3A_149 : i32
        %mul3A_151 = arith.constant 16 : i32
        %mul3A_152 = arith.muli %scan3A_150, %mul3A_151 : i32
        %add3A_153 = vector.broadcast %mul3A_152 : i32 to vector<16xi32>
        %add3A_154 = arith.addi %iota3A, %add3A_153 : vector<16xi32>
        %swap3A_155 = arith.index_cast %mul3A_152 : i32 to index
        %swap3A_156 = tpu.vector_load %arg10[%swap3A_155] {strides = array<i32>} : memref<5376xi32, #tpu.memory_space<vmem>>, vector<16xi32>,
        tpu.vector_store %arg10[%swap3A_155], %add3A_154 {strides = array<i32>} : memref<5376xi32, #tpu.memory_space<vmem>>, vector<16xi32>,
        %scan3A_157 = arith.constant 2 : i32
        %scan3A_158 = arith.addi %scan3A_143, %scan3A_157 : i32
        %mul3A_159 = arith.constant 16 : i32
        %mul3A_160 = arith.muli %scan3A_158, %mul3A_159 : i32
        %add3A_161 = vector.broadcast %mul3A_160 : i32 to vector<16xi32>
        %add3A_162 = arith.addi %iota3A, %add3A_161 : vector<16xi32>
        %swap3A_163 = arith.index_cast %mul3A_160 : i32 to index
        %swap3A_164 = tpu.vector_load %arg10[%swap3A_163] {strides = array<i32>} : memref<5376xi32, #tpu.memory_space<vmem>>, vector<16xi32>,
        tpu.vector_store %arg10[%swap3A_163], %add3A_162 {strides = array<i32>} : memref<5376xi32, #tpu.memory_space<vmem>>, vector<16xi32>,
        %scan3A_165 = arith.constant 3 : i32
        %scan3A_166 = arith.addi %scan3A_143, %scan3A_165 : i32
        %mul3A_167 = arith.constant 16 : i32
        %mul3A_168 = arith.muli %scan3A_166, %mul3A_167 : i32
        %add3A_169 = vector.broadcast %mul3A_168 : i32 to vector<16xi32>
        %add3A_170 = arith.addi %iota3A, %add3A_169 : vector<16xi32>
        %swap3A_171 = arith.index_cast %mul3A_168 : i32 to index
        %swap3A_172 = tpu.vector_load %arg10[%swap3A_171] {strides = array<i32>} : memref<5376xi32, #tpu.memory_space<vmem>>, vector<16xi32>,
        tpu.vector_store %arg10[%swap3A_171], %add3A_170 {strides = array<i32>} : memref<5376xi32, #tpu.memory_space<vmem>>, vector<16xi32>,
        %scan3A_173 = arith.constant 4 : i32
        %scan3A_174 = arith.addi %scan3A_143, %scan3A_173 : i32
        %mul3A_175 = arith.constant 16 : i32
        %mul3A_176 = arith.muli %scan3A_174, %mul3A_175 : i32
        %add3A_177 = vector.broadcast %mul3A_176 : i32 to vector<16xi32>
        %add3A_178 = arith.addi %iota3A, %add3A_177 : vector<16xi32>
        %swap3A_179 = arith.index_cast %mul3A_176 : i32 to index
        %swap3A_180 = tpu.vector_load %arg10[%swap3A_179] {strides = array<i32>} : memref<5376xi32, #tpu.memory_space<vmem>>, vector<16xi32>,
        tpu.vector_store %arg10[%swap3A_179], %add3A_178 {strides = array<i32>} : memref<5376xi32, #tpu.memory_space<vmem>>, vector<16xi32>,
        %scan3A_181 = arith.constant 5 : i32
        %scan3A_182 = arith.addi %scan3A_143, %scan3A_181 : i32
        %mul3A_183 = arith.constant 16 : i32
        %mul3A_184 = arith.muli %scan3A_182, %mul3A_183 : i32
        %add3A_185 = vector.broadcast %mul3A_184 : i32 to vector<16xi32>
        %add3A_186 = arith.addi %iota3A, %add3A_185 : vector<16xi32>
        %swap3A_187 = arith.index_cast %mul3A_184 : i32 to index
        %swap3A_188 = tpu.vector_load %arg10[%swap3A_187] {strides = array<i32>} : memref<5376xi32, #tpu.memory_space<vmem>>, vector<16xi32>,
        tpu.vector_store %arg10[%swap3A_187], %add3A_186 {strides = array<i32>} : memref<5376xi32, #tpu.memory_space<vmem>>, vector<16xi32>,
        %scan3A_189 = arith.constant 6 : i32
        %scan3A_190 = arith.addi %scan3A_143, %scan3A_189 : i32
        %mul3A_191 = arith.constant 16 : i32
        %mul3A_192 = arith.muli %scan3A_190, %mul3A_191 : i32
        %add3A_193 = vector.broadcast %mul3A_192 : i32 to vector<16xi32>
        %add3A_194 = arith.addi %iota3A, %add3A_193 : vector<16xi32>
        %swap3A_195 = arith.index_cast %mul3A_192 : i32 to index
        %swap3A_196 = tpu.vector_load %arg10[%swap3A_195] {strides = array<i32>} : memref<5376xi32, #tpu.memory_space<vmem>>, vector<16xi32>,
        tpu.vector_store %arg10[%swap3A_195], %add3A_194 {strides = array<i32>} : memref<5376xi32, #tpu.memory_space<vmem>>, vector<16xi32>,
        %scan3A_197 = arith.constant 7 : i32
        %scan3A_198 = arith.addi %scan3A_143, %scan3A_197 : i32
        %mul3A_199 = arith.constant 16 : i32
        %mul3A_200 = arith.muli %scan3A_198, %mul3A_199 : i32
        %add3A_201 = vector.broadcast %mul3A_200 : i32 to vector<16xi32>
        %add3A_202 = arith.addi %iota3A, %add3A_201 : vector<16xi32>
        %swap3A_203 = arith.index_cast %mul3A_200 : i32 to index
        %swap3A_204 = tpu.vector_load %arg10[%swap3A_203] {strides = array<i32>} : memref<5376xi32, #tpu.memory_space<vmem>>, vector<16xi32>,
        tpu.vector_store %arg10[%swap3A_203], %add3A_202 {strides = array<i32>} : memref<5376xi32, #tpu.memory_space<vmem>>, vector<16xi32>,
      }
      %scan3A_7 = arith.constant 336 : i32
      %scan3A_8 = arith.constant 0 : i32
      %scan3A_9 = arith.constant 0 : i32
      %scan3A_10 = arith.constant 64 : i32
      %scan3A_11 = arith.addi %scan3A_9, %scan3A_10 : i32
      %scan3A_12 = arith.constant 8 : i32
      scf.for %scan3A_143 = %scan3A_9 to %scan3A_11 step %scan3A_12  : i32 {
        %broadcast_in_dim3A = arith.constant 0 : i32
        %broadcast_in_dim3A_144 = vector.broadcast %broadcast_in_dim3A : i32 to vector<16xi32>
        %mul3A_145 = arith.constant 16 : i32
        %mul3A_146 = arith.muli %scan3A_143, %mul3A_145 : i32
        %swap3A = arith.index_cast %mul3A_146 : i32 to index
        %swap3A_147 = tpu.vector_load %arg13[%swap3A] {strides = array<i32>} : memref<1024xi32, #tpu.memory_space<vmem>>, vector<16xi32>,
        tpu.vector_store %arg13[%swap3A], %broadcast_in_dim3A_144 {strides = array<i32>} : memref<1024xi32, #tpu.memory_space<vmem>>, vector<16xi32>,
        %scan3A_148 = arith.constant 1 : i32
        %scan3A_149 = arith.addi %scan3A_143, %scan3A_148 : i32
        %broadcast_in_dim3A_150 = arith.constant 0 : i32
        %broadcast_in_dim3A_151 = vector.broadcast %broadcast_in_dim3A_150 : i32 to vector<16xi32>
        %mul3A_152 = arith.constant 16 : i32
        %mul3A_153 = arith.muli %scan3A_149, %mul3A_152 : i32
        %swap3A_154 = arith.index_cast %mul3A_153 : i32 to index
        %swap3A_155 = tpu.vector_load %arg13[%swap3A_154] {strides = array<i32>} : memref<1024xi32, #tpu.memory_space<vmem>>, vector<16xi32>,
        tpu.vector_store %arg13[%swap3A_154], %broadcast_in_dim3A_151 {strides = array<i32>} : memref<1024xi32, #tpu.memory_space<vmem>>, vector<16xi32>,
        %scan3A_156 = arith.constant 2 : i32
        %scan3A_157 = arith.addi %scan3A_143, %scan3A_156 : i32
        %broadcast_in_dim3A_158 = arith.constant 0 : i32
        %broadcast_in_dim3A_159 = vector.broadcast %broadcast_in_dim3A_158 : i32 to vector<16xi32>
        %mul3A_160 = arith.constant 16 : i32
        %mul3A_161 = arith.muli %scan3A_157, %mul3A_160 : i32
        %swap3A_162 = arith.index_cast %mul3A_161 : i32 to index
        %swap3A_163 = tpu.vector_load %arg13[%swap3A_162] {strides = array<i32>} : memref<1024xi32, #tpu.memory_space<vmem>>, vector<16xi32>,
        tpu.vector_store %arg13[%swap3A_162], %broadcast_in_dim3A_159 {strides = array<i32>} : memref<1024xi32, #tpu.memory_space<vmem>>, vector<16xi32>,
        %scan3A_164 = arith.constant 3 : i32
        %scan3A_165 = arith.addi %scan3A_143, %scan3A_164 : i32
        %broadcast_in_dim3A_166 = arith.constant 0 : i32
        %broadcast_in_dim3A_167 = vector.broadcast %broadcast_in_dim3A_166 : i32 to vector<16xi32>
        %mul3A_168 = arith.constant 16 : i32
        %mul3A_169 = arith.muli %scan3A_165, %mul3A_168 : i32
        %swap3A_170 = arith.index_cast %mul3A_169 : i32 to index
        %swap3A_171 = tpu.vector_load %arg13[%swap3A_170] {strides = array<i32>} : memref<1024xi32, #tpu.memory_space<vmem>>, vector<16xi32>,
        tpu.vector_store %arg13[%swap3A_170], %broadcast_in_dim3A_167 {strides = array<i32>} : memref<1024xi32, #tpu.memory_space<vmem>>, vector<16xi32>,
        %scan3A_172 = arith.constant 4 : i32
        %scan3A_173 = arith.addi %scan3A_143, %scan3A_172 : i32
        %broadcast_in_dim3A_174 = arith.constant 0 : i32
        %broadcast_in_dim3A_175 = vector.broadcast %broadcast_in_dim3A_174 : i32 to vector<16xi32>
        %mul3A_176 = arith.constant 16 : i32
        %mul3A_177 = arith.muli %scan3A_173, %mul3A_176 : i32
        %swap3A_178 = arith.index_cast %mul3A_177 : i32 to index
        %swap3A_179 = tpu.vector_load %arg13[%swap3A_178] {strides = array<i32>} : memref<1024xi32, #tpu.memory_space<vmem>>, vector<16xi32>,
        tpu.vector_store %arg13[%swap3A_178], %broadcast_in_dim3A_175 {strides = array<i32>} : memref<1024xi32, #tpu.memory_space<vmem>>, vector<16xi32>,
        %scan3A_180 = arith.constant 5 : i32
        %scan3A_181 = arith.addi %scan3A_143, %scan3A_180 : i32
        %broadcast_in_dim3A_182 = arith.constant 0 : i32
        %broadcast_in_dim3A_183 = vector.broadcast %broadcast_in_dim3A_182 : i32 to vector<16xi32>
        %mul3A_184 = arith.constant 16 : i32
        %mul3A_185 = arith.muli %scan3A_181, %mul3A_184 : i32
        %swap3A_186 = arith.index_cast %mul3A_185 : i32 to index
        %swap3A_187 = tpu.vector_load %arg13[%swap3A_186] {strides = array<i32>} : memref<1024xi32, #tpu.memory_space<vmem>>, vector<16xi32>,
        tpu.vector_store %arg13[%swap3A_186], %broadcast_in_dim3A_183 {strides = array<i32>} : memref<1024xi32, #tpu.memory_space<vmem>>, vector<16xi32>,
        %scan3A_188 = arith.constant 6 : i32
        %scan3A_189 = arith.addi %scan3A_143, %scan3A_188 : i32
        %broadcast_in_dim3A_190 = arith.constant 0 : i32
        %broadcast_in_dim3A_191 = vector.broadcast %broadcast_in_dim3A_190 : i32 to vector<16xi32>
        %mul3A_192 = arith.constant 16 : i32
        %mul3A_193 = arith.muli %scan3A_189, %mul3A_192 : i32
        %swap3A_194 = arith.index_cast %mul3A_193 : i32 to index
        %swap3A_195 = tpu.vector_load %arg13[%swap3A_194] {strides = array<i32>} : memref<1024xi32, #tpu.memory_space<vmem>>, vector<16xi32>,
        tpu.vector_store %arg13[%swap3A_194], %broadcast_in_dim3A_191 {strides = array<i32>} : memref<1024xi32, #tpu.memory_space<vmem>>, vector<16xi32>,
        %scan3A_196 = arith.constant 7 : i32
        %scan3A_197 = arith.addi %scan3A_143, %scan3A_196 : i32
        %broadcast_in_dim3A_198 = arith.constant 0 : i32
        %broadcast_in_dim3A_199 = vector.broadcast %broadcast_in_dim3A_198 : i32 to vector<16xi32>
        %mul3A_200 = arith.constant 16 : i32
        %mul3A_201 = arith.muli %scan3A_197, %mul3A_200 : i32
        %swap3A_202 = arith.index_cast %mul3A_201 : i32 to index
        %swap3A_203 = tpu.vector_load %arg13[%swap3A_202] {strides = array<i32>} : memref<1024xi32, #tpu.memory_space<vmem>>, vector<16xi32>,
        tpu.vector_store %arg13[%swap3A_202], %broadcast_in_dim3A_199 {strides = array<i32>} : memref<1024xi32, #tpu.memory_space<vmem>>, vector<16xi32>,
      }
      %scan3A_13 = arith.constant 64 : i32
      %scan3A_14 = arith.constant 0 : i32
      %scan3A_15 = arith.constant 0 : i32
      %scan3A_16 = arith.constant 336 : i32
      %scan3A_17 = arith.addi %scan3A_15, %scan3A_16 : i32
      %scan3A_18 = arith.constant 4 : i32
      scf.for %scan3A_143 = %scan3A_15 to %scan3A_17 step %scan3A_18  : i32 {
        %mul3A_144 = arith.constant 16 : i32
        %mul3A_145 = arith.muli %scan3A_143, %mul3A_144 : i32
        %get3A = arith.index_cast %mul3A_145 : i32 to index
        %get3A_146 = tpu.vector_load %arg9[%get3A] {strides = array<i32>} : memref<5376xi32, #tpu.memory_space<vmem>>, vector<16xi32>,
        %shift_right_arithmetic3A = arith.constant 0 : i32
        %shift_right_arithmetic3A_147 = vector.broadcast %shift_right_arithmetic3A : i32 to vector<16xi32>
        %shift_right_arithmetic3A_148 = arith.shrsi %get3A_146, %shift_right_arithmetic3A_147 : vector<16xi32>
        %and3A = arith.constant 1023 : i32
        %and3A_149 = vector.broadcast %and3A : i32 to vector<16xi32>
        %and3A_150 = arith.andi %shift_right_arithmetic3A_148, %and3A_149 : vector<16xi32>
        %broadcast_in_dim3A = arith.constant true
        %broadcast_in_dim3A_151 = vector.broadcast %broadcast_in_dim3A : i1 to vector<16xi1>
        %unique3A, %unique3A_152 = tpu.scan_count mask(%broadcast_in_dim3A_151 : vector<16xi1>) value(%and3A_150 : vector<16xi32>) : vector<16xi1>, vector<16xi32>
        tpu.vector_store_idx %arg13[%and3A_150], %unique3A_152 masked %unique3A {add = true} : memref<1024xi32, #tpu.memory_space<vmem>>[vector<16xi32>], vector<16xi32>, vector<16xi1>
        %scan3A_153 = arith.constant 1 : i32
        %scan3A_154 = arith.addi %scan3A_143, %scan3A_153 : i32
        %mul3A_155 = arith.constant 16 : i32
        %mul3A_156 = arith.muli %scan3A_154, %mul3A_155 : i32
        %get3A_157 = arith.index_cast %mul3A_156 : i32 to index
        %get3A_158 = tpu.vector_load %arg9[%get3A_157] {strides = array<i32>} : memref<5376xi32, #tpu.memory_space<vmem>>, vector<16xi32>,
        %shift_right_arithmetic3A_159 = arith.constant 0 : i32
        %shift_right_arithmetic3A_160 = vector.broadcast %shift_right_arithmetic3A_159 : i32 to vector<16xi32>
        %shift_right_arithmetic3A_161 = arith.shrsi %get3A_158, %shift_right_arithmetic3A_160 : vector<16xi32>
        %and3A_162 = arith.constant 1023 : i32
        %and3A_163 = vector.broadcast %and3A_162 : i32 to vector<16xi32>
        %and3A_164 = arith.andi %shift_right_arithmetic3A_161, %and3A_163 : vector<16xi32>
        %broadcast_in_dim3A_165 = arith.constant true
        %broadcast_in_dim3A_166 = vector.broadcast %broadcast_in_dim3A_165 : i1 to vector<16xi1>
        %unique3A_167, %unique3A_168 = tpu.scan_count mask(%broadcast_in_dim3A_166 : vector<16xi1>) value(%and3A_164 : vector<16xi32>) : vector<16xi1>, vector<16xi32>
        tpu.vector_store_idx %arg13[%and3A_164], %unique3A_168 masked %unique3A_167 {add = true} : memref<1024xi32, #tpu.memory_space<vmem>>[vector<16xi32>], vector<16xi32>, vector<16xi1>
        %scan3A_169 = arith.constant 2 : i32
        %scan3A_170 = arith.addi %scan3A_143, %scan3A_169 : i32
        %mul3A_171 = arith.constant 16 : i32
        %mul3A_172 = arith.muli %scan3A_170, %mul3A_171 : i32
        %get3A_173 = arith.index_cast %mul3A_172 : i32 to index
        %get3A_174 = tpu.vector_load %arg9[%get3A_173] {strides = array<i32>} : memref<5376xi32, #tpu.memory_space<vmem>>, vector<16xi32>,
        %shift_right_arithmetic3A_175 = arith.constant 0 : i32
        %shift_right_arithmetic3A_176 = vector.broadcast %shift_right_arithmetic3A_175 : i32 to vector<16xi32>
        %shift_right_arithmetic3A_177 = arith.shrsi %get3A_174, %shift_right_arithmetic3A_176 : vector<16xi32>
        %and3A_178 = arith.constant 1023 : i32
        %and3A_179 = vector.broadcast %and3A_178 : i32 to vector<16xi32>
        %and3A_180 = arith.andi %shift_right_arithmetic3A_177, %and3A_179 : vector<16xi32>
        %broadcast_in_dim3A_181 = arith.constant true
        %broadcast_in_dim3A_182 = vector.broadcast %broadcast_in_dim3A_181 : i1 to vector<16xi1>
        %unique3A_183, %unique3A_184 = tpu.scan_count mask(%broadcast_in_dim3A_182 : vector<16xi1>) value(%and3A_180 : vector<16xi32>) : vector<16xi1>, vector<16xi32>
        tpu.vector_store_idx %arg13[%and3A_180], %unique3A_184 masked %unique3A_183 {add = true} : memref<1024xi32, #tpu.memory_space<vmem>>[vector<16xi32>], vector<16xi32>, vector<16xi1>
        %scan3A_185 = arith.constant 3 : i32
        %scan3A_186 = arith.addi %scan3A_143, %scan3A_185 : i32
        %mul3A_187 = arith.constant 16 : i32
        %mul3A_188 = arith.muli %scan3A_186, %mul3A_187 : i32
        %get3A_189 = arith.index_cast %mul3A_188 : i32 to index
        %get3A_190 = tpu.vector_load %arg9[%get3A_189] {strides = array<i32>} : memref<5376xi32, #tpu.memory_space<vmem>>, vector<16xi32>,
        %shift_right_arithmetic3A_191 = arith.constant 0 : i32
        %shift_right_arithmetic3A_192 = vector.broadcast %shift_right_arithmetic3A_191 : i32 to vector<16xi32>
        %shift_right_arithmetic3A_193 = arith.shrsi %get3A_190, %shift_right_arithmetic3A_192 : vector<16xi32>
        %and3A_194 = arith.constant 1023 : i32
        %and3A_195 = vector.broadcast %and3A_194 : i32 to vector<16xi32>
        %and3A_196 = arith.andi %shift_right_arithmetic3A_193, %and3A_195 : vector<16xi32>
        %broadcast_in_dim3A_197 = arith.constant true
        %broadcast_in_dim3A_198 = vector.broadcast %broadcast_in_dim3A_197 : i1 to vector<16xi1>
        %unique3A_199, %unique3A_200 = tpu.scan_count mask(%broadcast_in_dim3A_198 : vector<16xi1>) value(%and3A_196 : vector<16xi32>) : vector<16xi1>, vector<16xi32>
        tpu.vector_store_idx %arg13[%and3A_196], %unique3A_200 masked %unique3A_199 {add = true} : memref<1024xi32, #tpu.memory_space<vmem>>[vector<16xi32>], vector<16xi32>, vector<16xi1>
      }
      %scan3A_19 = arith.constant 336 : i32
      %scan3A_20 = arith.constant 0 : i32
      %scan3A_21 = arith.constant 0 : i32
      %scan3A_22 = arith.constant 64 : i32
      %scan3A_23 = arith.addi %scan3A_21, %scan3A_22 : i32
      %scan3A_24 = arith.constant 1 : i32
      %scan3A_25 = scf.for %scan3A_143 = %scan3A_21 to %scan3A_23 step %scan3A_24 iter_args(%scan3A_144 = %scan3A_20) -> (i32)  : i32 {
        %mul3A_145 = arith.constant 16 : i32
        %mul3A_146 = arith.muli %scan3A_143, %mul3A_145 : i32
        %get3A = arith.index_cast %mul3A_146 : i32 to index
        %get3A_147 = tpu.vector_load %arg13[%get3A] {strides = array<i32>} : memref<1024xi32, #tpu.memory_space<vmem>>, vector<16xi32>,
        %broadcast_in_dim3A = arith.constant true
        %broadcast_in_dim3A_148 = vector.broadcast %broadcast_in_dim3A : i1 to vector<16xi1>
        %masked_cumsum3A = tpu.scan <sum>, %get3A_147 masked %broadcast_in_dim3A_148 : vector<16xi32>, vector<16xi1> -> vector<16xi32>
        %sub3A = arith.subi %masked_cumsum3A, %get3A_147 : vector<16xi32>
        %add3A_149 = vector.broadcast %scan3A_144 : i32 to vector<16xi32>
        %add3A_150 = arith.addi %sub3A, %add3A_149 : vector<16xi32>
        %mul3A_151 = arith.constant 16 : i32
        %mul3A_152 = arith.muli %scan3A_143, %mul3A_151 : i32
        %swap3A = arith.index_cast %mul3A_152 : i32 to index
        %swap3A_153 = tpu.vector_load %arg13[%swap3A] {strides = array<i32>} : memref<1024xi32, #tpu.memory_space<vmem>>, vector<16xi32>,
        tpu.vector_store %arg13[%swap3A], %add3A_150 {strides = array<i32>} : memref<1024xi32, #tpu.memory_space<vmem>>, vector<16xi32>,
        %reduce_max3A = arith.constant true
        %reduce_max3A_154 = vector.broadcast %reduce_max3A : i1 to vector<16xi1>
        %reduce_max3A_155 = arith.constant -2147483648 : i32
        %reduce_max3A_156 = vector.broadcast %reduce_max3A_155 : i32 to vector<16xi32>
        %reduce_max3A_157 = arith.xori %masked_cumsum3A, %reduce_max3A_156 : vector<16xi32>
        %reduce_max3A_158 = tpu.scan <max>, %reduce_max3A_157 masked %reduce_max3A_154 : vector<16xi32>, vector<16xi1> -> vector<16xi32>
        %reduce_max3A_159 = arith.xori %reduce_max3A_158, %reduce_max3A_156 : vector<16xi32>
        %reduce_max3A_160 = vector.extract %reduce_max3A_159[15] : i32 from vector<16xi32>
        %add3A_161 = arith.addi %scan3A_144, %reduce_max3A_160 : i32
        scf.yield %add3A_161 : i32
      }
      %scan3A_26 = arith.constant 64 : i32
      %scan3A_27 = arith.constant 0 : i32
      %scan3A_28 = arith.constant 0 : i32
      %scan3A_29 = arith.constant 336 : i32
      %scan3A_30 = arith.addi %scan3A_28, %scan3A_29 : i32
      %scan3A_31 = arith.constant 4 : i32
      scf.for %scan3A_143 = %scan3A_28 to %scan3A_30 step %scan3A_31  : i32 {
        %mul3A_144 = arith.constant 16 : i32
        %mul3A_145 = arith.muli %scan3A_143, %mul3A_144 : i32
        %get3A = arith.index_cast %mul3A_145 : i32 to index
        %get3A_146 = tpu.vector_load %arg9[%get3A] {strides = array<i32>} : memref<5376xi32, #tpu.memory_space<vmem>>, vector<16xi32>,
        %get3A_147 = arith.index_cast %mul3A_145 : i32 to index
        %get3A_148 = tpu.vector_load %arg10[%get3A_147] {strides = array<i32>} : memref<5376xi32, #tpu.memory_space<vmem>>, vector<16xi32>,
        %shift_right_arithmetic3A = arith.constant 0 : i32
        %shift_right_arithmetic3A_149 = vector.broadcast %shift_right_arithmetic3A : i32 to vector<16xi32>
        %shift_right_arithmetic3A_150 = arith.shrsi %get3A_146, %shift_right_arithmetic3A_149 : vector<16xi32>
        %and3A = arith.constant 1023 : i32
        %and3A_151 = vector.broadcast %and3A : i32 to vector<16xi32>
        %and3A_152 = arith.andi %shift_right_arithmetic3A_150, %and3A_151 : vector<16xi32>
        %broadcast_in_dim3A = arith.constant true
        %broadcast_in_dim3A_153 = vector.broadcast %broadcast_in_dim3A : i1 to vector<16xi1>
        %unique3A, %unique3A_154 = tpu.scan_count mask(%broadcast_in_dim3A_153 : vector<16xi1>) value(%and3A_152 : vector<16xi32>) : vector<16xi1>, vector<16xi32>
        %gather3A = tpu.vector_load_idx %arg13[%and3A_152] : memref<1024xi32, #tpu.memory_space<vmem>>[vector<16xi32>], vector<16xi32>,
        %add3A_155 = arith.addi %gather3A, %unique3A_154 : vector<16xi32>
        %sub3A = arith.constant 1 : i32
        %sub3A_156 = vector.broadcast %sub3A : i32 to vector<16xi32>
        %sub3A_157 = arith.subi %add3A_155, %sub3A_156 : vector<16xi32>
        tpu.vector_store_idx %arg11[%sub3A_157], %get3A_146 : memref<5376xi32, #tpu.memory_space<vmem>>[vector<16xi32>], vector<16xi32>,
        tpu.vector_store_idx %arg12[%sub3A_157], %get3A_148 : memref<5376xi32, #tpu.memory_space<vmem>>[vector<16xi32>], vector<16xi32>,
        tpu.vector_store_idx %arg13[%and3A_152], %unique3A_154 masked %unique3A {add = true} : memref<1024xi32, #tpu.memory_space<vmem>>[vector<16xi32>], vector<16xi32>, vector<16xi1>
        %scan3A_158 = arith.constant 1 : i32
        %scan3A_159 = arith.addi %scan3A_143, %scan3A_158 : i32
        %mul3A_160 = arith.constant 16 : i32
        %mul3A_161 = arith.muli %scan3A_159, %mul3A_160 : i32
        %get3A_162 = arith.index_cast %mul3A_161 : i32 to index
        %get3A_163 = tpu.vector_load %arg9[%get3A_162] {strides = array<i32>} : memref<5376xi32, #tpu.memory_space<vmem>>, vector<16xi32>,
        %get3A_164 = arith.index_cast %mul3A_161 : i32 to index
        %get3A_165 = tpu.vector_load %arg10[%get3A_164] {strides = array<i32>} : memref<5376xi32, #tpu.memory_space<vmem>>, vector<16xi32>,
        %shift_right_arithmetic3A_166 = arith.constant 0 : i32
        %shift_right_arithmetic3A_167 = vector.broadcast %shift_right_arithmetic3A_166 : i32 to vector<16xi32>
        %shift_right_arithmetic3A_168 = arith.shrsi %get3A_163, %shift_right_arithmetic3A_167 : vector<16xi32>
        %and3A_169 = arith.constant 1023 : i32
        %and3A_170 = vector.broadcast %and3A_169 : i32 to vector<16xi32>
        %and3A_171 = arith.andi %shift_right_arithmetic3A_168, %and3A_170 : vector<16xi32>
        %broadcast_in_dim3A_172 = arith.constant true
        %broadcast_in_dim3A_173 = vector.broadcast %broadcast_in_dim3A_172 : i1 to vector<16xi1>
        %unique3A_174, %unique3A_175 = tpu.scan_count mask(%broadcast_in_dim3A_173 : vector<16xi1>) value(%and3A_171 : vector<16xi32>) : vector<16xi1>, vector<16xi32>
        %gather3A_176 = tpu.vector_load_idx %arg13[%and3A_171] : memref<1024xi32, #tpu.memory_space<vmem>>[vector<16xi32>], vector<16xi32>,
        %add3A_177 = arith.addi %gather3A_176, %unique3A_175 : vector<16xi32>
        %sub3A_178 = arith.constant 1 : i32
        %sub3A_179 = vector.broadcast %sub3A_178 : i32 to vector<16xi32>
        %sub3A_180 = arith.subi %add3A_177, %sub3A_179 : vector<16xi32>
        tpu.vector_store_idx %arg11[%sub3A_180], %get3A_163 : memref<5376xi32, #tpu.memory_space<vmem>>[vector<16xi32>], vector<16xi32>,
        tpu.vector_store_idx %arg12[%sub3A_180], %get3A_165 : memref<5376xi32, #tpu.memory_space<vmem>>[vector<16xi32>], vector<16xi32>,
        tpu.vector_store_idx %arg13[%and3A_171], %unique3A_175 masked %unique3A_174 {add = true} : memref<1024xi32, #tpu.memory_space<vmem>>[vector<16xi32>], vector<16xi32>, vector<16xi1>
        %scan3A_181 = arith.constant 2 : i32
        %scan3A_182 = arith.addi %scan3A_143, %scan3A_181 : i32
        %mul3A_183 = arith.constant 16 : i32
        %mul3A_184 = arith.muli %scan3A_182, %mul3A_183 : i32
        %get3A_185 = arith.index_cast %mul3A_184 : i32 to index
        %get3A_186 = tpu.vector_load %arg9[%get3A_185] {strides = array<i32>} : memref<5376xi32, #tpu.memory_space<vmem>>, vector<16xi32>,
        %get3A_187 = arith.index_cast %mul3A_184 : i32 to index
        %get3A_188 = tpu.vector_load %arg10[%get3A_187] {strides = array<i32>} : memref<5376xi32, #tpu.memory_space<vmem>>, vector<16xi32>,
        %shift_right_arithmetic3A_189 = arith.constant 0 : i32
        %shift_right_arithmetic3A_190 = vector.broadcast %shift_right_arithmetic3A_189 : i32 to vector<16xi32>
        %shift_right_arithmetic3A_191 = arith.shrsi %get3A_186, %shift_right_arithmetic3A_190 : vector<16xi32>
        %and3A_192 = arith.constant 1023 : i32
        %and3A_193 = vector.broadcast %and3A_192 : i32 to vector<16xi32>
        %and3A_194 = arith.andi %shift_right_arithmetic3A_191, %and3A_193 : vector<16xi32>
        %broadcast_in_dim3A_195 = arith.constant true
        %broadcast_in_dim3A_196 = vector.broadcast %broadcast_in_dim3A_195 : i1 to vector<16xi1>
        %unique3A_197, %unique3A_198 = tpu.scan_count mask(%broadcast_in_dim3A_196 : vector<16xi1>) value(%and3A_194 : vector<16xi32>) : vector<16xi1>, vector<16xi32>
        %gather3A_199 = tpu.vector_load_idx %arg13[%and3A_194] : memref<1024xi32, #tpu.memory_space<vmem>>[vector<16xi32>], vector<16xi32>,
        %add3A_200 = arith.addi %gather3A_199, %unique3A_198 : vector<16xi32>
        %sub3A_201 = arith.constant 1 : i32
        %sub3A_202 = vector.broadcast %sub3A_201 : i32 to vector<16xi32>
        %sub3A_203 = arith.subi %add3A_200, %sub3A_202 : vector<16xi32>
        tpu.vector_store_idx %arg11[%sub3A_203], %get3A_186 : memref<5376xi32, #tpu.memory_space<vmem>>[vector<16xi32>], vector<16xi32>,
        tpu.vector_store_idx %arg12[%sub3A_203], %get3A_188 : memref<5376xi32, #tpu.memory_space<vmem>>[vector<16xi32>], vector<16xi32>,
        tpu.vector_store_idx %arg13[%and3A_194], %unique3A_198 masked %unique3A_197 {add = true} : memref<1024xi32, #tpu.memory_space<vmem>>[vector<16xi32>], vector<16xi32>, vector<16xi1>
        %scan3A_204 = arith.constant 3 : i32
        %scan3A_205 = arith.addi %scan3A_143, %scan3A_204 : i32
        %mul3A_206 = arith.constant 16 : i32
        %mul3A_207 = arith.muli %scan3A_205, %mul3A_206 : i32
        %get3A_208 = arith.index_cast %mul3A_207 : i32 to index
        %get3A_209 = tpu.vector_load %arg9[%get3A_208] {strides = array<i32>} : memref<5376xi32, #tpu.memory_space<vmem>>, vector<16xi32>,
        %get3A_210 = arith.index_cast %mul3A_207 : i32 to index
        %get3A_211 = tpu.vector_load %arg10[%get3A_210] {strides = array<i32>} : memref<5376xi32, #tpu.memory_space<vmem>>, vector<16xi32>,
        %shift_right_arithmetic3A_212 = arith.constant 0 : i32
        %shift_right_arithmetic3A_213 = vector.broadcast %shift_right_arithmetic3A_212 : i32 to vector<16xi32>
        %shift_right_arithmetic3A_214 = arith.shrsi %get3A_209, %shift_right_arithmetic3A_213 : vector<16xi32>
        %and3A_215 = arith.constant 1023 : i32
        %and3A_216 = vector.broadcast %and3A_215 : i32 to vector<16xi32>
        %and3A_217 = arith.andi %shift_right_arithmetic3A_214, %and3A_216 : vector<16xi32>
        %broadcast_in_dim3A_218 = arith.constant true
        %broadcast_in_dim3A_219 = vector.broadcast %broadcast_in_dim3A_218 : i1 to vector<16xi1>
        %unique3A_220, %unique3A_221 = tpu.scan_count mask(%broadcast_in_dim3A_219 : vector<16xi1>) value(%and3A_217 : vector<16xi32>) : vector<16xi1>, vector<16xi32>
        %gather3A_222 = tpu.vector_load_idx %arg13[%and3A_217] : memref<1024xi32, #tpu.memory_space<vmem>>[vector<16xi32>], vector<16xi32>,
        %add3A_223 = arith.addi %gather3A_222, %unique3A_221 : vector<16xi32>
        %sub3A_224 = arith.constant 1 : i32
        %sub3A_225 = vector.broadcast %sub3A_224 : i32 to vector<16xi32>
        %sub3A_226 = arith.subi %add3A_223, %sub3A_225 : vector<16xi32>
        tpu.vector_store_idx %arg11[%sub3A_226], %get3A_209 : memref<5376xi32, #tpu.memory_space<vmem>>[vector<16xi32>], vector<16xi32>,
        tpu.vector_store_idx %arg12[%sub3A_226], %get3A_211 : memref<5376xi32, #tpu.memory_space<vmem>>[vector<16xi32>], vector<16xi32>,
        tpu.vector_store_idx %arg13[%and3A_217], %unique3A_221 masked %unique3A_220 {add = true} : memref<1024xi32, #tpu.memory_space<vmem>>[vector<16xi32>], vector<16xi32>, vector<16xi1>
      }
      %scan3A_32 = arith.constant 336 : i32
      %scan3A_33 = arith.constant 0 : i32
      %scan3A_34 = arith.constant 0 : i32
      %scan3A_35 = arith.constant 64 : i32
      %scan3A_36 = arith.addi %scan3A_34, %scan3A_35 : i32
      %scan3A_37 = arith.constant 8 : i32
      scf.for %scan3A_143 = %scan3A_34 to %scan3A_36 step %scan3A_37  : i32 {
        %broadcast_in_dim3A = arith.constant 0 : i32
        %broadcast_in_dim3A_144 = vector.broadcast %broadcast_in_dim3A : i32 to vector<16xi32>
        %mul3A_145 = arith.constant 16 : i32
        %mul3A_146 = arith.muli %scan3A_143, %mul3A_145 : i32
        %swap3A = arith.index_cast %mul3A_146 : i32 to index
        %swap3A_147 = tpu.vector_load %arg13[%swap3A] {strides = array<i32>} : memref<1024xi32, #tpu.memory_space<vmem>>, vector<16xi32>,
        tpu.vector_store %arg13[%swap3A], %broadcast_in_dim3A_144 {strides = array<i32>} : memref<1024xi32, #tpu.memory_space<vmem>>, vector<16xi32>,
        %scan3A_148 = arith.constant 1 : i32
        %scan3A_149 = arith.addi %scan3A_143, %scan3A_148 : i32
        %broadcast_in_dim3A_150 = arith.constant 0 : i32
        %broadcast_in_dim3A_151 = vector.broadcast %broadcast_in_dim3A_150 : i32 to vector<16xi32>
        %mul3A_152 = arith.constant 16 : i32
        %mul3A_153 = arith.muli %scan3A_149, %mul3A_152 : i32
        %swap3A_154 = arith.index_cast %mul3A_153 : i32 to index
        %swap3A_155 = tpu.vector_load %arg13[%swap3A_154] {strides = array<i32>} : memref<1024xi32, #tpu.memory_space<vmem>>, vector<16xi32>,
        tpu.vector_store %arg13[%swap3A_154], %broadcast_in_dim3A_151 {strides = array<i32>} : memref<1024xi32, #tpu.memory_space<vmem>>, vector<16xi32>,
        %scan3A_156 = arith.constant 2 : i32
        %scan3A_157 = arith.addi %scan3A_143, %scan3A_156 : i32
        %broadcast_in_dim3A_158 = arith.constant 0 : i32
        %broadcast_in_dim3A_159 = vector.broadcast %broadcast_in_dim3A_158 : i32 to vector<16xi32>
        %mul3A_160 = arith.constant 16 : i32
        %mul3A_161 = arith.muli %scan3A_157, %mul3A_160 : i32
        %swap3A_162 = arith.index_cast %mul3A_161 : i32 to index
        %swap3A_163 = tpu.vector_load %arg13[%swap3A_162] {strides = array<i32>} : memref<1024xi32, #tpu.memory_space<vmem>>, vector<16xi32>,
        tpu.vector_store %arg13[%swap3A_162], %broadcast_in_dim3A_159 {strides = array<i32>} : memref<1024xi32, #tpu.memory_space<vmem>>, vector<16xi32>,
        %scan3A_164 = arith.constant 3 : i32
        %scan3A_165 = arith.addi %scan3A_143, %scan3A_164 : i32
        %broadcast_in_dim3A_166 = arith.constant 0 : i32
        %broadcast_in_dim3A_167 = vector.broadcast %broadcast_in_dim3A_166 : i32 to vector<16xi32>
        %mul3A_168 = arith.constant 16 : i32
        %mul3A_169 = arith.muli %scan3A_165, %mul3A_168 : i32
        %swap3A_170 = arith.index_cast %mul3A_169 : i32 to index
        %swap3A_171 = tpu.vector_load %arg13[%swap3A_170] {strides = array<i32>} : memref<1024xi32, #tpu.memory_space<vmem>>, vector<16xi32>,
        tpu.vector_store %arg13[%swap3A_170], %broadcast_in_dim3A_167 {strides = array<i32>} : memref<1024xi32, #tpu.memory_space<vmem>>, vector<16xi32>,
        %scan3A_172 = arith.constant 4 : i32
        %scan3A_173 = arith.addi %scan3A_143, %scan3A_172 : i32
        %broadcast_in_dim3A_174 = arith.constant 0 : i32
        %broadcast_in_dim3A_175 = vector.broadcast %broadcast_in_dim3A_174 : i32 to vector<16xi32>
        %mul3A_176 = arith.constant 16 : i32
        %mul3A_177 = arith.muli %scan3A_173, %mul3A_176 : i32
        %swap3A_178 = arith.index_cast %mul3A_177 : i32 to index
        %swap3A_179 = tpu.vector_load %arg13[%swap3A_178] {strides = array<i32>} : memref<1024xi32, #tpu.memory_space<vmem>>, vector<16xi32>,
        tpu.vector_store %arg13[%swap3A_178], %broadcast_in_dim3A_175 {strides = array<i32>} : memref<1024xi32, #tpu.memory_space<vmem>>, vector<16xi32>,
        %scan3A_180 = arith.constant 5 : i32
        %scan3A_181 = arith.addi %scan3A_143, %scan3A_180 : i32
        %broadcast_in_dim3A_182 = arith.constant 0 : i32
        %broadcast_in_dim3A_183 = vector.broadcast %broadcast_in_dim3A_182 : i32 to vector<16xi32>
        %mul3A_184 = arith.constant 16 : i32
        %mul3A_185 = arith.muli %scan3A_181, %mul3A_184 : i32
        %swap3A_186 = arith.index_cast %mul3A_185 : i32 to index
        %swap3A_187 = tpu.vector_load %arg13[%swap3A_186] {strides = array<i32>} : memref<1024xi32, #tpu.memory_space<vmem>>, vector<16xi32>,
        tpu.vector_store %arg13[%swap3A_186], %broadcast_in_dim3A_183 {strides = array<i32>} : memref<1024xi32, #tpu.memory_space<vmem>>, vector<16xi32>,
        %scan3A_188 = arith.constant 6 : i32
        %scan3A_189 = arith.addi %scan3A_143, %scan3A_188 : i32
        %broadcast_in_dim3A_190 = arith.constant 0 : i32
        %broadcast_in_dim3A_191 = vector.broadcast %broadcast_in_dim3A_190 : i32 to vector<16xi32>
        %mul3A_192 = arith.constant 16 : i32
        %mul3A_193 = arith.muli %scan3A_189, %mul3A_192 : i32
        %swap3A_194 = arith.index_cast %mul3A_193 : i32 to index
        %swap3A_195 = tpu.vector_load %arg13[%swap3A_194] {strides = array<i32>} : memref<1024xi32, #tpu.memory_space<vmem>>, vector<16xi32>,
        tpu.vector_store %arg13[%swap3A_194], %broadcast_in_dim3A_191 {strides = array<i32>} : memref<1024xi32, #tpu.memory_space<vmem>>, vector<16xi32>,
        %scan3A_196 = arith.constant 7 : i32
        %scan3A_197 = arith.addi %scan3A_143, %scan3A_196 : i32
        %broadcast_in_dim3A_198 = arith.constant 0 : i32
        %broadcast_in_dim3A_199 = vector.broadcast %broadcast_in_dim3A_198 : i32 to vector<16xi32>
        %mul3A_200 = arith.constant 16 : i32
        %mul3A_201 = arith.muli %scan3A_197, %mul3A_200 : i32
        %swap3A_202 = arith.index_cast %mul3A_201 : i32 to index
        %swap3A_203 = tpu.vector_load %arg13[%swap3A_202] {strides = array<i32>} : memref<1024xi32, #tpu.memory_space<vmem>>, vector<16xi32>,
        tpu.vector_store %arg13[%swap3A_202], %broadcast_in_dim3A_199 {strides = array<i32>} : memref<1024xi32, #tpu.memory_space<vmem>>, vector<16xi32>,
      }
      %scan3A_38 = arith.constant 64 : i32
      %scan3A_39 = arith.constant 0 : i32
      %scan3A_40 = arith.constant 0 : i32
      %scan3A_41 = arith.constant 336 : i32
      %scan3A_42 = arith.addi %scan3A_40, %scan3A_41 : i32
      %scan3A_43 = arith.constant 4 : i32
      scf.for %scan3A_143 = %scan3A_40 to %scan3A_42 step %scan3A_43  : i32 {
        %mul3A_144 = arith.constant 16 : i32
        %mul3A_145 = arith.muli %scan3A_143, %mul3A_144 : i32
        %get3A = arith.index_cast %mul3A_145 : i32 to index
        %get3A_146 = tpu.vector_load %arg11[%get3A] {strides = array<i32>} : memref<5376xi32, #tpu.memory_space<vmem>>, vector<16xi32>,
        %shift_right_arithmetic3A = arith.constant 10 : i32
        %shift_right_arithmetic3A_147 = vector.broadcast %shift_right_arithmetic3A : i32 to vector<16xi32>
        %shift_right_arithmetic3A_148 = arith.shrsi %get3A_146, %shift_right_arithmetic3A_147 : vector<16xi32>
        %and3A = arith.constant 1023 : i32
        %and3A_149 = vector.broadcast %and3A : i32 to vector<16xi32>
        %and3A_150 = arith.andi %shift_right_arithmetic3A_148, %and3A_149 : vector<16xi32>
        %broadcast_in_dim3A = arith.constant true
        %broadcast_in_dim3A_151 = vector.broadcast %broadcast_in_dim3A : i1 to vector<16xi1>
        %unique3A, %unique3A_152 = tpu.scan_count mask(%broadcast_in_dim3A_151 : vector<16xi1>) value(%and3A_150 : vector<16xi32>) : vector<16xi1>, vector<16xi32>
        tpu.vector_store_idx %arg13[%and3A_150], %unique3A_152 masked %unique3A {add = true} : memref<1024xi32, #tpu.memory_space<vmem>>[vector<16xi32>], vector<16xi32>, vector<16xi1>
        %scan3A_153 = arith.constant 1 : i32
        %scan3A_154 = arith.addi %scan3A_143, %scan3A_153 : i32
        %mul3A_155 = arith.constant 16 : i32
        %mul3A_156 = arith.muli %scan3A_154, %mul3A_155 : i32
        %get3A_157 = arith.index_cast %mul3A_156 : i32 to index
        %get3A_158 = tpu.vector_load %arg11[%get3A_157] {strides = array<i32>} : memref<5376xi32, #tpu.memory_space<vmem>>, vector<16xi32>,
        %shift_right_arithmetic3A_159 = arith.constant 10 : i32
        %shift_right_arithmetic3A_160 = vector.broadcast %shift_right_arithmetic3A_159 : i32 to vector<16xi32>
        %shift_right_arithmetic3A_161 = arith.shrsi %get3A_158, %shift_right_arithmetic3A_160 : vector<16xi32>
        %and3A_162 = arith.constant 1023 : i32
        %and3A_163 = vector.broadcast %and3A_162 : i32 to vector<16xi32>
        %and3A_164 = arith.andi %shift_right_arithmetic3A_161, %and3A_163 : vector<16xi32>
        %broadcast_in_dim3A_165 = arith.constant true
        %broadcast_in_dim3A_166 = vector.broadcast %broadcast_in_dim3A_165 : i1 to vector<16xi1>
        %unique3A_167, %unique3A_168 = tpu.scan_count mask(%broadcast_in_dim3A_166 : vector<16xi1>) value(%and3A_164 : vector<16xi32>) : vector<16xi1>, vector<16xi32>
        tpu.vector_store_idx %arg13[%and3A_164], %unique3A_168 masked %unique3A_167 {add = true} : memref<1024xi32, #tpu.memory_space<vmem>>[vector<16xi32>], vector<16xi32>, vector<16xi1>
        %scan3A_169 = arith.constant 2 : i32
        %scan3A_170 = arith.addi %scan3A_143, %scan3A_169 : i32
        %mul3A_171 = arith.constant 16 : i32
        %mul3A_172 = arith.muli %scan3A_170, %mul3A_171 : i32
        %get3A_173 = arith.index_cast %mul3A_172 : i32 to index
        %get3A_174 = tpu.vector_load %arg11[%get3A_173] {strides = array<i32>} : memref<5376xi32, #tpu.memory_space<vmem>>, vector<16xi32>,
        %shift_right_arithmetic3A_175 = arith.constant 10 : i32
        %shift_right_arithmetic3A_176 = vector.broadcast %shift_right_arithmetic3A_175 : i32 to vector<16xi32>
        %shift_right_arithmetic3A_177 = arith.shrsi %get3A_174, %shift_right_arithmetic3A_176 : vector<16xi32>
        %and3A_178 = arith.constant 1023 : i32
        %and3A_179 = vector.broadcast %and3A_178 : i32 to vector<16xi32>
        %and3A_180 = arith.andi %shift_right_arithmetic3A_177, %and3A_179 : vector<16xi32>
        %broadcast_in_dim3A_181 = arith.constant true
        %broadcast_in_dim3A_182 = vector.broadcast %broadcast_in_dim3A_181 : i1 to vector<16xi1>
        %unique3A_183, %unique3A_184 = tpu.scan_count mask(%broadcast_in_dim3A_182 : vector<16xi1>) value(%and3A_180 : vector<16xi32>) : vector<16xi1>, vector<16xi32>
        tpu.vector_store_idx %arg13[%and3A_180], %unique3A_184 masked %unique3A_183 {add = true} : memref<1024xi32, #tpu.memory_space<vmem>>[vector<16xi32>], vector<16xi32>, vector<16xi1>
        %scan3A_185 = arith.constant 3 : i32
        %scan3A_186 = arith.addi %scan3A_143, %scan3A_185 : i32
        %mul3A_187 = arith.constant 16 : i32
        %mul3A_188 = arith.muli %scan3A_186, %mul3A_187 : i32
        %get3A_189 = arith.index_cast %mul3A_188 : i32 to index
        %get3A_190 = tpu.vector_load %arg11[%get3A_189] {strides = array<i32>} : memref<5376xi32, #tpu.memory_space<vmem>>, vector<16xi32>,
        %shift_right_arithmetic3A_191 = arith.constant 10 : i32
        %shift_right_arithmetic3A_192 = vector.broadcast %shift_right_arithmetic3A_191 : i32 to vector<16xi32>
        %shift_right_arithmetic3A_193 = arith.shrsi %get3A_190, %shift_right_arithmetic3A_192 : vector<16xi32>
        %and3A_194 = arith.constant 1023 : i32
        %and3A_195 = vector.broadcast %and3A_194 : i32 to vector<16xi32>
        %and3A_196 = arith.andi %shift_right_arithmetic3A_193, %and3A_195 : vector<16xi32>
        %broadcast_in_dim3A_197 = arith.constant true
        %broadcast_in_dim3A_198 = vector.broadcast %broadcast_in_dim3A_197 : i1 to vector<16xi1>
        %unique3A_199, %unique3A_200 = tpu.scan_count mask(%broadcast_in_dim3A_198 : vector<16xi1>) value(%and3A_196 : vector<16xi32>) : vector<16xi1>, vector<16xi32>
        tpu.vector_store_idx %arg13[%and3A_196], %unique3A_200 masked %unique3A_199 {add = true} : memref<1024xi32, #tpu.memory_space<vmem>>[vector<16xi32>], vector<16xi32>, vector<16xi1>
      }
      %scan3A_44 = arith.constant 336 : i32
      %scan3A_45 = arith.constant 0 : i32
      %scan3A_46 = arith.constant 0 : i32
      %scan3A_47 = arith.constant 64 : i32
      %scan3A_48 = arith.addi %scan3A_46, %scan3A_47 : i32
      %scan3A_49 = arith.constant 1 : i32
      %scan3A_50 = scf.for %scan3A_143 = %scan3A_46 to %scan3A_48 step %scan3A_49 iter_args(%scan3A_144 = %scan3A_45) -> (i32)  : i32 {
        %mul3A_145 = arith.constant 16 : i32
        %mul3A_146 = arith.muli %scan3A_143, %mul3A_145 : i32
        %get3A = arith.index_cast %mul3A_146 : i32 to index
        %get3A_147 = tpu.vector_load %arg13[%get3A] {strides = array<i32>} : memref<1024xi32, #tpu.memory_space<vmem>>, vector<16xi32>,
        %broadcast_in_dim3A = arith.constant true
        %broadcast_in_dim3A_148 = vector.broadcast %broadcast_in_dim3A : i1 to vector<16xi1>
        %masked_cumsum3A = tpu.scan <sum>, %get3A_147 masked %broadcast_in_dim3A_148 : vector<16xi32>, vector<16xi1> -> vector<16xi32>
        %sub3A = arith.subi %masked_cumsum3A, %get3A_147 : vector<16xi32>
        %add3A_149 = vector.broadcast %scan3A_144 : i32 to vector<16xi32>
        %add3A_150 = arith.addi %sub3A, %add3A_149 : vector<16xi32>
        %mul3A_151 = arith.constant 16 : i32
        %mul3A_152 = arith.muli %scan3A_143, %mul3A_151 : i32
        %swap3A = arith.index_cast %mul3A_152 : i32 to index
        %swap3A_153 = tpu.vector_load %arg13[%swap3A] {strides = array<i32>} : memref<1024xi32, #tpu.memory_space<vmem>>, vector<16xi32>,
        tpu.vector_store %arg13[%swap3A], %add3A_150 {strides = array<i32>} : memref<1024xi32, #tpu.memory_space<vmem>>, vector<16xi32>,
        %reduce_max3A = arith.constant true
        %reduce_max3A_154 = vector.broadcast %reduce_max3A : i1 to vector<16xi1>
        %reduce_max3A_155 = arith.constant -2147483648 : i32
        %reduce_max3A_156 = vector.broadcast %reduce_max3A_155 : i32 to vector<16xi32>
        %reduce_max3A_157 = arith.xori %masked_cumsum3A, %reduce_max3A_156 : vector<16xi32>
        %reduce_max3A_158 = tpu.scan <max>, %reduce_max3A_157 masked %reduce_max3A_154 : vector<16xi32>, vector<16xi1> -> vector<16xi32>
        %reduce_max3A_159 = arith.xori %reduce_max3A_158, %reduce_max3A_156 : vector<16xi32>
        %reduce_max3A_160 = vector.extract %reduce_max3A_159[15] : i32 from vector<16xi32>
        %add3A_161 = arith.addi %scan3A_144, %reduce_max3A_160 : i32
        scf.yield %add3A_161 : i32
      }
      %scan3A_51 = arith.constant 64 : i32
      %scan3A_52 = arith.constant 0 : i32
      %scan3A_53 = arith.constant 0 : i32
      %scan3A_54 = arith.constant 336 : i32
      %scan3A_55 = arith.addi %scan3A_53, %scan3A_54 : i32
      %scan3A_56 = arith.constant 4 : i32
      scf.for %scan3A_143 = %scan3A_53 to %scan3A_55 step %scan3A_56  : i32 {
        %mul3A_144 = arith.constant 16 : i32
        %mul3A_145 = arith.muli %scan3A_143, %mul3A_144 : i32
        %get3A = arith.index_cast %mul3A_145 : i32 to index
        %get3A_146 = tpu.vector_load %arg11[%get3A] {strides = array<i32>} : memref<5376xi32, #tpu.memory_space<vmem>>, vector<16xi32>,
        %get3A_147 = arith.index_cast %mul3A_145 : i32 to index
        %get3A_148 = tpu.vector_load %arg12[%get3A_147] {strides = array<i32>} : memref<5376xi32, #tpu.memory_space<vmem>>, vector<16xi32>,
        %shift_right_arithmetic3A = arith.constant 10 : i32
        %shift_right_arithmetic3A_149 = vector.broadcast %shift_right_arithmetic3A : i32 to vector<16xi32>
        %shift_right_arithmetic3A_150 = arith.shrsi %get3A_146, %shift_right_arithmetic3A_149 : vector<16xi32>
        %and3A = arith.constant 1023 : i32
        %and3A_151 = vector.broadcast %and3A : i32 to vector<16xi32>
        %and3A_152 = arith.andi %shift_right_arithmetic3A_150, %and3A_151 : vector<16xi32>
        %broadcast_in_dim3A = arith.constant true
        %broadcast_in_dim3A_153 = vector.broadcast %broadcast_in_dim3A : i1 to vector<16xi1>
        %unique3A, %unique3A_154 = tpu.scan_count mask(%broadcast_in_dim3A_153 : vector<16xi1>) value(%and3A_152 : vector<16xi32>) : vector<16xi1>, vector<16xi32>
        %gather3A = tpu.vector_load_idx %arg13[%and3A_152] : memref<1024xi32, #tpu.memory_space<vmem>>[vector<16xi32>], vector<16xi32>,
        %add3A_155 = arith.addi %gather3A, %unique3A_154 : vector<16xi32>
        %sub3A = arith.constant 1 : i32
        %sub3A_156 = vector.broadcast %sub3A : i32 to vector<16xi32>
        %sub3A_157 = arith.subi %add3A_155, %sub3A_156 : vector<16xi32>
        tpu.vector_store_idx %arg9[%sub3A_157], %get3A_146 : memref<5376xi32, #tpu.memory_space<vmem>>[vector<16xi32>], vector<16xi32>,
        tpu.vector_store_idx %arg10[%sub3A_157], %get3A_148 : memref<5376xi32, #tpu.memory_space<vmem>>[vector<16xi32>], vector<16xi32>,
        tpu.vector_store_idx %arg13[%and3A_152], %unique3A_154 masked %unique3A {add = true} : memref<1024xi32, #tpu.memory_space<vmem>>[vector<16xi32>], vector<16xi32>, vector<16xi1>
        %scan3A_158 = arith.constant 1 : i32
        %scan3A_159 = arith.addi %scan3A_143, %scan3A_158 : i32
        %mul3A_160 = arith.constant 16 : i32
        %mul3A_161 = arith.muli %scan3A_159, %mul3A_160 : i32
        %get3A_162 = arith.index_cast %mul3A_161 : i32 to index
        %get3A_163 = tpu.vector_load %arg11[%get3A_162] {strides = array<i32>} : memref<5376xi32, #tpu.memory_space<vmem>>, vector<16xi32>,
        %get3A_164 = arith.index_cast %mul3A_161 : i32 to index
        %get3A_165 = tpu.vector_load %arg12[%get3A_164] {strides = array<i32>} : memref<5376xi32, #tpu.memory_space<vmem>>, vector<16xi32>,
        %shift_right_arithmetic3A_166 = arith.constant 10 : i32
        %shift_right_arithmetic3A_167 = vector.broadcast %shift_right_arithmetic3A_166 : i32 to vector<16xi32>
        %shift_right_arithmetic3A_168 = arith.shrsi %get3A_163, %shift_right_arithmetic3A_167 : vector<16xi32>
        %and3A_169 = arith.constant 1023 : i32
        %and3A_170 = vector.broadcast %and3A_169 : i32 to vector<16xi32>
        %and3A_171 = arith.andi %shift_right_arithmetic3A_168, %and3A_170 : vector<16xi32>
        %broadcast_in_dim3A_172 = arith.constant true
        %broadcast_in_dim3A_173 = vector.broadcast %broadcast_in_dim3A_172 : i1 to vector<16xi1>
        %unique3A_174, %unique3A_175 = tpu.scan_count mask(%broadcast_in_dim3A_173 : vector<16xi1>) value(%and3A_171 : vector<16xi32>) : vector<16xi1>, vector<16xi32>
        %gather3A_176 = tpu.vector_load_idx %arg13[%and3A_171] : memref<1024xi32, #tpu.memory_space<vmem>>[vector<16xi32>], vector<16xi32>,
        %add3A_177 = arith.addi %gather3A_176, %unique3A_175 : vector<16xi32>
        %sub3A_178 = arith.constant 1 : i32
        %sub3A_179 = vector.broadcast %sub3A_178 : i32 to vector<16xi32>
        %sub3A_180 = arith.subi %add3A_177, %sub3A_179 : vector<16xi32>
        tpu.vector_store_idx %arg9[%sub3A_180], %get3A_163 : memref<5376xi32, #tpu.memory_space<vmem>>[vector<16xi32>], vector<16xi32>,
        tpu.vector_store_idx %arg10[%sub3A_180], %get3A_165 : memref<5376xi32, #tpu.memory_space<vmem>>[vector<16xi32>], vector<16xi32>,
        tpu.vector_store_idx %arg13[%and3A_171], %unique3A_175 masked %unique3A_174 {add = true} : memref<1024xi32, #tpu.memory_space<vmem>>[vector<16xi32>], vector<16xi32>, vector<16xi1>
        %scan3A_181 = arith.constant 2 : i32
        %scan3A_182 = arith.addi %scan3A_143, %scan3A_181 : i32
        %mul3A_183 = arith.constant 16 : i32
        %mul3A_184 = arith.muli %scan3A_182, %mul3A_183 : i32
        %get3A_185 = arith.index_cast %mul3A_184 : i32 to index
        %get3A_186 = tpu.vector_load %arg11[%get3A_185] {strides = array<i32>} : memref<5376xi32, #tpu.memory_space<vmem>>, vector<16xi32>,
        %get3A_187 = arith.index_cast %mul3A_184 : i32 to index
        %get3A_188 = tpu.vector_load %arg12[%get3A_187] {strides = array<i32>} : memref<5376xi32, #tpu.memory_space<vmem>>, vector<16xi32>,
        %shift_right_arithmetic3A_189 = arith.constant 10 : i32
        %shift_right_arithmetic3A_190 = vector.broadcast %shift_right_arithmetic3A_189 : i32 to vector<16xi32>
        %shift_right_arithmetic3A_191 = arith.shrsi %get3A_186, %shift_right_arithmetic3A_190 : vector<16xi32>
        %and3A_192 = arith.constant 1023 : i32
        %and3A_193 = vector.broadcast %and3A_192 : i32 to vector<16xi32>
        %and3A_194 = arith.andi %shift_right_arithmetic3A_191, %and3A_193 : vector<16xi32>
        %broadcast_in_dim3A_195 = arith.constant true
        %broadcast_in_dim3A_196 = vector.broadcast %broadcast_in_dim3A_195 : i1 to vector<16xi1>
        %unique3A_197, %unique3A_198 = tpu.scan_count mask(%broadcast_in_dim3A_196 : vector<16xi1>) value(%and3A_194 : vector<16xi32>) : vector<16xi1>, vector<16xi32>
        %gather3A_199 = tpu.vector_load_idx %arg13[%and3A_194] : memref<1024xi32, #tpu.memory_space<vmem>>[vector<16xi32>], vector<16xi32>,
        %add3A_200 = arith.addi %gather3A_199, %unique3A_198 : vector<16xi32>
        %sub3A_201 = arith.constant 1 : i32
        %sub3A_202 = vector.broadcast %sub3A_201 : i32 to vector<16xi32>
        %sub3A_203 = arith.subi %add3A_200, %sub3A_202 : vector<16xi32>
        tpu.vector_store_idx %arg9[%sub3A_203], %get3A_186 : memref<5376xi32, #tpu.memory_space<vmem>>[vector<16xi32>], vector<16xi32>,
        tpu.vector_store_idx %arg10[%sub3A_203], %get3A_188 : memref<5376xi32, #tpu.memory_space<vmem>>[vector<16xi32>], vector<16xi32>,
        tpu.vector_store_idx %arg13[%and3A_194], %unique3A_198 masked %unique3A_197 {add = true} : memref<1024xi32, #tpu.memory_space<vmem>>[vector<16xi32>], vector<16xi32>, vector<16xi1>
        %scan3A_204 = arith.constant 3 : i32
        %scan3A_205 = arith.addi %scan3A_143, %scan3A_204 : i32
        %mul3A_206 = arith.constant 16 : i32
        %mul3A_207 = arith.muli %scan3A_205, %mul3A_206 : i32
        %get3A_208 = arith.index_cast %mul3A_207 : i32 to index
        %get3A_209 = tpu.vector_load %arg11[%get3A_208] {strides = array<i32>} : memref<5376xi32, #tpu.memory_space<vmem>>, vector<16xi32>,
        %get3A_210 = arith.index_cast %mul3A_207 : i32 to index
        %get3A_211 = tpu.vector_load %arg12[%get3A_210] {strides = array<i32>} : memref<5376xi32, #tpu.memory_space<vmem>>, vector<16xi32>,
        %shift_right_arithmetic3A_212 = arith.constant 10 : i32
        %shift_right_arithmetic3A_213 = vector.broadcast %shift_right_arithmetic3A_212 : i32 to vector<16xi32>
        %shift_right_arithmetic3A_214 = arith.shrsi %get3A_209, %shift_right_arithmetic3A_213 : vector<16xi32>
        %and3A_215 = arith.constant 1023 : i32
        %and3A_216 = vector.broadcast %and3A_215 : i32 to vector<16xi32>
        %and3A_217 = arith.andi %shift_right_arithmetic3A_214, %and3A_216 : vector<16xi32>
        %broadcast_in_dim3A_218 = arith.constant true
        %broadcast_in_dim3A_219 = vector.broadcast %broadcast_in_dim3A_218 : i1 to vector<16xi1>
        %unique3A_220, %unique3A_221 = tpu.scan_count mask(%broadcast_in_dim3A_219 : vector<16xi1>) value(%and3A_217 : vector<16xi32>) : vector<16xi1>, vector<16xi32>
        %gather3A_222 = tpu.vector_load_idx %arg13[%and3A_217] : memref<1024xi32, #tpu.memory_space<vmem>>[vector<16xi32>], vector<16xi32>,
        %add3A_223 = arith.addi %gather3A_222, %unique3A_221 : vector<16xi32>
        %sub3A_224 = arith.constant 1 : i32
        %sub3A_225 = vector.broadcast %sub3A_224 : i32 to vector<16xi32>
        %sub3A_226 = arith.subi %add3A_223, %sub3A_225 : vector<16xi32>
        tpu.vector_store_idx %arg9[%sub3A_226], %get3A_209 : memref<5376xi32, #tpu.memory_space<vmem>>[vector<16xi32>], vector<16xi32>,
        tpu.vector_store_idx %arg10[%sub3A_226], %get3A_211 : memref<5376xi32, #tpu.memory_space<vmem>>[vector<16xi32>], vector<16xi32>,
        tpu.vector_store_idx %arg13[%and3A_217], %unique3A_221 masked %unique3A_220 {add = true} : memref<1024xi32, #tpu.memory_space<vmem>>[vector<16xi32>], vector<16xi32>, vector<16xi1>
      }
      %scan3A_57 = arith.constant 336 : i32
      %scan3A_58 = arith.constant 0 : i32
      %scan3A_59 = arith.constant 0 : i32
      %scan3A_60 = arith.constant 64 : i32
      %scan3A_61 = arith.addi %scan3A_59, %scan3A_60 : i32
      %scan3A_62 = arith.constant 8 : i32
      scf.for %scan3A_143 = %scan3A_59 to %scan3A_61 step %scan3A_62  : i32 {
        %broadcast_in_dim3A = arith.constant 0 : i32
        %broadcast_in_dim3A_144 = vector.broadcast %broadcast_in_dim3A : i32 to vector<16xi32>
        %mul3A_145 = arith.constant 16 : i32
        %mul3A_146 = arith.muli %scan3A_143, %mul3A_145 : i32
        %swap3A = arith.index_cast %mul3A_146 : i32 to index
        %swap3A_147 = tpu.vector_load %arg13[%swap3A] {strides = array<i32>} : memref<1024xi32, #tpu.memory_space<vmem>>, vector<16xi32>,
        tpu.vector_store %arg13[%swap3A], %broadcast_in_dim3A_144 {strides = array<i32>} : memref<1024xi32, #tpu.memory_space<vmem>>, vector<16xi32>,
        %scan3A_148 = arith.constant 1 : i32
        %scan3A_149 = arith.addi %scan3A_143, %scan3A_148 : i32
        %broadcast_in_dim3A_150 = arith.constant 0 : i32
        %broadcast_in_dim3A_151 = vector.broadcast %broadcast_in_dim3A_150 : i32 to vector<16xi32>
        %mul3A_152 = arith.constant 16 : i32
        %mul3A_153 = arith.muli %scan3A_149, %mul3A_152 : i32
        %swap3A_154 = arith.index_cast %mul3A_153 : i32 to index
        %swap3A_155 = tpu.vector_load %arg13[%swap3A_154] {strides = array<i32>} : memref<1024xi32, #tpu.memory_space<vmem>>, vector<16xi32>,
        tpu.vector_store %arg13[%swap3A_154], %broadcast_in_dim3A_151 {strides = array<i32>} : memref<1024xi32, #tpu.memory_space<vmem>>, vector<16xi32>,
        %scan3A_156 = arith.constant 2 : i32
        %scan3A_157 = arith.addi %scan3A_143, %scan3A_156 : i32
        %broadcast_in_dim3A_158 = arith.constant 0 : i32
        %broadcast_in_dim3A_159 = vector.broadcast %broadcast_in_dim3A_158 : i32 to vector<16xi32>
        %mul3A_160 = arith.constant 16 : i32
        %mul3A_161 = arith.muli %scan3A_157, %mul3A_160 : i32
        %swap3A_162 = arith.index_cast %mul3A_161 : i32 to index
        %swap3A_163 = tpu.vector_load %arg13[%swap3A_162] {strides = array<i32>} : memref<1024xi32, #tpu.memory_space<vmem>>, vector<16xi32>,
        tpu.vector_store %arg13[%swap3A_162], %broadcast_in_dim3A_159 {strides = array<i32>} : memref<1024xi32, #tpu.memory_space<vmem>>, vector<16xi32>,
        %scan3A_164 = arith.constant 3 : i32
        %scan3A_165 = arith.addi %scan3A_143, %scan3A_164 : i32
        %broadcast_in_dim3A_166 = arith.constant 0 : i32
        %broadcast_in_dim3A_167 = vector.broadcast %broadcast_in_dim3A_166 : i32 to vector<16xi32>
        %mul3A_168 = arith.constant 16 : i32
        %mul3A_169 = arith.muli %scan3A_165, %mul3A_168 : i32
        %swap3A_170 = arith.index_cast %mul3A_169 : i32 to index
        %swap3A_171 = tpu.vector_load %arg13[%swap3A_170] {strides = array<i32>} : memref<1024xi32, #tpu.memory_space<vmem>>, vector<16xi32>,
        tpu.vector_store %arg13[%swap3A_170], %broadcast_in_dim3A_167 {strides = array<i32>} : memref<1024xi32, #tpu.memory_space<vmem>>, vector<16xi32>,
        %scan3A_172 = arith.constant 4 : i32
        %scan3A_173 = arith.addi %scan3A_143, %scan3A_172 : i32
        %broadcast_in_dim3A_174 = arith.constant 0 : i32
        %broadcast_in_dim3A_175 = vector.broadcast %broadcast_in_dim3A_174 : i32 to vector<16xi32>
        %mul3A_176 = arith.constant 16 : i32
        %mul3A_177 = arith.muli %scan3A_173, %mul3A_176 : i32
        %swap3A_178 = arith.index_cast %mul3A_177 : i32 to index
        %swap3A_179 = tpu.vector_load %arg13[%swap3A_178] {strides = array<i32>} : memref<1024xi32, #tpu.memory_space<vmem>>, vector<16xi32>,
        tpu.vector_store %arg13[%swap3A_178], %broadcast_in_dim3A_175 {strides = array<i32>} : memref<1024xi32, #tpu.memory_space<vmem>>, vector<16xi32>,
        %scan3A_180 = arith.constant 5 : i32
        %scan3A_181 = arith.addi %scan3A_143, %scan3A_180 : i32
        %broadcast_in_dim3A_182 = arith.constant 0 : i32
        %broadcast_in_dim3A_183 = vector.broadcast %broadcast_in_dim3A_182 : i32 to vector<16xi32>
        %mul3A_184 = arith.constant 16 : i32
        %mul3A_185 = arith.muli %scan3A_181, %mul3A_184 : i32
        %swap3A_186 = arith.index_cast %mul3A_185 : i32 to index
        %swap3A_187 = tpu.vector_load %arg13[%swap3A_186] {strides = array<i32>} : memref<1024xi32, #tpu.memory_space<vmem>>, vector<16xi32>,
        tpu.vector_store %arg13[%swap3A_186], %broadcast_in_dim3A_183 {strides = array<i32>} : memref<1024xi32, #tpu.memory_space<vmem>>, vector<16xi32>,
        %scan3A_188 = arith.constant 6 : i32
        %scan3A_189 = arith.addi %scan3A_143, %scan3A_188 : i32
        %broadcast_in_dim3A_190 = arith.constant 0 : i32
        %broadcast_in_dim3A_191 = vector.broadcast %broadcast_in_dim3A_190 : i32 to vector<16xi32>
        %mul3A_192 = arith.constant 16 : i32
        %mul3A_193 = arith.muli %scan3A_189, %mul3A_192 : i32
        %swap3A_194 = arith.index_cast %mul3A_193 : i32 to index
        %swap3A_195 = tpu.vector_load %arg13[%swap3A_194] {strides = array<i32>} : memref<1024xi32, #tpu.memory_space<vmem>>, vector<16xi32>,
        tpu.vector_store %arg13[%swap3A_194], %broadcast_in_dim3A_191 {strides = array<i32>} : memref<1024xi32, #tpu.memory_space<vmem>>, vector<16xi32>,
        %scan3A_196 = arith.constant 7 : i32
        %scan3A_197 = arith.addi %scan3A_143, %scan3A_196 : i32
        %broadcast_in_dim3A_198 = arith.constant 0 : i32
        %broadcast_in_dim3A_199 = vector.broadcast %broadcast_in_dim3A_198 : i32 to vector<16xi32>
        %mul3A_200 = arith.constant 16 : i32
        %mul3A_201 = arith.muli %scan3A_197, %mul3A_200 : i32
        %swap3A_202 = arith.index_cast %mul3A_201 : i32 to index
        %swap3A_203 = tpu.vector_load %arg13[%swap3A_202] {strides = array<i32>} : memref<1024xi32, #tpu.memory_space<vmem>>, vector<16xi32>,
        tpu.vector_store %arg13[%swap3A_202], %broadcast_in_dim3A_199 {strides = array<i32>} : memref<1024xi32, #tpu.memory_space<vmem>>, vector<16xi32>,
      }
      %scan3A_63 = arith.constant 64 : i32
      %scan3A_64 = arith.constant 0 : i32
      %scan3A_65 = arith.constant 0 : i32
      %scan3A_66 = arith.constant 336 : i32
      %scan3A_67 = arith.addi %scan3A_65, %scan3A_66 : i32
      %scan3A_68 = arith.constant 4 : i32
      scf.for %scan3A_143 = %scan3A_65 to %scan3A_67 step %scan3A_68  : i32 {
        %mul3A_144 = arith.constant 16 : i32
        %mul3A_145 = arith.muli %scan3A_143, %mul3A_144 : i32
        %get3A = arith.index_cast %mul3A_145 : i32 to index
        %get3A_146 = tpu.vector_load %arg9[%get3A] {strides = array<i32>} : memref<5376xi32, #tpu.memory_space<vmem>>, vector<16xi32>,
        %shift_right_arithmetic3A = arith.constant 20 : i32
        %shift_right_arithmetic3A_147 = vector.broadcast %shift_right_arithmetic3A : i32 to vector<16xi32>
        %shift_right_arithmetic3A_148 = arith.shrsi %get3A_146, %shift_right_arithmetic3A_147 : vector<16xi32>
        %and3A = arith.constant 1023 : i32
        %and3A_149 = vector.broadcast %and3A : i32 to vector<16xi32>
        %and3A_150 = arith.andi %shift_right_arithmetic3A_148, %and3A_149 : vector<16xi32>
        %broadcast_in_dim3A = arith.constant true
        %broadcast_in_dim3A_151 = vector.broadcast %broadcast_in_dim3A : i1 to vector<16xi1>
        %unique3A, %unique3A_152 = tpu.scan_count mask(%broadcast_in_dim3A_151 : vector<16xi1>) value(%and3A_150 : vector<16xi32>) : vector<16xi1>, vector<16xi32>
        tpu.vector_store_idx %arg13[%and3A_150], %unique3A_152 masked %unique3A {add = true} : memref<1024xi32, #tpu.memory_space<vmem>>[vector<16xi32>], vector<16xi32>, vector<16xi1>
        %scan3A_153 = arith.constant 1 : i32
        %scan3A_154 = arith.addi %scan3A_143, %scan3A_153 : i32
        %mul3A_155 = arith.constant 16 : i32
        %mul3A_156 = arith.muli %scan3A_154, %mul3A_155 : i32
        %get3A_157 = arith.index_cast %mul3A_156 : i32 to index
        %get3A_158 = tpu.vector_load %arg9[%get3A_157] {strides = array<i32>} : memref<5376xi32, #tpu.memory_space<vmem>>, vector<16xi32>,
        %shift_right_arithmetic3A_159 = arith.constant 20 : i32
        %shift_right_arithmetic3A_160 = vector.broadcast %shift_right_arithmetic3A_159 : i32 to vector<16xi32>
        %shift_right_arithmetic3A_161 = arith.shrsi %get3A_158, %shift_right_arithmetic3A_160 : vector<16xi32>
        %and3A_162 = arith.constant 1023 : i32
        %and3A_163 = vector.broadcast %and3A_162 : i32 to vector<16xi32>
        %and3A_164 = arith.andi %shift_right_arithmetic3A_161, %and3A_163 : vector<16xi32>
        %broadcast_in_dim3A_165 = arith.constant true
        %broadcast_in_dim3A_166 = vector.broadcast %broadcast_in_dim3A_165 : i1 to vector<16xi1>
        %unique3A_167, %unique3A_168 = tpu.scan_count mask(%broadcast_in_dim3A_166 : vector<16xi1>) value(%and3A_164 : vector<16xi32>) : vector<16xi1>, vector<16xi32>
        tpu.vector_store_idx %arg13[%and3A_164], %unique3A_168 masked %unique3A_167 {add = true} : memref<1024xi32, #tpu.memory_space<vmem>>[vector<16xi32>], vector<16xi32>, vector<16xi1>
        %scan3A_169 = arith.constant 2 : i32
        %scan3A_170 = arith.addi %scan3A_143, %scan3A_169 : i32
        %mul3A_171 = arith.constant 16 : i32
        %mul3A_172 = arith.muli %scan3A_170, %mul3A_171 : i32
        %get3A_173 = arith.index_cast %mul3A_172 : i32 to index
        %get3A_174 = tpu.vector_load %arg9[%get3A_173] {strides = array<i32>} : memref<5376xi32, #tpu.memory_space<vmem>>, vector<16xi32>,
        %shift_right_arithmetic3A_175 = arith.constant 20 : i32
        %shift_right_arithmetic3A_176 = vector.broadcast %shift_right_arithmetic3A_175 : i32 to vector<16xi32>
        %shift_right_arithmetic3A_177 = arith.shrsi %get3A_174, %shift_right_arithmetic3A_176 : vector<16xi32>
        %and3A_178 = arith.constant 1023 : i32
        %and3A_179 = vector.broadcast %and3A_178 : i32 to vector<16xi32>
        %and3A_180 = arith.andi %shift_right_arithmetic3A_177, %and3A_179 : vector<16xi32>
        %broadcast_in_dim3A_181 = arith.constant true
        %broadcast_in_dim3A_182 = vector.broadcast %broadcast_in_dim3A_181 : i1 to vector<16xi1>
        %unique3A_183, %unique3A_184 = tpu.scan_count mask(%broadcast_in_dim3A_182 : vector<16xi1>) value(%and3A_180 : vector<16xi32>) : vector<16xi1>, vector<16xi32>
        tpu.vector_store_idx %arg13[%and3A_180], %unique3A_184 masked %unique3A_183 {add = true} : memref<1024xi32, #tpu.memory_space<vmem>>[vector<16xi32>], vector<16xi32>, vector<16xi1>
        %scan3A_185 = arith.constant 3 : i32
        %scan3A_186 = arith.addi %scan3A_143, %scan3A_185 : i32
        %mul3A_187 = arith.constant 16 : i32
        %mul3A_188 = arith.muli %scan3A_186, %mul3A_187 : i32
        %get3A_189 = arith.index_cast %mul3A_188 : i32 to index
        %get3A_190 = tpu.vector_load %arg9[%get3A_189] {strides = array<i32>} : memref<5376xi32, #tpu.memory_space<vmem>>, vector<16xi32>,
        %shift_right_arithmetic3A_191 = arith.constant 20 : i32
        %shift_right_arithmetic3A_192 = vector.broadcast %shift_right_arithmetic3A_191 : i32 to vector<16xi32>
        %shift_right_arithmetic3A_193 = arith.shrsi %get3A_190, %shift_right_arithmetic3A_192 : vector<16xi32>
        %and3A_194 = arith.constant 1023 : i32
        %and3A_195 = vector.broadcast %and3A_194 : i32 to vector<16xi32>
        %and3A_196 = arith.andi %shift_right_arithmetic3A_193, %and3A_195 : vector<16xi32>
        %broadcast_in_dim3A_197 = arith.constant true
        %broadcast_in_dim3A_198 = vector.broadcast %broadcast_in_dim3A_197 : i1 to vector<16xi1>
        %unique3A_199, %unique3A_200 = tpu.scan_count mask(%broadcast_in_dim3A_198 : vector<16xi1>) value(%and3A_196 : vector<16xi32>) : vector<16xi1>, vector<16xi32>
        tpu.vector_store_idx %arg13[%and3A_196], %unique3A_200 masked %unique3A_199 {add = true} : memref<1024xi32, #tpu.memory_space<vmem>>[vector<16xi32>], vector<16xi32>, vector<16xi1>
      }
      %scan3A_69 = arith.constant 336 : i32
      %scan3A_70 = arith.constant 0 : i32
      %scan3A_71 = arith.constant 0 : i32
      %scan3A_72 = arith.constant 64 : i32
      %scan3A_73 = arith.addi %scan3A_71, %scan3A_72 : i32
      %scan3A_74 = arith.constant 1 : i32
      %scan3A_75 = scf.for %scan3A_143 = %scan3A_71 to %scan3A_73 step %scan3A_74 iter_args(%scan3A_144 = %scan3A_70) -> (i32)  : i32 {
        %mul3A_145 = arith.constant 16 : i32
        %mul3A_146 = arith.muli %scan3A_143, %mul3A_145 : i32
        %get3A = arith.index_cast %mul3A_146 : i32 to index
        %get3A_147 = tpu.vector_load %arg13[%get3A] {strides = array<i32>} : memref<1024xi32, #tpu.memory_space<vmem>>, vector<16xi32>,
        %broadcast_in_dim3A = arith.constant true
        %broadcast_in_dim3A_148 = vector.broadcast %broadcast_in_dim3A : i1 to vector<16xi1>
        %masked_cumsum3A = tpu.scan <sum>, %get3A_147 masked %broadcast_in_dim3A_148 : vector<16xi32>, vector<16xi1> -> vector<16xi32>
        %sub3A = arith.subi %masked_cumsum3A, %get3A_147 : vector<16xi32>
        %add3A_149 = vector.broadcast %scan3A_144 : i32 to vector<16xi32>
        %add3A_150 = arith.addi %sub3A, %add3A_149 : vector<16xi32>
        %mul3A_151 = arith.constant 16 : i32
        %mul3A_152 = arith.muli %scan3A_143, %mul3A_151 : i32
        %swap3A = arith.index_cast %mul3A_152 : i32 to index
        %swap3A_153 = tpu.vector_load %arg13[%swap3A] {strides = array<i32>} : memref<1024xi32, #tpu.memory_space<vmem>>, vector<16xi32>,
        tpu.vector_store %arg13[%swap3A], %add3A_150 {strides = array<i32>} : memref<1024xi32, #tpu.memory_space<vmem>>, vector<16xi32>,
        %reduce_max3A = arith.constant true
        %reduce_max3A_154 = vector.broadcast %reduce_max3A : i1 to vector<16xi1>
        %reduce_max3A_155 = arith.constant -2147483648 : i32
        %reduce_max3A_156 = vector.broadcast %reduce_max3A_155 : i32 to vector<16xi32>
        %reduce_max3A_157 = arith.xori %masked_cumsum3A, %reduce_max3A_156 : vector<16xi32>
        %reduce_max3A_158 = tpu.scan <max>, %reduce_max3A_157 masked %reduce_max3A_154 : vector<16xi32>, vector<16xi1> -> vector<16xi32>
        %reduce_max3A_159 = arith.xori %reduce_max3A_158, %reduce_max3A_156 : vector<16xi32>
        %reduce_max3A_160 = vector.extract %reduce_max3A_159[15] : i32 from vector<16xi32>
        %add3A_161 = arith.addi %scan3A_144, %reduce_max3A_160 : i32
        scf.yield %add3A_161 : i32
      }
      %scan3A_76 = arith.constant 64 : i32
      %scan3A_77 = arith.constant 0 : i32
      %scan3A_78 = arith.constant 0 : i32
      %scan3A_79 = arith.constant 336 : i32
      %scan3A_80 = arith.addi %scan3A_78, %scan3A_79 : i32
      %scan3A_81 = arith.constant 4 : i32
      scf.for %scan3A_143 = %scan3A_78 to %scan3A_80 step %scan3A_81  : i32 {
        %mul3A_144 = arith.constant 16 : i32
        %mul3A_145 = arith.muli %scan3A_143, %mul3A_144 : i32
        %get3A = arith.index_cast %mul3A_145 : i32 to index
        %get3A_146 = tpu.vector_load %arg9[%get3A] {strides = array<i32>} : memref<5376xi32, #tpu.memory_space<vmem>>, vector<16xi32>,
        %get3A_147 = arith.index_cast %mul3A_145 : i32 to index
        %get3A_148 = tpu.vector_load %arg10[%get3A_147] {strides = array<i32>} : memref<5376xi32, #tpu.memory_space<vmem>>, vector<16xi32>,
        %shift_right_arithmetic3A = arith.constant 20 : i32
        %shift_right_arithmetic3A_149 = vector.broadcast %shift_right_arithmetic3A : i32 to vector<16xi32>
        %shift_right_arithmetic3A_150 = arith.shrsi %get3A_146, %shift_right_arithmetic3A_149 : vector<16xi32>
        %and3A = arith.constant 1023 : i32
        %and3A_151 = vector.broadcast %and3A : i32 to vector<16xi32>
        %and3A_152 = arith.andi %shift_right_arithmetic3A_150, %and3A_151 : vector<16xi32>
        %broadcast_in_dim3A = arith.constant true
        %broadcast_in_dim3A_153 = vector.broadcast %broadcast_in_dim3A : i1 to vector<16xi1>
        %unique3A, %unique3A_154 = tpu.scan_count mask(%broadcast_in_dim3A_153 : vector<16xi1>) value(%and3A_152 : vector<16xi32>) : vector<16xi1>, vector<16xi32>
        %gather3A = tpu.vector_load_idx %arg13[%and3A_152] : memref<1024xi32, #tpu.memory_space<vmem>>[vector<16xi32>], vector<16xi32>,
        %add3A_155 = arith.addi %gather3A, %unique3A_154 : vector<16xi32>
        %sub3A = arith.constant 1 : i32
        %sub3A_156 = vector.broadcast %sub3A : i32 to vector<16xi32>
        %sub3A_157 = arith.subi %add3A_155, %sub3A_156 : vector<16xi32>
        tpu.vector_store_idx %arg11[%sub3A_157], %get3A_146 : memref<5376xi32, #tpu.memory_space<vmem>>[vector<16xi32>], vector<16xi32>,
        tpu.vector_store_idx %arg12[%sub3A_157], %get3A_148 : memref<5376xi32, #tpu.memory_space<vmem>>[vector<16xi32>], vector<16xi32>,
        tpu.vector_store_idx %arg13[%and3A_152], %unique3A_154 masked %unique3A {add = true} : memref<1024xi32, #tpu.memory_space<vmem>>[vector<16xi32>], vector<16xi32>, vector<16xi1>
        %scan3A_158 = arith.constant 1 : i32
        %scan3A_159 = arith.addi %scan3A_143, %scan3A_158 : i32
        %mul3A_160 = arith.constant 16 : i32
        %mul3A_161 = arith.muli %scan3A_159, %mul3A_160 : i32
        %get3A_162 = arith.index_cast %mul3A_161 : i32 to index
        %get3A_163 = tpu.vector_load %arg9[%get3A_162] {strides = array<i32>} : memref<5376xi32, #tpu.memory_space<vmem>>, vector<16xi32>,
        %get3A_164 = arith.index_cast %mul3A_161 : i32 to index
        %get3A_165 = tpu.vector_load %arg10[%get3A_164] {strides = array<i32>} : memref<5376xi32, #tpu.memory_space<vmem>>, vector<16xi32>,
        %shift_right_arithmetic3A_166 = arith.constant 20 : i32
        %shift_right_arithmetic3A_167 = vector.broadcast %shift_right_arithmetic3A_166 : i32 to vector<16xi32>
        %shift_right_arithmetic3A_168 = arith.shrsi %get3A_163, %shift_right_arithmetic3A_167 : vector<16xi32>
        %and3A_169 = arith.constant 1023 : i32
        %and3A_170 = vector.broadcast %and3A_169 : i32 to vector<16xi32>
        %and3A_171 = arith.andi %shift_right_arithmetic3A_168, %and3A_170 : vector<16xi32>
        %broadcast_in_dim3A_172 = arith.constant true
        %broadcast_in_dim3A_173 = vector.broadcast %broadcast_in_dim3A_172 : i1 to vector<16xi1>
        %unique3A_174, %unique3A_175 = tpu.scan_count mask(%broadcast_in_dim3A_173 : vector<16xi1>) value(%and3A_171 : vector<16xi32>) : vector<16xi1>, vector<16xi32>
        %gather3A_176 = tpu.vector_load_idx %arg13[%and3A_171] : memref<1024xi32, #tpu.memory_space<vmem>>[vector<16xi32>], vector<16xi32>,
        %add3A_177 = arith.addi %gather3A_176, %unique3A_175 : vector<16xi32>
        %sub3A_178 = arith.constant 1 : i32
        %sub3A_179 = vector.broadcast %sub3A_178 : i32 to vector<16xi32>
        %sub3A_180 = arith.subi %add3A_177, %sub3A_179 : vector<16xi32>
        tpu.vector_store_idx %arg11[%sub3A_180], %get3A_163 : memref<5376xi32, #tpu.memory_space<vmem>>[vector<16xi32>], vector<16xi32>,
        tpu.vector_store_idx %arg12[%sub3A_180], %get3A_165 : memref<5376xi32, #tpu.memory_space<vmem>>[vector<16xi32>], vector<16xi32>,
        tpu.vector_store_idx %arg13[%and3A_171], %unique3A_175 masked %unique3A_174 {add = true} : memref<1024xi32, #tpu.memory_space<vmem>>[vector<16xi32>], vector<16xi32>, vector<16xi1>
        %scan3A_181 = arith.constant 2 : i32
        %scan3A_182 = arith.addi %scan3A_143, %scan3A_181 : i32
        %mul3A_183 = arith.constant 16 : i32
        %mul3A_184 = arith.muli %scan3A_182, %mul3A_183 : i32
        %get3A_185 = arith.index_cast %mul3A_184 : i32 to index
        %get3A_186 = tpu.vector_load %arg9[%get3A_185] {strides = array<i32>} : memref<5376xi32, #tpu.memory_space<vmem>>, vector<16xi32>,
        %get3A_187 = arith.index_cast %mul3A_184 : i32 to index
        %get3A_188 = tpu.vector_load %arg10[%get3A_187] {strides = array<i32>} : memref<5376xi32, #tpu.memory_space<vmem>>, vector<16xi32>,
        %shift_right_arithmetic3A_189 = arith.constant 20 : i32
        %shift_right_arithmetic3A_190 = vector.broadcast %shift_right_arithmetic3A_189 : i32 to vector<16xi32>
        %shift_right_arithmetic3A_191 = arith.shrsi %get3A_186, %shift_right_arithmetic3A_190 : vector<16xi32>
        %and3A_192 = arith.constant 1023 : i32
        %and3A_193 = vector.broadcast %and3A_192 : i32 to vector<16xi32>
        %and3A_194 = arith.andi %shift_right_arithmetic3A_191, %and3A_193 : vector<16xi32>
        %broadcast_in_dim3A_195 = arith.constant true
        %broadcast_in_dim3A_196 = vector.broadcast %broadcast_in_dim3A_195 : i1 to vector<16xi1>
        %unique3A_197, %unique3A_198 = tpu.scan_count mask(%broadcast_in_dim3A_196 : vector<16xi1>) value(%and3A_194 : vector<16xi32>) : vector<16xi1>, vector<16xi32>
        %gather3A_199 = tpu.vector_load_idx %arg13[%and3A_194] : memref<1024xi32, #tpu.memory_space<vmem>>[vector<16xi32>], vector<16xi32>,
        %add3A_200 = arith.addi %gather3A_199, %unique3A_198 : vector<16xi32>
        %sub3A_201 = arith.constant 1 : i32
        %sub3A_202 = vector.broadcast %sub3A_201 : i32 to vector<16xi32>
        %sub3A_203 = arith.subi %add3A_200, %sub3A_202 : vector<16xi32>
        tpu.vector_store_idx %arg11[%sub3A_203], %get3A_186 : memref<5376xi32, #tpu.memory_space<vmem>>[vector<16xi32>], vector<16xi32>,
        tpu.vector_store_idx %arg12[%sub3A_203], %get3A_188 : memref<5376xi32, #tpu.memory_space<vmem>>[vector<16xi32>], vector<16xi32>,
        tpu.vector_store_idx %arg13[%and3A_194], %unique3A_198 masked %unique3A_197 {add = true} : memref<1024xi32, #tpu.memory_space<vmem>>[vector<16xi32>], vector<16xi32>, vector<16xi1>
        %scan3A_204 = arith.constant 3 : i32
        %scan3A_205 = arith.addi %scan3A_143, %scan3A_204 : i32
        %mul3A_206 = arith.constant 16 : i32
        %mul3A_207 = arith.muli %scan3A_205, %mul3A_206 : i32
        %get3A_208 = arith.index_cast %mul3A_207 : i32 to index
        %get3A_209 = tpu.vector_load %arg9[%get3A_208] {strides = array<i32>} : memref<5376xi32, #tpu.memory_space<vmem>>, vector<16xi32>,
        %get3A_210 = arith.index_cast %mul3A_207 : i32 to index
        %get3A_211 = tpu.vector_load %arg10[%get3A_210] {strides = array<i32>} : memref<5376xi32, #tpu.memory_space<vmem>>, vector<16xi32>,
        %shift_right_arithmetic3A_212 = arith.constant 20 : i32
        %shift_right_arithmetic3A_213 = vector.broadcast %shift_right_arithmetic3A_212 : i32 to vector<16xi32>
        %shift_right_arithmetic3A_214 = arith.shrsi %get3A_209, %shift_right_arithmetic3A_213 : vector<16xi32>
        %and3A_215 = arith.constant 1023 : i32
        %and3A_216 = vector.broadcast %and3A_215 : i32 to vector<16xi32>
        %and3A_217 = arith.andi %shift_right_arithmetic3A_214, %and3A_216 : vector<16xi32>
        %broadcast_in_dim3A_218 = arith.constant true
        %broadcast_in_dim3A_219 = vector.broadcast %broadcast_in_dim3A_218 : i1 to vector<16xi1>
        %unique3A_220, %unique3A_221 = tpu.scan_count mask(%broadcast_in_dim3A_219 : vector<16xi1>) value(%and3A_217 : vector<16xi32>) : vector<16xi1>, vector<16xi32>
        %gather3A_222 = tpu.vector_load_idx %arg13[%and3A_217] : memref<1024xi32, #tpu.memory_space<vmem>>[vector<16xi32>], vector<16xi32>,
        %add3A_223 = arith.addi %gather3A_222, %unique3A_221 : vector<16xi32>
        %sub3A_224 = arith.constant 1 : i32
        %sub3A_225 = vector.broadcast %sub3A_224 : i32 to vector<16xi32>
        %sub3A_226 = arith.subi %add3A_223, %sub3A_225 : vector<16xi32>
        tpu.vector_store_idx %arg11[%sub3A_226], %get3A_209 : memref<5376xi32, #tpu.memory_space<vmem>>[vector<16xi32>], vector<16xi32>,
        tpu.vector_store_idx %arg12[%sub3A_226], %get3A_211 : memref<5376xi32, #tpu.memory_space<vmem>>[vector<16xi32>], vector<16xi32>,
        tpu.vector_store_idx %arg13[%and3A_217], %unique3A_221 masked %unique3A_220 {add = true} : memref<1024xi32, #tpu.memory_space<vmem>>[vector<16xi32>], vector<16xi32>, vector<16xi1>
      }
      %scan3A_82 = arith.constant 336 : i32
      "tpu.region"() ({
        %run_scoped3A = tpu.sem_alloc : memref<!tpu.dma_semaphore, #tpu.memory_space<semaphore_mem>>
        %dma_start3A_143 = arith.constant 0 : i32
        %dma_start3A_144 = tpu.memref_slice %arg11[%dma_start3A_143] : memref<5376xi32, #tpu.memory_space<vmem>> -> memref<384xi32, #tpu.memory_space<vmem>>
        %dma_start3A_145 = arith.constant 0 : i32
        %dma_start3A_146 = tpu.memref_slice %arg5[%add3A, %dma_start3A_145] : memref<16x384xi32, #tpu.memory_space<hbm>> -> memref<1x384xi32, #tpu.memory_space<hbm>>
        %dma_start3A_147 = tpu.memref_squeeze %dma_start3A_146 : memref<1x384xi32, #tpu.memory_space<hbm>> -> memref<384xi32, #tpu.memory_space<hbm>>
        %dma_start3A_148 = arith.constant 0 : i32
        %dma_start3A_149 = tpu.memref_slice %arg5[%add3A, %dma_start3A_148] : memref<16x384xi32, #tpu.memory_space<hbm>> -> memref<1x384xi32, #tpu.memory_space<hbm>>
        %dma_start3A_150 = tpu.memref_squeeze %dma_start3A_149 : memref<1x384xi32, #tpu.memory_space<hbm>> -> memref<384xi32, #tpu.memory_space<hbm>>
        %dma_start3A_151 = arith.constant 0 : i32
        %dma_start3A_152 = tpu.memref_slice %arg11[%dma_start3A_151] : memref<5376xi32, #tpu.memory_space<vmem>> -> memref<384xi32, #tpu.memory_space<vmem>>
        tpu.enqueue_dma source(%dma_start3A_152 : memref<384xi32, #tpu.memory_space<vmem>>) target(%dma_start3A_150 : memref<384xi32, #tpu.memory_space<hbm>>) target_semaphore(%run_scoped3A : memref<!tpu.dma_semaphore, #tpu.memory_space<semaphore_mem>>)
        %dma_wait3A_153 = arith.constant 0 : i32
        %dma_wait3A_154 = tpu.memref_slice %arg11[%dma_wait3A_153] : memref<5376xi32, #tpu.memory_space<vmem>> -> memref<384xi32, #tpu.memory_space<vmem>>
        %dma_wait3A_155 = arith.constant 0 : i32
        %dma_wait3A_156 = tpu.memref_slice %arg5[%add3A, %dma_wait3A_155] : memref<16x384xi32, #tpu.memory_space<hbm>> -> memref<1x384xi32, #tpu.memory_space<hbm>>
        %dma_wait3A_157 = tpu.memref_squeeze %dma_wait3A_156 : memref<1x384xi32, #tpu.memory_space<hbm>> -> memref<384xi32, #tpu.memory_space<hbm>>
        %dma_wait3A_158 = arith.constant 0 : i32
        %dma_wait3A_159 = tpu.memref_slice %arg5[%add3A, %dma_wait3A_158] : memref<16x384xi32, #tpu.memory_space<hbm>> -> memref<1x384xi32, #tpu.memory_space<hbm>>
        %dma_wait3A_160 = tpu.memref_squeeze %dma_wait3A_159 : memref<1x384xi32, #tpu.memory_space<hbm>> -> memref<384xi32, #tpu.memory_space<hbm>>
        %dma_wait3A_161 = arith.constant 0 : i32
        %dma_wait3A_162 = tpu.memref_slice %arg11[%dma_wait3A_161] : memref<5376xi32, #tpu.memory_space<vmem>> -> memref<384xi32, #tpu.memory_space<vmem>>
        tpu.wait_dma2 semaphore(%run_scoped3A : memref<!tpu.dma_semaphore, #tpu.memory_space<semaphore_mem>>) src(%dma_wait3A_162 : memref<384xi32, #tpu.memory_space<vmem>>) dst(%dma_wait3A_160 : memref<384xi32, #tpu.memory_space<hbm>>)
        tpu.yield
      }) : () -> ()
      "tpu.region"() ({
        %run_scoped3A = tpu.sem_alloc : memref<!tpu.dma_semaphore, #tpu.memory_space<semaphore_mem>>
        %dma_start3A_143 = arith.constant 0 : i32
        %dma_start3A_144 = tpu.memref_slice %arg12[%dma_start3A_143] : memref<5376xi32, #tpu.memory_space<vmem>> -> memref<384xi32, #tpu.memory_space<vmem>>
        %dma_start3A_145 = arith.constant 0 : i32
        %dma_start3A_146 = tpu.memref_slice %arg6[%add3A, %dma_start3A_145] : memref<16x384xi32, #tpu.memory_space<hbm>> -> memref<1x384xi32, #tpu.memory_space<hbm>>
        %dma_start3A_147 = tpu.memref_squeeze %dma_start3A_146 : memref<1x384xi32, #tpu.memory_space<hbm>> -> memref<384xi32, #tpu.memory_space<hbm>>
        %dma_start3A_148 = arith.constant 0 : i32
        %dma_start3A_149 = tpu.memref_slice %arg6[%add3A, %dma_start3A_148] : memref<16x384xi32, #tpu.memory_space<hbm>> -> memref<1x384xi32, #tpu.memory_space<hbm>>
        %dma_start3A_150 = tpu.memref_squeeze %dma_start3A_149 : memref<1x384xi32, #tpu.memory_space<hbm>> -> memref<384xi32, #tpu.memory_space<hbm>>
        %dma_start3A_151 = arith.constant 0 : i32
        %dma_start3A_152 = tpu.memref_slice %arg12[%dma_start3A_151] : memref<5376xi32, #tpu.memory_space<vmem>> -> memref<384xi32, #tpu.memory_space<vmem>>
        tpu.enqueue_dma source(%dma_start3A_152 : memref<384xi32, #tpu.memory_space<vmem>>) target(%dma_start3A_150 : memref<384xi32, #tpu.memory_space<hbm>>) target_semaphore(%run_scoped3A : memref<!tpu.dma_semaphore, #tpu.memory_space<semaphore_mem>>)
        %dma_wait3A_153 = arith.constant 0 : i32
        %dma_wait3A_154 = tpu.memref_slice %arg12[%dma_wait3A_153] : memref<5376xi32, #tpu.memory_space<vmem>> -> memref<384xi32, #tpu.memory_space<vmem>>
        %dma_wait3A_155 = arith.constant 0 : i32
        %dma_wait3A_156 = tpu.memref_slice %arg6[%add3A, %dma_wait3A_155] : memref<16x384xi32, #tpu.memory_space<hbm>> -> memref<1x384xi32, #tpu.memory_space<hbm>>
        %dma_wait3A_157 = tpu.memref_squeeze %dma_wait3A_156 : memref<1x384xi32, #tpu.memory_space<hbm>> -> memref<384xi32, #tpu.memory_space<hbm>>
        %dma_wait3A_158 = arith.constant 0 : i32
        %dma_wait3A_159 = tpu.memref_slice %arg6[%add3A, %dma_wait3A_158] : memref<16x384xi32, #tpu.memory_space<hbm>> -> memref<1x384xi32, #tpu.memory_space<hbm>>
        %dma_wait3A_160 = tpu.memref_squeeze %dma_wait3A_159 : memref<1x384xi32, #tpu.memory_space<hbm>> -> memref<384xi32, #tpu.memory_space<hbm>>
        %dma_wait3A_161 = arith.constant 0 : i32
        %dma_wait3A_162 = tpu.memref_slice %arg12[%dma_wait3A_161] : memref<5376xi32, #tpu.memory_space<vmem>> -> memref<384xi32, #tpu.memory_space<vmem>>
        tpu.wait_dma2 semaphore(%run_scoped3A : memref<!tpu.dma_semaphore, #tpu.memory_space<semaphore_mem>>) src(%dma_wait3A_162 : memref<384xi32, #tpu.memory_space<vmem>>) dst(%dma_wait3A_160 : memref<384xi32, #tpu.memory_space<hbm>>)
        tpu.yield
      }) : () -> ()
      %mul3A_83 = arith.constant 5376 : i32
      %mul3A_84 = arith.muli %add3A, %mul3A_83 : i32
      %scan3A_85 = arith.constant 0 : i32
      %scan3A_86 = arith.constant 0 : i32
      %scan3A_87 = arith.constant 19 : i32
      %scan3A_88 = arith.addi %scan3A_86, %scan3A_87 : i32
      %scan3A_89 = arith.constant 1 : i32
      scf.for %scan3A_143 = %scan3A_86 to %scan3A_88 step %scan3A_89  : i32 {
        %mul3A_144 = arith.constant 16 : i32
        %mul3A_145 = arith.muli %scan3A_143, %mul3A_144 : i32
        %add3A_146 = vector.broadcast %mul3A_145 : i32 to vector<16xi32>
        %add3A_147 = arith.addi %iota3A, %add3A_146 : vector<16xi32>
        %get3A = arith.index_cast %mul3A_145 : i32 to index
        %get3A_148 = tpu.vector_load %arg12[%get3A] {strides = array<i32>} : memref<5376xi32, #tpu.memory_space<vmem>>, vector<16xi32>,
        %add3A_149 = vector.broadcast %mul3A_84 : i32 to vector<16xi32>
        %add3A_150 = arith.addi %get3A_148, %add3A_149 : vector<16xi32>
        %ge3A = arith.constant 0 : i32
        %ge3A_151 = vector.broadcast %ge3A : i32 to vector<16xi32>
        %ge3A_152 = arith.cmpi sge, %add3A_147, %ge3A_151 : vector<16xi32>
        %lt3A_153 = arith.constant 128 : i32
        %lt3A_154 = vector.broadcast %lt3A_153 : i32 to vector<16xi32>
        %lt3A_155 = arith.cmpi slt, %add3A_147, %lt3A_154 : vector<16xi32>
        %and3A = arith.andi %ge3A_152, %lt3A_155 : vector<16xi1>
        %sub3A = arith.constant 0 : i32
        %sub3A_156 = vector.broadcast %sub3A : i32 to vector<16xi32>
        %sub3A_157 = arith.subi %add3A_147, %sub3A_156 : vector<16xi32>
        %jit3A = arith.constant 0 : i32
        %jit3A_158 = arith.constant 127 : i32
        %max3A = vector.broadcast %jit3A : i32 to vector<16xi32>
        %max3A_159 = arith.maxsi %max3A, %sub3A_157 : vector<16xi32>
        %min3A = vector.broadcast %jit3A_158 : i32 to vector<16xi32>
        %min3A_160 = arith.minsi %min3A, %max3A_159 : vector<16xi32>
        tpu.vector_store_idx %arg14[%min3A_160], %add3A_150 masked %and3A : memref<128xi32, #tpu.memory_space<vmem>>[vector<16xi32>], vector<16xi32>, vector<16xi1>
        %ge3A_161 = arith.constant 128 : i32
        %ge3A_162 = vector.broadcast %ge3A_161 : i32 to vector<16xi32>
        %ge3A_163 = arith.cmpi sge, %add3A_147, %ge3A_162 : vector<16xi32>
        %lt3A_164 = arith.constant 152 : i32
        %lt3A_165 = vector.broadcast %lt3A_164 : i32 to vector<16xi32>
        %lt3A_166 = arith.cmpi slt, %add3A_147, %lt3A_165 : vector<16xi32>
        %and3A_167 = arith.andi %ge3A_163, %lt3A_166 : vector<16xi1>
        %sub3A_168 = arith.constant 128 : i32
        %sub3A_169 = vector.broadcast %sub3A_168 : i32 to vector<16xi32>
        %sub3A_170 = arith.subi %add3A_147, %sub3A_169 : vector<16xi32>
        %jit3A_171 = arith.constant 0 : i32
        %jit3A_172 = arith.constant 23 : i32
        %max3A_173 = vector.broadcast %jit3A_171 : i32 to vector<16xi32>
        %max3A_174 = arith.maxsi %max3A_173, %sub3A_170 : vector<16xi32>
        %min3A_175 = vector.broadcast %jit3A_172 : i32 to vector<16xi32>
        %min3A_176 = arith.minsi %min3A_175, %max3A_174 : vector<16xi32>
        tpu.vector_store_idx %arg15[%min3A_176], %add3A_150 masked %and3A_167 : memref<24xi32, #tpu.memory_space<vmem>>[vector<16xi32>], vector<16xi32>, vector<16xi1>
        %ge3A_177 = arith.constant 152 : i32
        %ge3A_178 = vector.broadcast %ge3A_177 : i32 to vector<16xi32>
        %ge3A_179 = arith.cmpi sge, %add3A_147, %ge3A_178 : vector<16xi32>
        %lt3A_180 = arith.constant 280 : i32
        %lt3A_181 = vector.broadcast %lt3A_180 : i32 to vector<16xi32>
        %lt3A_182 = arith.cmpi slt, %add3A_147, %lt3A_181 : vector<16xi32>
        %and3A_183 = arith.andi %ge3A_179, %lt3A_182 : vector<16xi1>
        %sub3A_184 = arith.constant 152 : i32
        %sub3A_185 = vector.broadcast %sub3A_184 : i32 to vector<16xi32>
        %sub3A_186 = arith.subi %add3A_147, %sub3A_185 : vector<16xi32>
        %jit3A_187 = arith.constant 0 : i32
        %jit3A_188 = arith.constant 127 : i32
        %max3A_189 = vector.broadcast %jit3A_187 : i32 to vector<16xi32>
        %max3A_190 = arith.maxsi %max3A_189, %sub3A_186 : vector<16xi32>
        %min3A_191 = vector.broadcast %jit3A_188 : i32 to vector<16xi32>
        %min3A_192 = arith.minsi %min3A_191, %max3A_190 : vector<16xi32>
        tpu.vector_store_idx %arg16[%min3A_192], %add3A_150 masked %and3A_183 : memref<128xi32, #tpu.memory_space<vmem>>[vector<16xi32>], vector<16xi32>, vector<16xi1>
        %ge3A_193 = arith.constant 280 : i32
        %ge3A_194 = vector.broadcast %ge3A_193 : i32 to vector<16xi32>
        %ge3A_195 = arith.cmpi sge, %add3A_147, %ge3A_194 : vector<16xi32>
        %lt3A_196 = arith.constant 304 : i32
        %lt3A_197 = vector.broadcast %lt3A_196 : i32 to vector<16xi32>
        %lt3A_198 = arith.cmpi slt, %add3A_147, %lt3A_197 : vector<16xi32>
        %and3A_199 = arith.andi %ge3A_195, %lt3A_198 : vector<16xi1>
        %sub3A_200 = arith.constant 280 : i32
        %sub3A_201 = vector.broadcast %sub3A_200 : i32 to vector<16xi32>
        %sub3A_202 = arith.subi %add3A_147, %sub3A_201 : vector<16xi32>
        %jit3A_203 = arith.constant 0 : i32
        %jit3A_204 = arith.constant 23 : i32
        %max3A_205 = vector.broadcast %jit3A_203 : i32 to vector<16xi32>
        %max3A_206 = arith.maxsi %max3A_205, %sub3A_202 : vector<16xi32>
        %min3A_207 = vector.broadcast %jit3A_204 : i32 to vector<16xi32>
        %min3A_208 = arith.minsi %min3A_207, %max3A_206 : vector<16xi32>
        tpu.vector_store_idx %arg17[%min3A_208], %add3A_150 masked %and3A_199 : memref<24xi32, #tpu.memory_space<vmem>>[vector<16xi32>], vector<16xi32>, vector<16xi1>
      }
      %scan3A_90 = arith.constant 19 : i32
      %dma_start3A = arith.constant 0 : i32
      %dma_start3A_91 = arith.constant 0 : i32
      %dma_start3A_92 = tpu.memref_slice %arg18[%dma_start3A, %dma_start3A_91] : memref<152x256xf32, #tpu.memory_space<vmem>> -> memref<128x256xf32, #tpu.memory_space<vmem>>
      %dma_start3A_93 = arith.constant 0 : i32
      %dma_start3A_94 = arith.constant 0 : i32
      %dma_start3A_95 = tpu.memref_slice %arg3[%dma_start3A_93, %dma_start3A_94] : memref<86016x256xf32, #tpu.memory_space<hbm>> -> memref<86016x256xf32, #tpu.memory_space<hbm>>
      tpu.enqueue_indirect_dma source(%dma_start3A_95 : memref<86016x256xf32, #tpu.memory_space<hbm>>) target(%dma_start3A_92 : memref<128x256xf32, #tpu.memory_space<vmem>>) offsets(%arg14 : memref<128xi32, #tpu.memory_space<vmem>>) semaphore(%arg21 : memref<!tpu.dma_semaphore, #tpu.memory_space<semaphore_mem>>)
      %dma_wait3A = arith.constant 0 : i32
      %dma_wait3A_96 = arith.constant 0 : i32
      %dma_wait3A_97 = tpu.memref_slice %arg18[%dma_wait3A, %dma_wait3A_96] : memref<152x256xf32, #tpu.memory_space<vmem>> -> memref<128x256xf32, #tpu.memory_space<vmem>>
      %dma_wait3A_98 = arith.constant 0 : i32
      %dma_wait3A_99 = arith.constant 0 : i32
      %dma_wait3A_100 = tpu.memref_slice %arg3[%dma_wait3A_98, %dma_wait3A_99] : memref<86016x256xf32, #tpu.memory_space<hbm>> -> memref<86016x256xf32, #tpu.memory_space<hbm>>
      tpu.wait_indirect_dma semaphore(%arg21 : memref<!tpu.dma_semaphore, #tpu.memory_space<semaphore_mem>>) src(%dma_wait3A_100 : memref<86016x256xf32, #tpu.memory_space<hbm>>) dst(%dma_wait3A_97 : memref<128x256xf32, #tpu.memory_space<vmem>>)
      %dma_start3A_101 = arith.constant 128 : i32
      %dma_start3A_102 = arith.constant 0 : i32
      %dma_start3A_103 = tpu.memref_slice %arg18[%dma_start3A_101, %dma_start3A_102] : memref<152x256xf32, #tpu.memory_space<vmem>> -> memref<24x256xf32, #tpu.memory_space<vmem>>
      %dma_start3A_104 = arith.constant 0 : i32
      %dma_start3A_105 = arith.constant 0 : i32
      %dma_start3A_106 = tpu.memref_slice %arg3[%dma_start3A_104, %dma_start3A_105] : memref<86016x256xf32, #tpu.memory_space<hbm>> -> memref<86016x256xf32, #tpu.memory_space<hbm>>
      tpu.enqueue_indirect_dma source(%dma_start3A_106 : memref<86016x256xf32, #tpu.memory_space<hbm>>) target(%dma_start3A_103 : memref<24x256xf32, #tpu.memory_space<vmem>>) offsets(%arg15 : memref<24xi32, #tpu.memory_space<vmem>>) semaphore(%arg21 : memref<!tpu.dma_semaphore, #tpu.memory_space<semaphore_mem>>)
      %dma_wait3A_107 = arith.constant 128 : i32
      %dma_wait3A_108 = arith.constant 0 : i32
      %dma_wait3A_109 = tpu.memref_slice %arg18[%dma_wait3A_107, %dma_wait3A_108] : memref<152x256xf32, #tpu.memory_space<vmem>> -> memref<24x256xf32, #tpu.memory_space<vmem>>
      %dma_wait3A_110 = arith.constant 0 : i32
      %dma_wait3A_111 = arith.constant 0 : i32
      %dma_wait3A_112 = tpu.memref_slice %arg3[%dma_wait3A_110, %dma_wait3A_111] : memref<86016x256xf32, #tpu.memory_space<hbm>> -> memref<86016x256xf32, #tpu.memory_space<hbm>>
      tpu.wait_indirect_dma semaphore(%arg21 : memref<!tpu.dma_semaphore, #tpu.memory_space<semaphore_mem>>) src(%dma_wait3A_112 : memref<86016x256xf32, #tpu.memory_space<hbm>>) dst(%dma_wait3A_109 : memref<24x256xf32, #tpu.memory_space<vmem>>)
      "tpu.region"() ({
        %run_scoped3A = tpu.sem_alloc : memref<!tpu.dma_semaphore, #tpu.memory_space<semaphore_mem>>
        %dma_start3A_143 = arith.constant 0 : i32
        %dma_start3A_144 = arith.constant 0 : i32
        %dma_start3A_145 = tpu.memref_slice %arg7[%add3A, %dma_start3A_143, %dma_start3A_144] : memref<16x304x256xf32, #tpu.memory_space<hbm>> -> memref<1x152x256xf32, #tpu.memory_space<hbm>>
        %dma_start3A_146 = tpu.memref_squeeze %dma_start3A_145 : memref<1x152x256xf32, #tpu.memory_space<hbm>> -> memref<152x256xf32, #tpu.memory_space<hbm>>
        %dma_start3A_147 = arith.constant 0 : i32
        %dma_start3A_148 = arith.constant 0 : i32
        %dma_start3A_149 = tpu.memref_slice %arg7[%add3A, %dma_start3A_147, %dma_start3A_148] : memref<16x304x256xf32, #tpu.memory_space<hbm>> -> memref<1x152x256xf32, #tpu.memory_space<hbm>>
        %dma_start3A_150 = tpu.memref_squeeze %dma_start3A_149 : memref<1x152x256xf32, #tpu.memory_space<hbm>> -> memref<152x256xf32, #tpu.memory_space<hbm>>
        tpu.enqueue_dma source(%arg18 : memref<152x256xf32, #tpu.memory_space<vmem>>) target(%dma_start3A_150 : memref<152x256xf32, #tpu.memory_space<hbm>>) target_semaphore(%run_scoped3A : memref<!tpu.dma_semaphore, #tpu.memory_space<semaphore_mem>>)
        %dma_wait3A_151 = arith.constant 0 : i32
        %dma_wait3A_152 = arith.constant 0 : i32
        %dma_wait3A_153 = tpu.memref_slice %arg7[%add3A, %dma_wait3A_151, %dma_wait3A_152] : memref<16x304x256xf32, #tpu.memory_space<hbm>> -> memref<1x152x256xf32, #tpu.memory_space<hbm>>
        %dma_wait3A_154 = tpu.memref_squeeze %dma_wait3A_153 : memref<1x152x256xf32, #tpu.memory_space<hbm>> -> memref<152x256xf32, #tpu.memory_space<hbm>>
        %dma_wait3A_155 = arith.constant 0 : i32
        %dma_wait3A_156 = arith.constant 0 : i32
        %dma_wait3A_157 = tpu.memref_slice %arg7[%add3A, %dma_wait3A_155, %dma_wait3A_156] : memref<16x304x256xf32, #tpu.memory_space<hbm>> -> memref<1x152x256xf32, #tpu.memory_space<hbm>>
        %dma_wait3A_158 = tpu.memref_squeeze %dma_wait3A_157 : memref<1x152x256xf32, #tpu.memory_space<hbm>> -> memref<152x256xf32, #tpu.memory_space<hbm>>
        tpu.wait_dma2 semaphore(%run_scoped3A : memref<!tpu.dma_semaphore, #tpu.memory_space<semaphore_mem>>) src(%arg18 : memref<152x256xf32, #tpu.memory_space<vmem>>) dst(%dma_wait3A_158 : memref<152x256xf32, #tpu.memory_space<hbm>>)
        tpu.yield
      }) : () -> ()
      %dma_start3A_113 = arith.constant 0 : i32
      %dma_start3A_114 = arith.constant 0 : i32
      %dma_start3A_115 = tpu.memref_slice %arg18[%dma_start3A_113, %dma_start3A_114] : memref<152x256xf32, #tpu.memory_space<vmem>> -> memref<128x256xf32, #tpu.memory_space<vmem>>
      %dma_start3A_116 = arith.constant 0 : i32
      %dma_start3A_117 = arith.constant 0 : i32
      %dma_start3A_118 = tpu.memref_slice %arg3[%dma_start3A_116, %dma_start3A_117] : memref<86016x256xf32, #tpu.memory_space<hbm>> -> memref<86016x256xf32, #tpu.memory_space<hbm>>
      tpu.enqueue_indirect_dma source(%dma_start3A_118 : memref<86016x256xf32, #tpu.memory_space<hbm>>) target(%dma_start3A_115 : memref<128x256xf32, #tpu.memory_space<vmem>>) offsets(%arg16 : memref<128xi32, #tpu.memory_space<vmem>>) semaphore(%arg21 : memref<!tpu.dma_semaphore, #tpu.memory_space<semaphore_mem>>)
      %dma_wait3A_119 = arith.constant 0 : i32
      %dma_wait3A_120 = arith.constant 0 : i32
      %dma_wait3A_121 = tpu.memref_slice %arg18[%dma_wait3A_119, %dma_wait3A_120] : memref<152x256xf32, #tpu.memory_space<vmem>> -> memref<128x256xf32, #tpu.memory_space<vmem>>
      %dma_wait3A_122 = arith.constant 0 : i32
      %dma_wait3A_123 = arith.constant 0 : i32
      %dma_wait3A_124 = tpu.memref_slice %arg3[%dma_wait3A_122, %dma_wait3A_123] : memref<86016x256xf32, #tpu.memory_space<hbm>> -> memref<86016x256xf32, #tpu.memory_space<hbm>>
      tpu.wait_indirect_dma semaphore(%arg21 : memref<!tpu.dma_semaphore, #tpu.memory_space<semaphore_mem>>) src(%dma_wait3A_124 : memref<86016x256xf32, #tpu.memory_space<hbm>>) dst(%dma_wait3A_121 : memref<128x256xf32, #tpu.memory_space<vmem>>)
      %dma_start3A_125 = arith.constant 128 : i32
      %dma_start3A_126 = arith.constant 0 : i32
      %dma_start3A_127 = tpu.memref_slice %arg18[%dma_start3A_125, %dma_start3A_126] : memref<152x256xf32, #tpu.memory_space<vmem>> -> memref<24x256xf32, #tpu.memory_space<vmem>>
      %dma_start3A_128 = arith.constant 0 : i32
      %dma_start3A_129 = arith.constant 0 : i32
      %dma_start3A_130 = tpu.memref_slice %arg3[%dma_start3A_128, %dma_start3A_129] : memref<86016x256xf32, #tpu.memory_space<hbm>> -> memref<86016x256xf32, #tpu.memory_space<hbm>>
      tpu.enqueue_indirect_dma source(%dma_start3A_130 : memref<86016x256xf32, #tpu.memory_space<hbm>>) target(%dma_start3A_127 : memref<24x256xf32, #tpu.memory_space<vmem>>) offsets(%arg17 : memref<24xi32, #tpu.memory_space<vmem>>) semaphore(%arg21 : memref<!tpu.dma_semaphore, #tpu.memory_space<semaphore_mem>>)
      %dma_wait3A_131 = arith.constant 128 : i32
      %dma_wait3A_132 = arith.constant 0 : i32
      %dma_wait3A_133 = tpu.memref_slice %arg18[%dma_wait3A_131, %dma_wait3A_132] : memref<152x256xf32, #tpu.memory_space<vmem>> -> memref<24x256xf32, #tpu.memory_space<vmem>>
      %dma_wait3A_134 = arith.constant 0 : i32
      %dma_wait3A_135 = arith.constant 0 : i32
      %dma_wait3A_136 = tpu.memref_slice %arg3[%dma_wait3A_134, %dma_wait3A_135] : memref<86016x256xf32, #tpu.memory_space<hbm>> -> memref<86016x256xf32, #tpu.memory_space<hbm>>
      tpu.wait_indirect_dma semaphore(%arg21 : memref<!tpu.dma_semaphore, #tpu.memory_space<semaphore_mem>>) src(%dma_wait3A_136 : memref<86016x256xf32, #tpu.memory_space<hbm>>) dst(%dma_wait3A_133 : memref<24x256xf32, #tpu.memory_space<vmem>>)
      "tpu.region"() ({
        %run_scoped3A = tpu.sem_alloc : memref<!tpu.dma_semaphore, #tpu.memory_space<semaphore_mem>>
        %dma_start3A_143 = arith.constant 152 : i32
        %dma_start3A_144 = arith.constant 0 : i32
        %dma_start3A_145 = tpu.memref_slice %arg7[%add3A, %dma_start3A_143, %dma_start3A_144] : memref<16x304x256xf32, #tpu.memory_space<hbm>> -> memref<1x152x256xf32, #tpu.memory_space<hbm>>
        %dma_start3A_146 = tpu.memref_squeeze %dma_start3A_145 : memref<1x152x256xf32, #tpu.memory_space<hbm>> -> memref<152x256xf32, #tpu.memory_space<hbm>>
        %dma_start3A_147 = arith.constant 152 : i32
        %dma_start3A_148 = arith.constant 0 : i32
        %dma_start3A_149 = tpu.memref_slice %arg7[%add3A, %dma_start3A_147, %dma_start3A_148] : memref<16x304x256xf32, #tpu.memory_space<hbm>> -> memref<1x152x256xf32, #tpu.memory_space<hbm>>
        %dma_start3A_150 = tpu.memref_squeeze %dma_start3A_149 : memref<1x152x256xf32, #tpu.memory_space<hbm>> -> memref<152x256xf32, #tpu.memory_space<hbm>>
        tpu.enqueue_dma source(%arg18 : memref<152x256xf32, #tpu.memory_space<vmem>>) target(%dma_start3A_150 : memref<152x256xf32, #tpu.memory_space<hbm>>) target_semaphore(%run_scoped3A : memref<!tpu.dma_semaphore, #tpu.memory_space<semaphore_mem>>)
        %dma_wait3A_151 = arith.constant 152 : i32
        %dma_wait3A_152 = arith.constant 0 : i32
        %dma_wait3A_153 = tpu.memref_slice %arg7[%add3A, %dma_wait3A_151, %dma_wait3A_152] : memref<16x304x256xf32, #tpu.memory_space<hbm>> -> memref<1x152x256xf32, #tpu.memory_space<hbm>>
        %dma_wait3A_154 = tpu.memref_squeeze %dma_wait3A_153 : memref<1x152x256xf32, #tpu.memory_space<hbm>> -> memref<152x256xf32, #tpu.memory_space<hbm>>
        %dma_wait3A_155 = arith.constant 152 : i32
        %dma_wait3A_156 = arith.constant 0 : i32
        %dma_wait3A_157 = tpu.memref_slice %arg7[%add3A, %dma_wait3A_155, %dma_wait3A_156] : memref<16x304x256xf32, #tpu.memory_space<hbm>> -> memref<1x152x256xf32, #tpu.memory_space<hbm>>
        %dma_wait3A_158 = tpu.memref_squeeze %dma_wait3A_157 : memref<1x152x256xf32, #tpu.memory_space<hbm>> -> memref<152x256xf32, #tpu.memory_space<hbm>>
        tpu.wait_dma2 semaphore(%run_scoped3A : memref<!tpu.dma_semaphore, #tpu.memory_space<semaphore_mem>>) src(%arg18 : memref<152x256xf32, #tpu.memory_space<vmem>>) dst(%dma_wait3A_158 : memref<152x256xf32, #tpu.memory_space<hbm>>)
        tpu.yield
      }) : () -> ()
      "tpu.region"() ({
        %run_scoped3A = tpu.sem_alloc : memref<!tpu.dma_semaphore, #tpu.memory_space<semaphore_mem>>
        %dma_start3A_143 = arith.constant 0 : i32
        %dma_start3A_144 = tpu.memref_slice %arg4[%add3A, %dma_start3A_143] : memref<16x21504xf32, #tpu.memory_space<hbm>> -> memref<1x21504xf32, #tpu.memory_space<hbm>>
        %dma_start3A_145 = tpu.memref_squeeze %dma_start3A_144 : memref<1x21504xf32, #tpu.memory_space<hbm>> -> memref<21504xf32, #tpu.memory_space<hbm>>
        %dma_start3A_146 = arith.constant 0 : i32
        %dma_start3A_147 = tpu.memref_slice %arg4[%add3A, %dma_start3A_146] : memref<16x21504xf32, #tpu.memory_space<hbm>> -> memref<1x21504xf32, #tpu.memory_space<hbm>>
        %dma_start3A_148 = tpu.memref_squeeze %dma_start3A_147 : memref<1x21504xf32, #tpu.memory_space<hbm>> -> memref<21504xf32, #tpu.memory_space<hbm>>
        tpu.enqueue_dma source(%dma_start3A_148 : memref<21504xf32, #tpu.memory_space<hbm>>) target(%arg19 : memref<21504xf32, #tpu.memory_space<vmem>>) target_semaphore(%run_scoped3A : memref<!tpu.dma_semaphore, #tpu.memory_space<semaphore_mem>>)
        %dma_wait3A_149 = arith.constant 0 : i32
        %dma_wait3A_150 = tpu.memref_slice %arg4[%add3A, %dma_wait3A_149] : memref<16x21504xf32, #tpu.memory_space<hbm>> -> memref<1x21504xf32, #tpu.memory_space<hbm>>
        %dma_wait3A_151 = tpu.memref_squeeze %dma_wait3A_150 : memref<1x21504xf32, #tpu.memory_space<hbm>> -> memref<21504xf32, #tpu.memory_space<hbm>>
        %dma_wait3A_152 = arith.constant 0 : i32
        %dma_wait3A_153 = tpu.memref_slice %arg4[%add3A, %dma_wait3A_152] : memref<16x21504xf32, #tpu.memory_space<hbm>> -> memref<1x21504xf32, #tpu.memory_space<hbm>>
        %dma_wait3A_154 = tpu.memref_squeeze %dma_wait3A_153 : memref<1x21504xf32, #tpu.memory_space<hbm>> -> memref<21504xf32, #tpu.memory_space<hbm>>
        tpu.wait_dma2 semaphore(%run_scoped3A : memref<!tpu.dma_semaphore, #tpu.memory_space<semaphore_mem>>) src(%dma_wait3A_154 : memref<21504xf32, #tpu.memory_space<hbm>>) dst(%arg19 : memref<21504xf32, #tpu.memory_space<vmem>>)
        tpu.yield
      }) : () -> ()
      %scan3A_137 = arith.constant 0 : i32
      %scan3A_138 = arith.constant 0 : i32
      %scan3A_139 = arith.constant 80 : i32
      %scan3A_140 = arith.addi %scan3A_138, %scan3A_139 : i32
      %scan3A_141 = arith.constant 1 : i32
      scf.for %scan3A_143 = %scan3A_138 to %scan3A_140 step %scan3A_141  : i32 {
        %mul3A_144 = arith.constant 16 : i32
        %mul3A_145 = arith.muli %scan3A_143, %mul3A_144 : i32
        %add3A_146 = vector.broadcast %mul3A_145 : i32 to vector<16xi32>
        %add3A_147 = arith.addi %iota3A, %add3A_146 : vector<16xi32>
        %shift_right_arithmetic3A = arith.constant 2 : i32
        %shift_right_arithmetic3A_148 = vector.broadcast %shift_right_arithmetic3A : i32 to vector<16xi32>
        %shift_right_arithmetic3A_149 = arith.shrsi %add3A_147, %shift_right_arithmetic3A_148 : vector<16xi32>
        %gather3A = tpu.vector_load_idx %arg12[%shift_right_arithmetic3A_149] : memref<5376xi32, #tpu.memory_space<vmem>>[vector<16xi32>], vector<16xi32>,
        %mul3A_150 = arith.constant 4 : i32
        %mul3A_151 = vector.broadcast %mul3A_150 : i32 to vector<16xi32>
        %mul3A_152 = arith.muli %gather3A, %mul3A_151 : vector<16xi32>
        %and3A = arith.constant 3 : i32
        %and3A_153 = vector.broadcast %and3A : i32 to vector<16xi32>
        %and3A_154 = arith.andi %add3A_147, %and3A_153 : vector<16xi32>
        %add3A_155 = arith.addi %mul3A_152, %and3A_154 : vector<16xi32>
        %gather3A_156 = tpu.vector_load_idx %arg19[%add3A_155] : memref<21504xf32, #tpu.memory_space<vmem>>[vector<16xi32>], vector<16xf32>,
        %mul3A_157 = arith.constant 16 : i32
        %mul3A_158 = arith.muli %scan3A_143, %mul3A_157 : i32
        %swap3A = arith.index_cast %mul3A_158 : i32 to index
        %swap3A_159 = tpu.vector_load %arg20[%swap3A] {strides = array<i32>} : memref<1280xf32, #tpu.memory_space<vmem>>, vector<16xf32>,
        tpu.vector_store %arg20[%swap3A], %gather3A_156 {strides = array<i32>} : memref<1280xf32, #tpu.memory_space<vmem>>, vector<16xf32>,
      }
      %scan3A_142 = arith.constant 80 : i32
      "tpu.region"() ({
        %run_scoped3A = tpu.sem_alloc : memref<!tpu.dma_semaphore, #tpu.memory_space<semaphore_mem>>
        %dma_start3A_143 = arith.constant 0 : i32
        %dma_start3A_144 = tpu.memref_slice %arg8[%add3A, %dma_start3A_143] : memref<16x1280xf32, #tpu.memory_space<hbm>> -> memref<1x1280xf32, #tpu.memory_space<hbm>>
        %dma_start3A_145 = tpu.memref_squeeze %dma_start3A_144 : memref<1x1280xf32, #tpu.memory_space<hbm>> -> memref<1280xf32, #tpu.memory_space<hbm>>
        %dma_start3A_146 = arith.constant 0 : i32
        %dma_start3A_147 = tpu.memref_slice %arg8[%add3A, %dma_start3A_146] : memref<16x1280xf32, #tpu.memory_space<hbm>> -> memref<1x1280xf32, #tpu.memory_space<hbm>>
        %dma_start3A_148 = tpu.memref_squeeze %dma_start3A_147 : memref<1x1280xf32, #tpu.memory_space<hbm>> -> memref<1280xf32, #tpu.memory_space<hbm>>
        tpu.enqueue_dma source(%arg20 : memref<1280xf32, #tpu.memory_space<vmem>>) target(%dma_start3A_148 : memref<1280xf32, #tpu.memory_space<hbm>>) target_semaphore(%run_scoped3A : memref<!tpu.dma_semaphore, #tpu.memory_space<semaphore_mem>>)
        %dma_wait3A_149 = arith.constant 0 : i32
        %dma_wait3A_150 = tpu.memref_slice %arg8[%add3A, %dma_wait3A_149] : memref<16x1280xf32, #tpu.memory_space<hbm>> -> memref<1x1280xf32, #tpu.memory_space<hbm>>
        %dma_wait3A_151 = tpu.memref_squeeze %dma_wait3A_150 : memref<1x1280xf32, #tpu.memory_space<hbm>> -> memref<1280xf32, #tpu.memory_space<hbm>>
        %dma_wait3A_152 = arith.constant 0 : i32
        %dma_wait3A_153 = tpu.memref_slice %arg8[%add3A, %dma_wait3A_152] : memref<16x1280xf32, #tpu.memory_space<hbm>> -> memref<1x1280xf32, #tpu.memory_space<hbm>>
        %dma_wait3A_154 = tpu.memref_squeeze %dma_wait3A_153 : memref<1x1280xf32, #tpu.memory_space<hbm>> -> memref<1280xf32, #tpu.memory_space<hbm>>
        tpu.wait_dma2 semaphore(%run_scoped3A : memref<!tpu.dma_semaphore, #tpu.memory_space<semaphore_mem>>) src(%arg20 : memref<1280xf32, #tpu.memory_space<vmem>>) dst(%dma_wait3A_154 : memref<1280xf32, #tpu.memory_space<hbm>>)
        tpu.yield
      }) : () -> ()
    } else {
    }
    return
  }
}

module attributes {stable_mosaic.version = 14 : i64} {
  func.func @_stage1_body(%arg0: i32, %arg1: i32, %arg2: memref<1x256x1024xf32, #tpu.memory_space<vmem>>, %arg3: memref<256x80xf32, #tpu.memory_space<vmem>>, %arg4: memref<1x80xf32, #tpu.memory_space<vmem>>, %arg5: memref<256x256xbf16, #tpu.memory_space<vmem>>, %arg6: memref<1x256xf32, #tpu.memory_space<vmem>>, %arg7: memref<256x256xbf16, #tpu.memory_space<vmem>>, %arg8: memref<1x256xf32, #tpu.memory_space<vmem>>, %arg9: memref<256x4xbf16, #tpu.memory_space<vmem>>, %arg10: memref<1x4xf32, #tpu.memory_space<vmem>>, %arg11: memref<1x1024x256xf32, #tpu.memory_space<vmem>>, %arg12: memref<1x1024x80xf32, #tpu.memory_space<vmem>>, %arg13: memref<1x1024x4xf32, #tpu.memory_space<vmem>>, %arg14: memref<4x1x256xf32, #tpu.memory_space<vmem>>) attributes {dimension_semantics = [#tpu.dimension_semantics<arbitrary>, #tpu.dimension_semantics<arbitrary>], iteration_bounds = array<i64: 16, 4>, scalar_prefetch = 0 : i64, scratch_operands = 0 : i64, tpu.core_type = #tpu.core_type<tc>, window_params = [{transform_indices = @transform_0, window_bounds = array<i64: 1, 256, 1024>}, {pipeline_mode = #tpu.pipeline_mode<synchronous>, transform_indices = @transform_1, window_bounds = array<i64: 256, 80>}, {pipeline_mode = #tpu.pipeline_mode<synchronous>, transform_indices = @transform_2, window_bounds = array<i64: 1, 80>}, {pipeline_mode = #tpu.pipeline_mode<synchronous>, transform_indices = @transform_3, window_bounds = array<i64: 256, 256>}, {pipeline_mode = #tpu.pipeline_mode<synchronous>, transform_indices = @transform_4, window_bounds = array<i64: 1, 256>}, {pipeline_mode = #tpu.pipeline_mode<synchronous>, transform_indices = @transform_5, window_bounds = array<i64: 256, 256>}, {pipeline_mode = #tpu.pipeline_mode<synchronous>, transform_indices = @transform_6, window_bounds = array<i64: 1, 256>}, {pipeline_mode = #tpu.pipeline_mode<synchronous>, transform_indices = @transform_7, window_bounds = array<i64: 256, 4>}, {pipeline_mode = #tpu.pipeline_mode<synchronous>, transform_indices = @transform_8, window_bounds = array<i64: 1, 4>}, {transform_indices = @transform_9, window_bounds = array<i64: 1, 1024, 256>}, {transform_indices = @transform_10, window_bounds = array<i64: 1, 1024, 80>}, {transform_indices = @transform_11, window_bounds = array<i64: 1, 1024, 4>}, {transform_indices = @transform_12, window_bounds = array<i64: 4, 1, 256>}]} {
    %get3A = arith.constant 0 : index
    %get3A_0 = arith.constant 0 : index
    %get3A_1 = arith.constant 0 : index
    %get3A_2 = vector.load %arg2[%get3A, %get3A_0, %get3A_1] : memref<1x256x1024xf32, #tpu.memory_space<vmem>>, vector<1x256x1024xf32>
    %get3A_3 = vector.shape_cast %get3A_2 : vector<1x256x1024xf32> to vector<256x1024xf32>
    %transpose3A = tpu.transpose %get3A_3, [1, 0] : vector<256x1024xf32> -> vector<1024x256xf32>
    %swap3A = arith.constant 0 : index
    %swap3A_4 = arith.constant 0 : index
    %swap3A_5 = arith.constant 0 : index
    %swap3A_6 = vector.load %arg11[%swap3A, %swap3A_4, %swap3A_5] : memref<1x1024x256xf32, #tpu.memory_space<vmem>>, vector<1x1024x256xf32>
    %swap3A_7 = vector.shape_cast %swap3A_6 : vector<1x1024x256xf32> to vector<1024x256xf32>
    %swap3A_8 = vector.shape_cast %transpose3A : vector<1024x256xf32> to vector<1x1024x256xf32>
    tpu.vector_store %arg11[%swap3A, %swap3A_4, %swap3A_5], %swap3A_8 {strides = array<i32>} : memref<1x1024x256xf32, #tpu.memory_space<vmem>>, vector<1x1024x256xf32>,
    %slice3A = vector.extract_strided_slice %transpose3A {offsets = [0, 0], sizes = [1024, 128], strides = [1, 1]} : vector<1024x256xf32> to vector<1024x128xf32>
    %get3A_9 = arith.constant 0 : index
    %get3A_10 = arith.constant 0 : index
    %get3A_11 = vector.load %arg3[%get3A_9, %get3A_10] : memref<256x80xf32, #tpu.memory_space<vmem>>, vector<128x80xf32>
    %dot_general3A = arith.constant dense<0.000000e+00> : vector<1024x80xf32>
    %dot_general3A_12 = tpu.matmul %slice3A, %get3A_11, %dot_general3A {dimension_numbers = #tpu.dot_dimension_numbers<[1], [0], [0], [1], [0, 0, 1, 1], [], []>, transpose_lhs_hint = false} : vector<1024x128xf32>, vector<128x80xf32>, vector<1024x80xf32> -> vector<1024x80xf32>
    %get3A_13 = arith.constant 0 : index
    %get3A_14 = arith.constant 0 : index
    %get3A_15 = vector.load %arg4[%get3A_13, %get3A_14] : memref<1x80xf32, #tpu.memory_space<vmem>>, vector<1x80xf32>
    %add3A = vector.broadcast %get3A_15 : vector<1x80xf32> to vector<1024x80xf32>
    %add3A_16 = arith.addf %dot_general3A_12, %add3A : vector<1024x80xf32>
    %slice3A_17 = vector.extract_strided_slice %transpose3A {offsets = [0, 128], sizes = [1024, 128], strides = [1, 1]} : vector<1024x256xf32> to vector<1024x128xf32>
    %get3A_18 = arith.constant 128 : index
    %get3A_19 = arith.constant 0 : index
    %get3A_20 = vector.load %arg3[%get3A_18, %get3A_19] : memref<256x80xf32, #tpu.memory_space<vmem>>, vector<128x80xf32>
    %dot_general3A_21 = arith.constant dense<0.000000e+00> : vector<1024x80xf32>
    %dot_general3A_22 = tpu.matmul %slice3A_17, %get3A_20, %dot_general3A_21 {dimension_numbers = #tpu.dot_dimension_numbers<[1], [0], [0], [1], [0, 0, 1, 1], [], []>, transpose_lhs_hint = false} : vector<1024x128xf32>, vector<128x80xf32>, vector<1024x80xf32> -> vector<1024x80xf32>
    %add3A_23 = arith.addf %add3A_16, %dot_general3A_22 : vector<1024x80xf32>
    %swap3A_24 = arith.constant 0 : index
    %swap3A_25 = arith.constant 0 : index
    %swap3A_26 = arith.constant 0 : index
    %swap3A_27 = vector.load %arg12[%swap3A_24, %swap3A_25, %swap3A_26] : memref<1x1024x80xf32, #tpu.memory_space<vmem>>, vector<1x1024x80xf32>
    %swap3A_28 = vector.shape_cast %swap3A_27 : vector<1x1024x80xf32> to vector<1024x80xf32>
    %swap3A_29 = vector.shape_cast %add3A_23 : vector<1024x80xf32> to vector<1x1024x80xf32>
    tpu.vector_store %arg12[%swap3A_24, %swap3A_25, %swap3A_26], %swap3A_29 {strides = array<i32>} : memref<1x1024x80xf32, #tpu.memory_space<vmem>>, vector<1x1024x80xf32>,
    %convert_element_type3A = arith.truncf %transpose3A : vector<1024x256xf32> to vector<1024x256xbf16>
    %get3A_30 = arith.constant 0 : index
    %get3A_31 = arith.constant 0 : index
    %get3A_32 = vector.load %arg5[%get3A_30, %get3A_31] : memref<256x256xbf16, #tpu.memory_space<vmem>>, vector<256x256xbf16>
    %dot_general3A_33 = arith.constant dense<0.000000e+00> : vector<1024x256xf32>
    %dot_general3A_34 = tpu.matmul %convert_element_type3A, %get3A_32, %dot_general3A_33 {dimension_numbers = #tpu.dot_dimension_numbers<[1], [0], [0], [1], [0, 0, 1, 1], [], []>, transpose_lhs_hint = false} : vector<1024x256xbf16>, vector<256x256xbf16>, vector<1024x256xf32> -> vector<1024x256xf32>
    %get3A_35 = arith.constant 0 : index
    %get3A_36 = arith.constant 0 : index
    %get3A_37 = vector.load %arg6[%get3A_35, %get3A_36] : memref<1x256xf32, #tpu.memory_space<vmem>>, vector<1x256xf32>
    %add3A_38 = vector.broadcast %get3A_37 : vector<1x256xf32> to vector<1024x256xf32>
    %add3A_39 = arith.addf %dot_general3A_34, %add3A_38 : vector<1024x256xf32>
    %max3A = arith.constant 0.000000e+00 : f32
    %max3A_40 = vector.broadcast %max3A : f32 to vector<1024x256xf32>
    %max3A_41 = arith.maximumf %add3A_39, %max3A_40 : vector<1024x256xf32>
    %convert_element_type3A_42 = arith.truncf %max3A_41 : vector<1024x256xf32> to vector<1024x256xbf16>
    %get3A_43 = arith.constant 0 : index
    %get3A_44 = arith.constant 0 : index
    %get3A_45 = vector.load %arg7[%get3A_43, %get3A_44] : memref<256x256xbf16, #tpu.memory_space<vmem>>, vector<256x256xbf16>
    %dot_general3A_46 = arith.constant dense<0.000000e+00> : vector<1024x256xf32>
    %dot_general3A_47 = tpu.matmul %convert_element_type3A_42, %get3A_45, %dot_general3A_46 {dimension_numbers = #tpu.dot_dimension_numbers<[1], [0], [0], [1], [0, 0, 1, 1], [], []>, transpose_lhs_hint = false} : vector<1024x256xbf16>, vector<256x256xbf16>, vector<1024x256xf32> -> vector<1024x256xf32>
    %get3A_48 = arith.constant 0 : index
    %get3A_49 = arith.constant 0 : index
    %get3A_50 = vector.load %arg8[%get3A_48, %get3A_49] : memref<1x256xf32, #tpu.memory_space<vmem>>, vector<1x256xf32>
    %add3A_51 = vector.broadcast %get3A_50 : vector<1x256xf32> to vector<1024x256xf32>
    %add3A_52 = arith.addf %dot_general3A_47, %add3A_51 : vector<1024x256xf32>
    %max3A_53 = arith.constant 0.000000e+00 : f32
    %max3A_54 = vector.broadcast %max3A_53 : f32 to vector<1024x256xf32>
    %max3A_55 = arith.maximumf %add3A_52, %max3A_54 : vector<1024x256xf32>
    %convert_element_type3A_56 = arith.truncf %max3A_55 : vector<1024x256xf32> to vector<1024x256xbf16>
    %get3A_57 = arith.constant 0 : index
    %get3A_58 = arith.constant 0 : index
    %get3A_59 = vector.load %arg9[%get3A_57, %get3A_58] : memref<256x4xbf16, #tpu.memory_space<vmem>>, vector<256x4xbf16>
    %dot_general3A_60 = arith.constant dense<0.000000e+00> : vector<1024x4xf32>
    %dot_general3A_61 = tpu.matmul %convert_element_type3A_56, %get3A_59, %dot_general3A_60 {dimension_numbers = #tpu.dot_dimension_numbers<[1], [0], [0], [1], [0, 0, 1, 1], [], []>, transpose_lhs_hint = false} : vector<1024x256xbf16>, vector<256x4xbf16>, vector<1024x4xf32> -> vector<1024x4xf32>
    %get3A_62 = arith.constant 0 : index
    %get3A_63 = arith.constant 0 : index
    %get3A_64 = vector.load %arg10[%get3A_62, %get3A_63] : memref<1x4xf32, #tpu.memory_space<vmem>>, vector<1x4xf32>
    %add3A_65 = vector.broadcast %get3A_64 : vector<1x4xf32> to vector<1024x4xf32>
    %add3A_66 = arith.addf %dot_general3A_61, %add3A_65 : vector<1024x4xf32>
    %logistic3A = arith.negf %add3A_66 : vector<1024x4xf32>
    %logistic3A_67 = math.exp %logistic3A : vector<1024x4xf32>
    %logistic3A_68 = arith.constant 1.000000e+00 : f32
    %logistic3A_69 = vector.broadcast %logistic3A_68 : f32 to vector<1024x4xf32>
    %logistic3A_70 = arith.addf %logistic3A_69, %logistic3A_67 : vector<1024x4xf32>
    %logistic3A_71 = arith.divf %logistic3A_69, %logistic3A_70 : vector<1024x4xf32>
    %swap3A_72 = arith.constant 0 : index
    %swap3A_73 = arith.constant 0 : index
    %swap3A_74 = arith.constant 0 : index
    %swap3A_75 = vector.load %arg13[%swap3A_72, %swap3A_73, %swap3A_74] : memref<1x1024x4xf32, #tpu.memory_space<vmem>>, vector<1x1024x4xf32>
    %swap3A_76 = vector.shape_cast %swap3A_75 : vector<1x1024x4xf32> to vector<1024x4xf32>
    %swap3A_77 = vector.shape_cast %logistic3A_71 : vector<1024x4xf32> to vector<1x1024x4xf32>
    tpu.vector_store %arg13[%swap3A_72, %swap3A_73, %swap3A_74], %swap3A_77 {strides = array<i32>} : memref<1x1024x4xf32, #tpu.memory_space<vmem>>, vector<1x1024x4xf32>,
    %reduce_max3A = arith.constant dense<0xFF800000> : vector<1024xf32>
    %reduce_max3A_78 = vector.multi_reduction <maximumf>, %add3A_23, %reduce_max3A [1] : vector<1024x80xf32> to vector<1024xf32>
    %logistic3A_79 = arith.negf %reduce_max3A_78 : vector<1024xf32>
    %logistic3A_80 = math.exp %logistic3A_79 : vector<1024xf32>
    %logistic3A_81 = arith.constant 1.000000e+00 : f32
    %logistic3A_82 = vector.broadcast %logistic3A_81 : f32 to vector<1024xf32>
    %logistic3A_83 = arith.addf %logistic3A_82, %logistic3A_80 : vector<1024xf32>
    %logistic3A_84 = arith.divf %logistic3A_82, %logistic3A_83 : vector<1024xf32>
    %reshape3A = vector.shape_cast %logistic3A_84 : vector<1024xf32> to vector<4x1x256xf32>
    %swap3A_85 = arith.constant 0 : index
    %swap3A_86 = arith.constant 0 : index
    %swap3A_87 = arith.constant 0 : index
    %swap3A_88 = vector.load %arg14[%swap3A_85, %swap3A_86, %swap3A_87] : memref<4x1x256xf32, #tpu.memory_space<vmem>>, vector<4x1x256xf32>
    tpu.vector_store %arg14[%swap3A_85, %swap3A_86, %swap3A_87], %reshape3A {strides = array<i32>} : memref<4x1x256xf32, #tpu.memory_space<vmem>>, vector<4x1x256xf32>,
    return
  }
  func.func @transform_0(%arg0: i32, %arg1: i32) -> (i32, i32, i32) {
    %c0_i32 = arith.constant 0 : i32
    %c0_i32_0 = arith.constant 0 : i32
    return %arg0, %c0_i32, %arg1 : i32, i32, i32
  }
  func.func @transform_1(%arg0: i32, %arg1: i32) -> (i32, i32) {
    %c0_i32 = arith.constant 0 : i32
    %c0_i32_0 = arith.constant 0 : i32
    %c0_i32_1 = arith.constant 0 : i32
    return %c0_i32, %c0_i32_0 : i32, i32
  }
  func.func @transform_2(%arg0: i32, %arg1: i32) -> (i32, i32) {
    %c0_i32 = arith.constant 0 : i32
    %c0_i32_0 = arith.constant 0 : i32
    %c0_i32_1 = arith.constant 0 : i32
    return %c0_i32, %c0_i32_0 : i32, i32
  }
  func.func @transform_3(%arg0: i32, %arg1: i32) -> (i32, i32) {
    %c0_i32 = arith.constant 0 : i32
    %c0_i32_0 = arith.constant 0 : i32
    %c0_i32_1 = arith.constant 0 : i32
    return %c0_i32, %c0_i32_0 : i32, i32
  }
  func.func @transform_4(%arg0: i32, %arg1: i32) -> (i32, i32) {
    %c0_i32 = arith.constant 0 : i32
    %c0_i32_0 = arith.constant 0 : i32
    %c0_i32_1 = arith.constant 0 : i32
    return %c0_i32, %c0_i32_0 : i32, i32
  }
  func.func @transform_5(%arg0: i32, %arg1: i32) -> (i32, i32) {
    %c0_i32 = arith.constant 0 : i32
    %c0_i32_0 = arith.constant 0 : i32
    %c0_i32_1 = arith.constant 0 : i32
    return %c0_i32, %c0_i32_0 : i32, i32
  }
  func.func @transform_6(%arg0: i32, %arg1: i32) -> (i32, i32) {
    %c0_i32 = arith.constant 0 : i32
    %c0_i32_0 = arith.constant 0 : i32
    %c0_i32_1 = arith.constant 0 : i32
    return %c0_i32, %c0_i32_0 : i32, i32
  }
  func.func @transform_7(%arg0: i32, %arg1: i32) -> (i32, i32) {
    %c0_i32 = arith.constant 0 : i32
    %c0_i32_0 = arith.constant 0 : i32
    %c0_i32_1 = arith.constant 0 : i32
    return %c0_i32, %c0_i32_0 : i32, i32
  }
  func.func @transform_8(%arg0: i32, %arg1: i32) -> (i32, i32) {
    %c0_i32 = arith.constant 0 : i32
    %c0_i32_0 = arith.constant 0 : i32
    %c0_i32_1 = arith.constant 0 : i32
    return %c0_i32, %c0_i32_0 : i32, i32
  }
  func.func @transform_9(%arg0: i32, %arg1: i32) -> (i32, i32, i32) {
    %add3A = arith.constant 0 : i32
    %add3A_0 = arith.addi %add3A, %arg1 : i32
    %c0_i32 = arith.constant 0 : i32
    %c0_i32_1 = arith.constant 0 : i32
    return %arg0, %add3A_0, %c0_i32 : i32, i32, i32
  }
  func.func @transform_10(%arg0: i32, %arg1: i32) -> (i32, i32, i32) {
    %add3A = arith.constant 0 : i32
    %add3A_0 = arith.addi %add3A, %arg1 : i32
    %c0_i32 = arith.constant 0 : i32
    %c0_i32_1 = arith.constant 0 : i32
    return %arg0, %add3A_0, %c0_i32 : i32, i32, i32
  }
  func.func @transform_11(%arg0: i32, %arg1: i32) -> (i32, i32, i32) {
    %add3A = arith.constant 0 : i32
    %add3A_0 = arith.addi %add3A, %arg1 : i32
    %c0_i32 = arith.constant 0 : i32
    %c0_i32_1 = arith.constant 0 : i32
    return %arg0, %add3A_0, %c0_i32 : i32, i32, i32
  }
  func.func @transform_12(%arg0: i32, %arg1: i32) -> (i32, i32, i32) {
    %mul3A = arith.constant 16 : i32
    %mul3A_0 = arith.muli %arg0, %mul3A : i32
    %jit3A = arith.constant 4 : i32
    %div3A = arith.divsi %mul3A_0, %jit3A : i32
    %sign3A = arith.constant 0 : i32
    %sign3A_1 = arith.cmpi sgt, %mul3A_0, %sign3A : i32
    %sign3A_2 = arith.extui %sign3A_1 : i1 to i32
    %sign3A_3 = arith.constant 0 : i32
    %sign3A_4 = arith.cmpi slt, %mul3A_0, %sign3A_3 : i32
    %sign3A_5 = arith.extui %sign3A_4 : i1 to i32
    %sign3A_6 = arith.subi %sign3A_2, %sign3A_5 : i32
    %sign3A_7 = arith.constant 0 : i32
    %sign3A_8 = arith.cmpi sgt, %jit3A, %sign3A_7 : i32
    %sign3A_9 = arith.extui %sign3A_8 : i1 to i32
    %sign3A_10 = arith.constant 0 : i32
    %sign3A_11 = arith.cmpi slt, %jit3A, %sign3A_10 : i32
    %sign3A_12 = arith.extui %sign3A_11 : i1 to i32
    %sign3A_13 = arith.subi %sign3A_9, %sign3A_12 : i32
    %ne3A = arith.cmpi ne, %sign3A_6, %sign3A_13 : i32
    %rem3A = arith.remsi %mul3A_0, %jit3A : i32
    %ne3A_14 = arith.constant 0 : i32
    %ne3A_15 = arith.cmpi ne, %rem3A, %ne3A_14 : i32
    %and3A = arith.andi %ne3A, %ne3A_15 : i1
    %sub3A = arith.constant 1 : i32
    %sub3A_16 = arith.subi %div3A, %sub3A : i32
    %select_n3A = arith.select %and3A, %sub3A_16, %div3A : i32
    %add3A = arith.addi %select_n3A, %arg1 : i32
    %c0_i32 = arith.constant 0 : i32
    %c0_i32_17 = arith.constant 0 : i32
    %c0_i32_18 = arith.constant 0 : i32
    return %add3A, %c0_i32, %c0_i32_17 : i32, i32, i32
  }
}

module attributes {stable_mosaic.version = 14 : i64} {
  func.func @_stage1_body(%arg0: i32, %arg1: i32, %arg2: memref<1x256x1024xf32, #tpu.memory_space<vmem>>, %arg3: memref<256x80xf32, #tpu.memory_space<vmem>>, %arg4: memref<1x80xf32, #tpu.memory_space<vmem>>, %arg5: memref<256x256xbf16, #tpu.memory_space<vmem>>, %arg6: memref<1x256xf32, #tpu.memory_space<vmem>>, %arg7: memref<256x256xbf16, #tpu.memory_space<vmem>>, %arg8: memref<1x256xf32, #tpu.memory_space<vmem>>, %arg9: memref<256x4xbf16, #tpu.memory_space<vmem>>, %arg10: memref<1x4xf32, #tpu.memory_space<vmem>>, %arg11: memref<16x5376x256xf32, #tpu.memory_space<any>>, %arg12: memref<16x5376x80xf32, #tpu.memory_space<any>>, %arg13: memref<16x5376x4xf32, #tpu.memory_space<any>>, %arg14: memref<1x1024x256xf32, #tpu.memory_space<vmem>>, %arg15: memref<1x1024x80xf32, #tpu.memory_space<vmem>>, %arg16: memref<1x1024x4xf32, #tpu.memory_space<vmem>>, %arg17: memref<4x1x256xf32, #tpu.memory_space<vmem>>) attributes {dimension_semantics = [#tpu.dimension_semantics<arbitrary>, #tpu.dimension_semantics<arbitrary>], iteration_bounds = array<i64: 16, 1>, scalar_prefetch = 0 : i64, scratch_operands = 0 : i64, tpu.core_type = #tpu.core_type<tc>, window_params = [{transform_indices = @transform_0, window_bounds = array<i64: 1, 256, 1024>}, {pipeline_mode = #tpu.pipeline_mode<synchronous>, transform_indices = @transform_1, window_bounds = array<i64: 256, 80>}, {pipeline_mode = #tpu.pipeline_mode<synchronous>, transform_indices = @transform_2, window_bounds = array<i64: 1, 80>}, {pipeline_mode = #tpu.pipeline_mode<synchronous>, transform_indices = @transform_3, window_bounds = array<i64: 256, 256>}, {pipeline_mode = #tpu.pipeline_mode<synchronous>, transform_indices = @transform_4, window_bounds = array<i64: 1, 256>}, {pipeline_mode = #tpu.pipeline_mode<synchronous>, transform_indices = @transform_5, window_bounds = array<i64: 256, 256>}, {pipeline_mode = #tpu.pipeline_mode<synchronous>, transform_indices = @transform_6, window_bounds = array<i64: 1, 256>}, {pipeline_mode = #tpu.pipeline_mode<synchronous>, transform_indices = @transform_7, window_bounds = array<i64: 256, 4>}, {pipeline_mode = #tpu.pipeline_mode<synchronous>, transform_indices = @transform_8, window_bounds = array<i64: 1, 4>}, {}, {}, {}, {transform_indices = @transform_12, window_bounds = array<i64: 1, 1024, 256>}, {transform_indices = @transform_13, window_bounds = array<i64: 1, 1024, 80>}, {transform_indices = @transform_14, window_bounds = array<i64: 1, 1024, 4>}, {transform_indices = @transform_15, window_bounds = array<i64: 4, 1, 256>}]} {
    %get3A = arith.constant 0 : index
    %get3A_0 = arith.constant 0 : index
    %get3A_1 = arith.constant 0 : index
    %get3A_2 = vector.load %arg2[%get3A, %get3A_0, %get3A_1] : memref<1x256x1024xf32, #tpu.memory_space<vmem>>, vector<1x256x1024xf32>
    %get3A_3 = vector.shape_cast %get3A_2 : vector<1x256x1024xf32> to vector<256x1024xf32>
    %transpose3A = tpu.transpose %get3A_3, [1, 0] : vector<256x1024xf32> -> vector<1024x256xf32>
    %swap3A = arith.constant 0 : index
    %swap3A_4 = arith.constant 0 : index
    %swap3A_5 = arith.constant 0 : index
    %swap3A_6 = vector.load %arg14[%swap3A, %swap3A_4, %swap3A_5] : memref<1x1024x256xf32, #tpu.memory_space<vmem>>, vector<1x1024x256xf32>
    %swap3A_7 = vector.shape_cast %swap3A_6 : vector<1x1024x256xf32> to vector<1024x256xf32>
    %swap3A_8 = vector.shape_cast %transpose3A : vector<1024x256xf32> to vector<1x1024x256xf32>
    tpu.vector_store %arg14[%swap3A, %swap3A_4, %swap3A_5], %swap3A_8 {strides = array<i32>} : memref<1x1024x256xf32, #tpu.memory_space<vmem>>, vector<1x1024x256xf32>,
    %slice3A = vector.extract_strided_slice %transpose3A {offsets = [0, 0], sizes = [1024, 128], strides = [1, 1]} : vector<1024x256xf32> to vector<1024x128xf32>
    %get3A_9 = arith.constant 0 : index
    %get3A_10 = arith.constant 0 : index
    %get3A_11 = vector.load %arg3[%get3A_9, %get3A_10] : memref<256x80xf32, #tpu.memory_space<vmem>>, vector<128x80xf32>
    %dot_general3A = arith.constant dense<0.000000e+00> : vector<1024x80xf32>
    %dot_general3A_12 = tpu.matmul %slice3A, %get3A_11, %dot_general3A {dimension_numbers = #tpu.dot_dimension_numbers<[1], [0], [0], [1], [0, 0, 1, 1], [], []>, transpose_lhs_hint = false} : vector<1024x128xf32>, vector<128x80xf32>, vector<1024x80xf32> -> vector<1024x80xf32>
    %get3A_13 = arith.constant 0 : index
    %get3A_14 = arith.constant 0 : index
    %get3A_15 = vector.load %arg4[%get3A_13, %get3A_14] : memref<1x80xf32, #tpu.memory_space<vmem>>, vector<1x80xf32>
    %add3A = vector.broadcast %get3A_15 : vector<1x80xf32> to vector<1024x80xf32>
    %add3A_16 = arith.addf %dot_general3A_12, %add3A : vector<1024x80xf32>
    %slice3A_17 = vector.extract_strided_slice %transpose3A {offsets = [0, 128], sizes = [1024, 128], strides = [1, 1]} : vector<1024x256xf32> to vector<1024x128xf32>
    %get3A_18 = arith.constant 128 : index
    %get3A_19 = arith.constant 0 : index
    %get3A_20 = vector.load %arg3[%get3A_18, %get3A_19] : memref<256x80xf32, #tpu.memory_space<vmem>>, vector<128x80xf32>
    %dot_general3A_21 = arith.constant dense<0.000000e+00> : vector<1024x80xf32>
    %dot_general3A_22 = tpu.matmul %slice3A_17, %get3A_20, %dot_general3A_21 {dimension_numbers = #tpu.dot_dimension_numbers<[1], [0], [0], [1], [0, 0, 1, 1], [], []>, transpose_lhs_hint = false} : vector<1024x128xf32>, vector<128x80xf32>, vector<1024x80xf32> -> vector<1024x80xf32>
    %add3A_23 = arith.addf %add3A_16, %dot_general3A_22 : vector<1024x80xf32>
    %swap3A_24 = arith.constant 0 : index
    %swap3A_25 = arith.constant 0 : index
    %swap3A_26 = arith.constant 0 : index
    %swap3A_27 = vector.load %arg15[%swap3A_24, %swap3A_25, %swap3A_26] : memref<1x1024x80xf32, #tpu.memory_space<vmem>>, vector<1x1024x80xf32>
    %swap3A_28 = vector.shape_cast %swap3A_27 : vector<1x1024x80xf32> to vector<1024x80xf32>
    %swap3A_29 = vector.shape_cast %add3A_23 : vector<1024x80xf32> to vector<1x1024x80xf32>
    tpu.vector_store %arg15[%swap3A_24, %swap3A_25, %swap3A_26], %swap3A_29 {strides = array<i32>} : memref<1x1024x80xf32, #tpu.memory_space<vmem>>, vector<1x1024x80xf32>,
    %convert_element_type3A = arith.truncf %transpose3A : vector<1024x256xf32> to vector<1024x256xbf16>
    %get3A_30 = arith.constant 0 : index
    %get3A_31 = arith.constant 0 : index
    %get3A_32 = vector.load %arg5[%get3A_30, %get3A_31] : memref<256x256xbf16, #tpu.memory_space<vmem>>, vector<256x256xbf16>
    %dot_general3A_33 = arith.constant dense<0.000000e+00> : vector<1024x256xf32>
    %dot_general3A_34 = tpu.matmul %convert_element_type3A, %get3A_32, %dot_general3A_33 {dimension_numbers = #tpu.dot_dimension_numbers<[1], [0], [0], [1], [0, 0, 1, 1], [], []>, transpose_lhs_hint = false} : vector<1024x256xbf16>, vector<256x256xbf16>, vector<1024x256xf32> -> vector<1024x256xf32>
    %get3A_35 = arith.constant 0 : index
    %get3A_36 = arith.constant 0 : index
    %get3A_37 = vector.load %arg6[%get3A_35, %get3A_36] : memref<1x256xf32, #tpu.memory_space<vmem>>, vector<1x256xf32>
    %add3A_38 = vector.broadcast %get3A_37 : vector<1x256xf32> to vector<1024x256xf32>
    %add3A_39 = arith.addf %dot_general3A_34, %add3A_38 : vector<1024x256xf32>
    %max3A = arith.constant 0.000000e+00 : f32
    %max3A_40 = vector.broadcast %max3A : f32 to vector<1024x256xf32>
    %max3A_41 = arith.maximumf %add3A_39, %max3A_40 : vector<1024x256xf32>
    %convert_element_type3A_42 = arith.truncf %max3A_41 : vector<1024x256xf32> to vector<1024x256xbf16>
    %get3A_43 = arith.constant 0 : index
    %get3A_44 = arith.constant 0 : index
    %get3A_45 = vector.load %arg7[%get3A_43, %get3A_44] : memref<256x256xbf16, #tpu.memory_space<vmem>>, vector<256x256xbf16>
    %dot_general3A_46 = arith.constant dense<0.000000e+00> : vector<1024x256xf32>
    %dot_general3A_47 = tpu.matmul %convert_element_type3A_42, %get3A_45, %dot_general3A_46 {dimension_numbers = #tpu.dot_dimension_numbers<[1], [0], [0], [1], [0, 0, 1, 1], [], []>, transpose_lhs_hint = false} : vector<1024x256xbf16>, vector<256x256xbf16>, vector<1024x256xf32> -> vector<1024x256xf32>
    %get3A_48 = arith.constant 0 : index
    %get3A_49 = arith.constant 0 : index
    %get3A_50 = vector.load %arg8[%get3A_48, %get3A_49] : memref<1x256xf32, #tpu.memory_space<vmem>>, vector<1x256xf32>
    %add3A_51 = vector.broadcast %get3A_50 : vector<1x256xf32> to vector<1024x256xf32>
    %add3A_52 = arith.addf %dot_general3A_47, %add3A_51 : vector<1024x256xf32>
    %max3A_53 = arith.constant 0.000000e+00 : f32
    %max3A_54 = vector.broadcast %max3A_53 : f32 to vector<1024x256xf32>
    %max3A_55 = arith.maximumf %add3A_52, %max3A_54 : vector<1024x256xf32>
    %convert_element_type3A_56 = arith.truncf %max3A_55 : vector<1024x256xf32> to vector<1024x256xbf16>
    %get3A_57 = arith.constant 0 : index
    %get3A_58 = arith.constant 0 : index
    %get3A_59 = vector.load %arg9[%get3A_57, %get3A_58] : memref<256x4xbf16, #tpu.memory_space<vmem>>, vector<256x4xbf16>
    %dot_general3A_60 = arith.constant dense<0.000000e+00> : vector<1024x4xf32>
    %dot_general3A_61 = tpu.matmul %convert_element_type3A_56, %get3A_59, %dot_general3A_60 {dimension_numbers = #tpu.dot_dimension_numbers<[1], [0], [0], [1], [0, 0, 1, 1], [], []>, transpose_lhs_hint = false} : vector<1024x256xbf16>, vector<256x4xbf16>, vector<1024x4xf32> -> vector<1024x4xf32>
    %get3A_62 = arith.constant 0 : index
    %get3A_63 = arith.constant 0 : index
    %get3A_64 = vector.load %arg10[%get3A_62, %get3A_63] : memref<1x4xf32, #tpu.memory_space<vmem>>, vector<1x4xf32>
    %add3A_65 = vector.broadcast %get3A_64 : vector<1x4xf32> to vector<1024x4xf32>
    %add3A_66 = arith.addf %dot_general3A_61, %add3A_65 : vector<1024x4xf32>
    %logistic3A = arith.negf %add3A_66 : vector<1024x4xf32>
    %logistic3A_67 = math.exp %logistic3A : vector<1024x4xf32>
    %logistic3A_68 = arith.constant 1.000000e+00 : f32
    %logistic3A_69 = vector.broadcast %logistic3A_68 : f32 to vector<1024x4xf32>
    %logistic3A_70 = arith.addf %logistic3A_69, %logistic3A_67 : vector<1024x4xf32>
    %logistic3A_71 = arith.divf %logistic3A_69, %logistic3A_70 : vector<1024x4xf32>
    %swap3A_72 = arith.constant 0 : index
    %swap3A_73 = arith.constant 0 : index
    %swap3A_74 = arith.constant 0 : index
    %swap3A_75 = vector.load %arg16[%swap3A_72, %swap3A_73, %swap3A_74] : memref<1x1024x4xf32, #tpu.memory_space<vmem>>, vector<1x1024x4xf32>
    %swap3A_76 = vector.shape_cast %swap3A_75 : vector<1x1024x4xf32> to vector<1024x4xf32>
    %swap3A_77 = vector.shape_cast %logistic3A_71 : vector<1024x4xf32> to vector<1x1024x4xf32>
    tpu.vector_store %arg16[%swap3A_72, %swap3A_73, %swap3A_74], %swap3A_77 {strides = array<i32>} : memref<1x1024x4xf32, #tpu.memory_space<vmem>>, vector<1x1024x4xf32>,
    %reduce_max3A = arith.constant dense<0xFF800000> : vector<1024xf32>
    %reduce_max3A_78 = vector.multi_reduction <maximumf>, %add3A_23, %reduce_max3A [1] : vector<1024x80xf32> to vector<1024xf32>
    %logistic3A_79 = arith.negf %reduce_max3A_78 : vector<1024xf32>
    %logistic3A_80 = math.exp %logistic3A_79 : vector<1024xf32>
    %logistic3A_81 = arith.constant 1.000000e+00 : f32
    %logistic3A_82 = vector.broadcast %logistic3A_81 : f32 to vector<1024xf32>
    %logistic3A_83 = arith.addf %logistic3A_82, %logistic3A_80 : vector<1024xf32>
    %logistic3A_84 = arith.divf %logistic3A_82, %logistic3A_83 : vector<1024xf32>
    %reshape3A = vector.shape_cast %logistic3A_84 : vector<1024xf32> to vector<4x1x256xf32>
    %swap3A_85 = arith.constant 0 : index
    %swap3A_86 = arith.constant 0 : index
    %swap3A_87 = arith.constant 0 : index
    %swap3A_88 = vector.load %arg17[%swap3A_85, %swap3A_86, %swap3A_87] : memref<4x1x256xf32, #tpu.memory_space<vmem>>, vector<4x1x256xf32>
    tpu.vector_store %arg17[%swap3A_85, %swap3A_86, %swap3A_87], %reshape3A {strides = array<i32>} : memref<4x1x256xf32, #tpu.memory_space<vmem>>, vector<4x1x256xf32>,
    return
  }
  func.func @transform_0(%arg0: i32, %arg1: i32) -> (i32, i32, i32) {
    %c0_i32 = arith.constant 0 : i32
    %c0_i32_0 = arith.constant 0 : i32
    return %arg0, %c0_i32, %arg1 : i32, i32, i32
  }
  func.func @transform_1(%arg0: i32, %arg1: i32) -> (i32, i32) {
    %c0_i32 = arith.constant 0 : i32
    %c0_i32_0 = arith.constant 0 : i32
    %c0_i32_1 = arith.constant 0 : i32
    return %c0_i32, %c0_i32_0 : i32, i32
  }
  func.func @transform_2(%arg0: i32, %arg1: i32) -> (i32, i32) {
    %c0_i32 = arith.constant 0 : i32
    %c0_i32_0 = arith.constant 0 : i32
    %c0_i32_1 = arith.constant 0 : i32
    return %c0_i32, %c0_i32_0 : i32, i32
  }
  func.func @transform_3(%arg0: i32, %arg1: i32) -> (i32, i32) {
    %c0_i32 = arith.constant 0 : i32
    %c0_i32_0 = arith.constant 0 : i32
    %c0_i32_1 = arith.constant 0 : i32
    return %c0_i32, %c0_i32_0 : i32, i32
  }
  func.func @transform_4(%arg0: i32, %arg1: i32) -> (i32, i32) {
    %c0_i32 = arith.constant 0 : i32
    %c0_i32_0 = arith.constant 0 : i32
    %c0_i32_1 = arith.constant 0 : i32
    return %c0_i32, %c0_i32_0 : i32, i32
  }
  func.func @transform_5(%arg0: i32, %arg1: i32) -> (i32, i32) {
    %c0_i32 = arith.constant 0 : i32
    %c0_i32_0 = arith.constant 0 : i32
    %c0_i32_1 = arith.constant 0 : i32
    return %c0_i32, %c0_i32_0 : i32, i32
  }
  func.func @transform_6(%arg0: i32, %arg1: i32) -> (i32, i32) {
    %c0_i32 = arith.constant 0 : i32
    %c0_i32_0 = arith.constant 0 : i32
    %c0_i32_1 = arith.constant 0 : i32
    return %c0_i32, %c0_i32_0 : i32, i32
  }
  func.func @transform_7(%arg0: i32, %arg1: i32) -> (i32, i32) {
    %c0_i32 = arith.constant 0 : i32
    %c0_i32_0 = arith.constant 0 : i32
    %c0_i32_1 = arith.constant 0 : i32
    return %c0_i32, %c0_i32_0 : i32, i32
  }
  func.func @transform_8(%arg0: i32, %arg1: i32) -> (i32, i32) {
    %c0_i32 = arith.constant 0 : i32
    %c0_i32_0 = arith.constant 0 : i32
    %c0_i32_1 = arith.constant 0 : i32
    return %c0_i32, %c0_i32_0 : i32, i32
  }
  func.func @transform_12(%arg0: i32, %arg1: i32) -> (i32, i32, i32) {
    %add3A = arith.constant 4 : i32
    %add3A_0 = arith.addi %add3A, %arg1 : i32
    %c0_i32 = arith.constant 0 : i32
    %c0_i32_1 = arith.constant 0 : i32
    return %arg0, %add3A_0, %c0_i32 : i32, i32, i32
  }
  func.func @transform_13(%arg0: i32, %arg1: i32) -> (i32, i32, i32) {
    %add3A = arith.constant 4 : i32
    %add3A_0 = arith.addi %add3A, %arg1 : i32
    %c0_i32 = arith.constant 0 : i32
    %c0_i32_1 = arith.constant 0 : i32
    return %arg0, %add3A_0, %c0_i32 : i32, i32, i32
  }
  func.func @transform_14(%arg0: i32, %arg1: i32) -> (i32, i32, i32) {
    %add3A = arith.constant 4 : i32
    %add3A_0 = arith.addi %add3A, %arg1 : i32
    %c0_i32 = arith.constant 0 : i32
    %c0_i32_1 = arith.constant 0 : i32
    return %arg0, %add3A_0, %c0_i32 : i32, i32, i32
  }
  func.func @transform_15(%arg0: i32, %arg1: i32) -> (i32, i32, i32) {
    %mul3A = arith.constant 4 : i32
    %mul3A_0 = arith.muli %arg0, %mul3A : i32
    %jit3A = arith.constant 4 : i32
    %div3A = arith.divsi %mul3A_0, %jit3A : i32
    %sign3A = arith.constant 0 : i32
    %sign3A_1 = arith.cmpi sgt, %mul3A_0, %sign3A : i32
    %sign3A_2 = arith.extui %sign3A_1 : i1 to i32
    %sign3A_3 = arith.constant 0 : i32
    %sign3A_4 = arith.cmpi slt, %mul3A_0, %sign3A_3 : i32
    %sign3A_5 = arith.extui %sign3A_4 : i1 to i32
    %sign3A_6 = arith.subi %sign3A_2, %sign3A_5 : i32
    %sign3A_7 = arith.constant 0 : i32
    %sign3A_8 = arith.cmpi sgt, %jit3A, %sign3A_7 : i32
    %sign3A_9 = arith.extui %sign3A_8 : i1 to i32
    %sign3A_10 = arith.constant 0 : i32
    %sign3A_11 = arith.cmpi slt, %jit3A, %sign3A_10 : i32
    %sign3A_12 = arith.extui %sign3A_11 : i1 to i32
    %sign3A_13 = arith.subi %sign3A_9, %sign3A_12 : i32
    %ne3A = arith.cmpi ne, %sign3A_6, %sign3A_13 : i32
    %rem3A = arith.remsi %mul3A_0, %jit3A : i32
    %ne3A_14 = arith.constant 0 : i32
    %ne3A_15 = arith.cmpi ne, %rem3A, %ne3A_14 : i32
    %and3A = arith.andi %ne3A, %ne3A_15 : i1
    %sub3A = arith.constant 1 : i32
    %sub3A_16 = arith.subi %div3A, %sub3A : i32
    %select_n3A = arith.select %and3A, %sub3A_16, %div3A : i32
    %add3A = arith.addi %select_n3A, %arg1 : i32
    %c0_i32 = arith.constant 0 : i32
    %c0_i32_17 = arith.constant 0 : i32
    %c0_i32_18 = arith.constant 0 : i32
    return %add3A, %c0_i32, %c0_i32_17 : i32, i32, i32
  }
}

module attributes {stable_mosaic.version = 14 : i64} {
  func.func @_stage1_body(%arg0: i32, %arg1: i32, %arg2: memref<1x256x256xf32, #tpu.memory_space<vmem>>, %arg3: memref<256x80xf32, #tpu.memory_space<vmem>>, %arg4: memref<1x80xf32, #tpu.memory_space<vmem>>, %arg5: memref<256x256xbf16, #tpu.memory_space<vmem>>, %arg6: memref<1x256xf32, #tpu.memory_space<vmem>>, %arg7: memref<256x256xbf16, #tpu.memory_space<vmem>>, %arg8: memref<1x256xf32, #tpu.memory_space<vmem>>, %arg9: memref<256x4xbf16, #tpu.memory_space<vmem>>, %arg10: memref<1x4xf32, #tpu.memory_space<vmem>>, %arg11: memref<16x5376x256xf32, #tpu.memory_space<any>>, %arg12: memref<16x5376x80xf32, #tpu.memory_space<any>>, %arg13: memref<16x5376x4xf32, #tpu.memory_space<any>>, %arg14: memref<1x256x256xf32, #tpu.memory_space<vmem>>, %arg15: memref<1x256x80xf32, #tpu.memory_space<vmem>>, %arg16: memref<1x256x4xf32, #tpu.memory_space<vmem>>, %arg17: memref<1x1x256xf32, #tpu.memory_space<vmem>>) attributes {dimension_semantics = [#tpu.dimension_semantics<arbitrary>, #tpu.dimension_semantics<arbitrary>], iteration_bounds = array<i64: 16, 1>, scalar_prefetch = 0 : i64, scratch_operands = 0 : i64, tpu.core_type = #tpu.core_type<tc>, window_params = [{transform_indices = @transform_0, window_bounds = array<i64: 1, 256, 256>}, {pipeline_mode = #tpu.pipeline_mode<synchronous>, transform_indices = @transform_1, window_bounds = array<i64: 256, 80>}, {pipeline_mode = #tpu.pipeline_mode<synchronous>, transform_indices = @transform_2, window_bounds = array<i64: 1, 80>}, {pipeline_mode = #tpu.pipeline_mode<synchronous>, transform_indices = @transform_3, window_bounds = array<i64: 256, 256>}, {pipeline_mode = #tpu.pipeline_mode<synchronous>, transform_indices = @transform_4, window_bounds = array<i64: 1, 256>}, {pipeline_mode = #tpu.pipeline_mode<synchronous>, transform_indices = @transform_5, window_bounds = array<i64: 256, 256>}, {pipeline_mode = #tpu.pipeline_mode<synchronous>, transform_indices = @transform_6, window_bounds = array<i64: 1, 256>}, {pipeline_mode = #tpu.pipeline_mode<synchronous>, transform_indices = @transform_7, window_bounds = array<i64: 256, 4>}, {pipeline_mode = #tpu.pipeline_mode<synchronous>, transform_indices = @transform_8, window_bounds = array<i64: 1, 4>}, {}, {}, {}, {transform_indices = @transform_12, window_bounds = array<i64: 1, 256, 256>}, {transform_indices = @transform_13, window_bounds = array<i64: 1, 256, 80>}, {transform_indices = @transform_14, window_bounds = array<i64: 1, 256, 4>}, {transform_indices = @transform_15, window_bounds = array<i64: 1, 1, 256>}]} {
    %get3A = arith.constant 0 : index
    %get3A_0 = arith.constant 0 : index
    %get3A_1 = arith.constant 0 : index
    %get3A_2 = vector.load %arg2[%get3A, %get3A_0, %get3A_1] : memref<1x256x256xf32, #tpu.memory_space<vmem>>, vector<1x256x256xf32>
    %get3A_3 = vector.shape_cast %get3A_2 : vector<1x256x256xf32> to vector<256x256xf32>
    %transpose3A = tpu.transpose %get3A_3, [1, 0] : vector<256x256xf32> -> vector<256x256xf32>
    %swap3A = arith.constant 0 : index
    %swap3A_4 = arith.constant 0 : index
    %swap3A_5 = arith.constant 0 : index
    %swap3A_6 = vector.load %arg14[%swap3A, %swap3A_4, %swap3A_5] : memref<1x256x256xf32, #tpu.memory_space<vmem>>, vector<1x256x256xf32>
    %swap3A_7 = vector.shape_cast %swap3A_6 : vector<1x256x256xf32> to vector<256x256xf32>
    %swap3A_8 = vector.shape_cast %transpose3A : vector<256x256xf32> to vector<1x256x256xf32>
    tpu.vector_store %arg14[%swap3A, %swap3A_4, %swap3A_5], %swap3A_8 {strides = array<i32>} : memref<1x256x256xf32, #tpu.memory_space<vmem>>, vector<1x256x256xf32>,
    %slice3A = vector.extract_strided_slice %transpose3A {offsets = [0, 0], sizes = [256, 128], strides = [1, 1]} : vector<256x256xf32> to vector<256x128xf32>
    %get3A_9 = arith.constant 0 : index
    %get3A_10 = arith.constant 0 : index
    %get3A_11 = vector.load %arg3[%get3A_9, %get3A_10] : memref<256x80xf32, #tpu.memory_space<vmem>>, vector<128x80xf32>
    %dot_general3A = arith.constant dense<0.000000e+00> : vector<256x80xf32>
    %dot_general3A_12 = tpu.matmul %slice3A, %get3A_11, %dot_general3A {dimension_numbers = #tpu.dot_dimension_numbers<[1], [0], [0], [1], [0, 0, 1, 1], [], []>, transpose_lhs_hint = false} : vector<256x128xf32>, vector<128x80xf32>, vector<256x80xf32> -> vector<256x80xf32>
    %get3A_13 = arith.constant 0 : index
    %get3A_14 = arith.constant 0 : index
    %get3A_15 = vector.load %arg4[%get3A_13, %get3A_14] : memref<1x80xf32, #tpu.memory_space<vmem>>, vector<1x80xf32>
    %add3A = vector.broadcast %get3A_15 : vector<1x80xf32> to vector<256x80xf32>
    %add3A_16 = arith.addf %dot_general3A_12, %add3A : vector<256x80xf32>
    %slice3A_17 = vector.extract_strided_slice %transpose3A {offsets = [0, 128], sizes = [256, 128], strides = [1, 1]} : vector<256x256xf32> to vector<256x128xf32>
    %get3A_18 = arith.constant 128 : index
    %get3A_19 = arith.constant 0 : index
    %get3A_20 = vector.load %arg3[%get3A_18, %get3A_19] : memref<256x80xf32, #tpu.memory_space<vmem>>, vector<128x80xf32>
    %dot_general3A_21 = arith.constant dense<0.000000e+00> : vector<256x80xf32>
    %dot_general3A_22 = tpu.matmul %slice3A_17, %get3A_20, %dot_general3A_21 {dimension_numbers = #tpu.dot_dimension_numbers<[1], [0], [0], [1], [0, 0, 1, 1], [], []>, transpose_lhs_hint = false} : vector<256x128xf32>, vector<128x80xf32>, vector<256x80xf32> -> vector<256x80xf32>
    %add3A_23 = arith.addf %add3A_16, %dot_general3A_22 : vector<256x80xf32>
    %swap3A_24 = arith.constant 0 : index
    %swap3A_25 = arith.constant 0 : index
    %swap3A_26 = arith.constant 0 : index
    %swap3A_27 = vector.load %arg15[%swap3A_24, %swap3A_25, %swap3A_26] : memref<1x256x80xf32, #tpu.memory_space<vmem>>, vector<1x256x80xf32>
    %swap3A_28 = vector.shape_cast %swap3A_27 : vector<1x256x80xf32> to vector<256x80xf32>
    %swap3A_29 = vector.shape_cast %add3A_23 : vector<256x80xf32> to vector<1x256x80xf32>
    tpu.vector_store %arg15[%swap3A_24, %swap3A_25, %swap3A_26], %swap3A_29 {strides = array<i32>} : memref<1x256x80xf32, #tpu.memory_space<vmem>>, vector<1x256x80xf32>,
    %convert_element_type3A = arith.truncf %transpose3A : vector<256x256xf32> to vector<256x256xbf16>
    %get3A_30 = arith.constant 0 : index
    %get3A_31 = arith.constant 0 : index
    %get3A_32 = vector.load %arg5[%get3A_30, %get3A_31] : memref<256x256xbf16, #tpu.memory_space<vmem>>, vector<256x256xbf16>
    %dot_general3A_33 = arith.constant dense<0.000000e+00> : vector<256x256xf32>
    %dot_general3A_34 = tpu.matmul %convert_element_type3A, %get3A_32, %dot_general3A_33 {dimension_numbers = #tpu.dot_dimension_numbers<[1], [0], [0], [1], [0, 0, 1, 1], [], []>, transpose_lhs_hint = false} : vector<256x256xbf16>, vector<256x256xbf16>, vector<256x256xf32> -> vector<256x256xf32>
    %get3A_35 = arith.constant 0 : index
    %get3A_36 = arith.constant 0 : index
    %get3A_37 = vector.load %arg6[%get3A_35, %get3A_36] : memref<1x256xf32, #tpu.memory_space<vmem>>, vector<1x256xf32>
    %add3A_38 = vector.broadcast %get3A_37 : vector<1x256xf32> to vector<256x256xf32>
    %add3A_39 = arith.addf %dot_general3A_34, %add3A_38 : vector<256x256xf32>
    %max3A = arith.constant 0.000000e+00 : f32
    %max3A_40 = vector.broadcast %max3A : f32 to vector<256x256xf32>
    %max3A_41 = arith.maximumf %add3A_39, %max3A_40 : vector<256x256xf32>
    %convert_element_type3A_42 = arith.truncf %max3A_41 : vector<256x256xf32> to vector<256x256xbf16>
    %get3A_43 = arith.constant 0 : index
    %get3A_44 = arith.constant 0 : index
    %get3A_45 = vector.load %arg7[%get3A_43, %get3A_44] : memref<256x256xbf16, #tpu.memory_space<vmem>>, vector<256x256xbf16>
    %dot_general3A_46 = arith.constant dense<0.000000e+00> : vector<256x256xf32>
    %dot_general3A_47 = tpu.matmul %convert_element_type3A_42, %get3A_45, %dot_general3A_46 {dimension_numbers = #tpu.dot_dimension_numbers<[1], [0], [0], [1], [0, 0, 1, 1], [], []>, transpose_lhs_hint = false} : vector<256x256xbf16>, vector<256x256xbf16>, vector<256x256xf32> -> vector<256x256xf32>
    %get3A_48 = arith.constant 0 : index
    %get3A_49 = arith.constant 0 : index
    %get3A_50 = vector.load %arg8[%get3A_48, %get3A_49] : memref<1x256xf32, #tpu.memory_space<vmem>>, vector<1x256xf32>
    %add3A_51 = vector.broadcast %get3A_50 : vector<1x256xf32> to vector<256x256xf32>
    %add3A_52 = arith.addf %dot_general3A_47, %add3A_51 : vector<256x256xf32>
    %max3A_53 = arith.constant 0.000000e+00 : f32
    %max3A_54 = vector.broadcast %max3A_53 : f32 to vector<256x256xf32>
    %max3A_55 = arith.maximumf %add3A_52, %max3A_54 : vector<256x256xf32>
    %convert_element_type3A_56 = arith.truncf %max3A_55 : vector<256x256xf32> to vector<256x256xbf16>
    %get3A_57 = arith.constant 0 : index
    %get3A_58 = arith.constant 0 : index
    %get3A_59 = vector.load %arg9[%get3A_57, %get3A_58] : memref<256x4xbf16, #tpu.memory_space<vmem>>, vector<256x4xbf16>
    %dot_general3A_60 = arith.constant dense<0.000000e+00> : vector<256x4xf32>
    %dot_general3A_61 = tpu.matmul %convert_element_type3A_56, %get3A_59, %dot_general3A_60 {dimension_numbers = #tpu.dot_dimension_numbers<[1], [0], [0], [1], [0, 0, 1, 1], [], []>, transpose_lhs_hint = false} : vector<256x256xbf16>, vector<256x4xbf16>, vector<256x4xf32> -> vector<256x4xf32>
    %get3A_62 = arith.constant 0 : index
    %get3A_63 = arith.constant 0 : index
    %get3A_64 = vector.load %arg10[%get3A_62, %get3A_63] : memref<1x4xf32, #tpu.memory_space<vmem>>, vector<1x4xf32>
    %add3A_65 = vector.broadcast %get3A_64 : vector<1x4xf32> to vector<256x4xf32>
    %add3A_66 = arith.addf %dot_general3A_61, %add3A_65 : vector<256x4xf32>
    %logistic3A = arith.negf %add3A_66 : vector<256x4xf32>
    %logistic3A_67 = math.exp %logistic3A : vector<256x4xf32>
    %logistic3A_68 = arith.constant 1.000000e+00 : f32
    %logistic3A_69 = vector.broadcast %logistic3A_68 : f32 to vector<256x4xf32>
    %logistic3A_70 = arith.addf %logistic3A_69, %logistic3A_67 : vector<256x4xf32>
    %logistic3A_71 = arith.divf %logistic3A_69, %logistic3A_70 : vector<256x4xf32>
    %swap3A_72 = arith.constant 0 : index
    %swap3A_73 = arith.constant 0 : index
    %swap3A_74 = arith.constant 0 : index
    %swap3A_75 = vector.load %arg16[%swap3A_72, %swap3A_73, %swap3A_74] : memref<1x256x4xf32, #tpu.memory_space<vmem>>, vector<1x256x4xf32>
    %swap3A_76 = vector.shape_cast %swap3A_75 : vector<1x256x4xf32> to vector<256x4xf32>
    %swap3A_77 = vector.shape_cast %logistic3A_71 : vector<256x4xf32> to vector<1x256x4xf32>
    tpu.vector_store %arg16[%swap3A_72, %swap3A_73, %swap3A_74], %swap3A_77 {strides = array<i32>} : memref<1x256x4xf32, #tpu.memory_space<vmem>>, vector<1x256x4xf32>,
    %reduce_max3A = arith.constant dense<0xFF800000> : vector<256xf32>
    %reduce_max3A_78 = vector.multi_reduction <maximumf>, %add3A_23, %reduce_max3A [1] : vector<256x80xf32> to vector<256xf32>
    %logistic3A_79 = arith.negf %reduce_max3A_78 : vector<256xf32>
    %logistic3A_80 = math.exp %logistic3A_79 : vector<256xf32>
    %logistic3A_81 = arith.constant 1.000000e+00 : f32
    %logistic3A_82 = vector.broadcast %logistic3A_81 : f32 to vector<256xf32>
    %logistic3A_83 = arith.addf %logistic3A_82, %logistic3A_80 : vector<256xf32>
    %logistic3A_84 = arith.divf %logistic3A_82, %logistic3A_83 : vector<256xf32>
    %reshape3A = vector.shape_cast %logistic3A_84 : vector<256xf32> to vector<1x1x256xf32>
    %swap3A_85 = arith.constant 0 : index
    %swap3A_86 = arith.constant 0 : index
    %swap3A_87 = arith.constant 0 : index
    %swap3A_88 = vector.load %arg17[%swap3A_85, %swap3A_86, %swap3A_87] : memref<1x1x256xf32, #tpu.memory_space<vmem>>, vector<1x1x256xf32>
    tpu.vector_store %arg17[%swap3A_85, %swap3A_86, %swap3A_87], %reshape3A {strides = array<i32>} : memref<1x1x256xf32, #tpu.memory_space<vmem>>, vector<1x1x256xf32>,
    return
  }
  func.func @transform_0(%arg0: i32, %arg1: i32) -> (i32, i32, i32) {
    %c0_i32 = arith.constant 0 : i32
    %c0_i32_0 = arith.constant 0 : i32
    return %arg0, %c0_i32, %arg1 : i32, i32, i32
  }
  func.func @transform_1(%arg0: i32, %arg1: i32) -> (i32, i32) {
    %c0_i32 = arith.constant 0 : i32
    %c0_i32_0 = arith.constant 0 : i32
    %c0_i32_1 = arith.constant 0 : i32
    return %c0_i32, %c0_i32_0 : i32, i32
  }
  func.func @transform_2(%arg0: i32, %arg1: i32) -> (i32, i32) {
    %c0_i32 = arith.constant 0 : i32
    %c0_i32_0 = arith.constant 0 : i32
    %c0_i32_1 = arith.constant 0 : i32
    return %c0_i32, %c0_i32_0 : i32, i32
  }
  func.func @transform_3(%arg0: i32, %arg1: i32) -> (i32, i32) {
    %c0_i32 = arith.constant 0 : i32
    %c0_i32_0 = arith.constant 0 : i32
    %c0_i32_1 = arith.constant 0 : i32
    return %c0_i32, %c0_i32_0 : i32, i32
  }
  func.func @transform_4(%arg0: i32, %arg1: i32) -> (i32, i32) {
    %c0_i32 = arith.constant 0 : i32
    %c0_i32_0 = arith.constant 0 : i32
    %c0_i32_1 = arith.constant 0 : i32
    return %c0_i32, %c0_i32_0 : i32, i32
  }
  func.func @transform_5(%arg0: i32, %arg1: i32) -> (i32, i32) {
    %c0_i32 = arith.constant 0 : i32
    %c0_i32_0 = arith.constant 0 : i32
    %c0_i32_1 = arith.constant 0 : i32
    return %c0_i32, %c0_i32_0 : i32, i32
  }
  func.func @transform_6(%arg0: i32, %arg1: i32) -> (i32, i32) {
    %c0_i32 = arith.constant 0 : i32
    %c0_i32_0 = arith.constant 0 : i32
    %c0_i32_1 = arith.constant 0 : i32
    return %c0_i32, %c0_i32_0 : i32, i32
  }
  func.func @transform_7(%arg0: i32, %arg1: i32) -> (i32, i32) {
    %c0_i32 = arith.constant 0 : i32
    %c0_i32_0 = arith.constant 0 : i32
    %c0_i32_1 = arith.constant 0 : i32
    return %c0_i32, %c0_i32_0 : i32, i32
  }
  func.func @transform_8(%arg0: i32, %arg1: i32) -> (i32, i32) {
    %c0_i32 = arith.constant 0 : i32
    %c0_i32_0 = arith.constant 0 : i32
    %c0_i32_1 = arith.constant 0 : i32
    return %c0_i32, %c0_i32_0 : i32, i32
  }
  func.func @transform_12(%arg0: i32, %arg1: i32) -> (i32, i32, i32) {
    %add3A = arith.constant 20 : i32
    %add3A_0 = arith.addi %add3A, %arg1 : i32
    %c0_i32 = arith.constant 0 : i32
    %c0_i32_1 = arith.constant 0 : i32
    return %arg0, %add3A_0, %c0_i32 : i32, i32, i32
  }
  func.func @transform_13(%arg0: i32, %arg1: i32) -> (i32, i32, i32) {
    %add3A = arith.constant 20 : i32
    %add3A_0 = arith.addi %add3A, %arg1 : i32
    %c0_i32 = arith.constant 0 : i32
    %c0_i32_1 = arith.constant 0 : i32
    return %arg0, %add3A_0, %c0_i32 : i32, i32, i32
  }
  func.func @transform_14(%arg0: i32, %arg1: i32) -> (i32, i32, i32) {
    %add3A = arith.constant 20 : i32
    %add3A_0 = arith.addi %add3A, %arg1 : i32
    %c0_i32 = arith.constant 0 : i32
    %c0_i32_1 = arith.constant 0 : i32
    return %arg0, %add3A_0, %c0_i32 : i32, i32, i32
  }
  func.func @transform_15(%arg0: i32, %arg1: i32) -> (i32, i32, i32) {
    %mul3A = arith.constant 1 : i32
    %mul3A_0 = arith.muli %arg0, %mul3A : i32
    %jit3A = arith.constant 1 : i32
    %div3A = arith.divsi %mul3A_0, %jit3A : i32
    %sign3A = arith.constant 0 : i32
    %sign3A_1 = arith.cmpi sgt, %mul3A_0, %sign3A : i32
    %sign3A_2 = arith.extui %sign3A_1 : i1 to i32
    %sign3A_3 = arith.constant 0 : i32
    %sign3A_4 = arith.cmpi slt, %mul3A_0, %sign3A_3 : i32
    %sign3A_5 = arith.extui %sign3A_4 : i1 to i32
    %sign3A_6 = arith.subi %sign3A_2, %sign3A_5 : i32
    %sign3A_7 = arith.constant 0 : i32
    %sign3A_8 = arith.cmpi sgt, %jit3A, %sign3A_7 : i32
    %sign3A_9 = arith.extui %sign3A_8 : i1 to i32
    %sign3A_10 = arith.constant 0 : i32
    %sign3A_11 = arith.cmpi slt, %jit3A, %sign3A_10 : i32
    %sign3A_12 = arith.extui %sign3A_11 : i1 to i32
    %sign3A_13 = arith.subi %sign3A_9, %sign3A_12 : i32
    %ne3A = arith.cmpi ne, %sign3A_6, %sign3A_13 : i32
    %rem3A = arith.remsi %mul3A_0, %jit3A : i32
    %ne3A_14 = arith.constant 0 : i32
    %ne3A_15 = arith.cmpi ne, %rem3A, %ne3A_14 : i32
    %and3A = arith.andi %ne3A, %ne3A_15 : i1
    %sub3A = arith.constant 1 : i32
    %sub3A_16 = arith.subi %div3A, %sub3A : i32
    %select_n3A = arith.select %and3A, %sub3A_16, %div3A : i32
    %add3A = arith.addi %select_n3A, %arg1 : i32
    %c0_i32 = arith.constant 0 : i32
    %c0_i32_17 = arith.constant 0 : i32
    %c0_i32_18 = arith.constant 0 : i32
    return %add3A, %c0_i32, %c0_i32_17 : i32, i32, i32
  }
}

module attributes {stable_mosaic.version = 14 : i64} {
  func.func @_tgt_body(%arg0: i32, %arg1: memref<1x304x256xf32, #tpu.memory_space<vmem>>, %arg2: memref<256x256xf32, #tpu.memory_space<vmem>>, %arg3: memref<1x256xf32, #tpu.memory_space<vmem>>, %arg4: memref<1x300x256xf32, #tpu.memory_space<vmem>>) attributes {dimension_semantics = [#tpu.dimension_semantics<arbitrary>], iteration_bounds = array<i64: 16>, scalar_prefetch = 0 : i64, scratch_operands = 0 : i64, tpu.core_type = #tpu.core_type<tc>, window_params = [{transform_indices = @transform_0, window_bounds = array<i64: 1, 304, 256>}, {pipeline_mode = #tpu.pipeline_mode<synchronous>, transform_indices = @transform_1, window_bounds = array<i64: 256, 256>}, {pipeline_mode = #tpu.pipeline_mode<synchronous>, transform_indices = @transform_2, window_bounds = array<i64: 1, 256>}, {transform_indices = @transform_3, window_bounds = array<i64: 1, 300, 256>}]} {
    %get3A = arith.constant 0 : index
    %get3A_0 = arith.constant 0 : index
    %get3A_1 = arith.constant 0 : index
    %get3A_2 = vector.load %arg1[%get3A, %get3A_0, %get3A_1] : memref<1x304x256xf32, #tpu.memory_space<vmem>>, vector<1x304x256xf32>
    %get3A_3 = vector.shape_cast %get3A_2 : vector<1x304x256xf32> to vector<304x256xf32>
    %get3A_4 = arith.constant 0 : index
    %get3A_5 = arith.constant 0 : index
    %get3A_6 = vector.load %arg2[%get3A_4, %get3A_5] : memref<256x256xf32, #tpu.memory_space<vmem>>, vector<256x256xf32>
    %dot_general3A = arith.constant dense<0.000000e+00> : vector<304x256xf32>
    %dot_general3A_7 = tpu.matmul %get3A_3, %get3A_6, %dot_general3A {dimension_numbers = #tpu.dot_dimension_numbers<[1], [0], [0], [1], [0, 0, 1, 1], [], []>, transpose_lhs_hint = false} : vector<304x256xf32>, vector<256x256xf32>, vector<304x256xf32> -> vector<304x256xf32>
    %slice3A = vector.extract_strided_slice %dot_general3A_7 {offsets = [0, 0], sizes = [300, 256], strides = [1, 1]} : vector<304x256xf32> to vector<300x256xf32>
    %get3A_8 = arith.constant 0 : index
    %get3A_9 = arith.constant 0 : index
    %get3A_10 = vector.load %arg3[%get3A_8, %get3A_9] : memref<1x256xf32, #tpu.memory_space<vmem>>, vector<1x256xf32>
    %add3A = vector.broadcast %get3A_10 : vector<1x256xf32> to vector<300x256xf32>
    %add3A_11 = arith.addf %slice3A, %add3A : vector<300x256xf32>
    %swap3A = arith.constant 0 : index
    %swap3A_12 = arith.constant 0 : index
    %swap3A_13 = arith.constant 0 : index
    %swap3A_14 = vector.load %arg4[%swap3A, %swap3A_12, %swap3A_13] : memref<1x300x256xf32, #tpu.memory_space<vmem>>, vector<1x300x256xf32>
    %swap3A_15 = vector.shape_cast %swap3A_14 : vector<1x300x256xf32> to vector<300x256xf32>
    %swap3A_16 = vector.shape_cast %add3A_11 : vector<300x256xf32> to vector<1x300x256xf32>
    tpu.vector_store %arg4[%swap3A, %swap3A_12, %swap3A_13], %swap3A_16 {strides = array<i32>} : memref<1x300x256xf32, #tpu.memory_space<vmem>>, vector<1x300x256xf32>,
    return
  }
  func.func @transform_0(%arg0: i32) -> (i32, i32, i32) {
    %c0_i32 = arith.constant 0 : i32
    %c0_i32_0 = arith.constant 0 : i32
    %c0_i32_1 = arith.constant 0 : i32
    return %arg0, %c0_i32, %c0_i32_0 : i32, i32, i32
  }
  func.func @transform_1(%arg0: i32) -> (i32, i32) {
    %c0_i32 = arith.constant 0 : i32
    %c0_i32_0 = arith.constant 0 : i32
    %c0_i32_1 = arith.constant 0 : i32
    return %c0_i32, %c0_i32_0 : i32, i32
  }
  func.func @transform_2(%arg0: i32) -> (i32, i32) {
    %c0_i32 = arith.constant 0 : i32
    %c0_i32_0 = arith.constant 0 : i32
    %c0_i32_1 = arith.constant 0 : i32
    return %c0_i32, %c0_i32_0 : i32, i32
  }
  func.func @transform_3(%arg0: i32) -> (i32, i32, i32) {
    %c0_i32 = arith.constant 0 : i32
    %c0_i32_0 = arith.constant 0 : i32
    %c0_i32_1 = arith.constant 0 : i32
    return %arg0, %c0_i32, %c0_i32_0 : i32, i32, i32
  }
}

</mosaic_0001>

<sc_bundles>
// kernel: kernel.7.cloned.1.call-start
scs
__scs_entry_jumppad:
0x0: {  	(pc) =	sbr.rel $0x88, $3  }
0x1: {  	(tag) =	ssettag $0x0;
	lr =	simm.s32 $0x1  }
0x2: {  	[smem:$0x3F94] =	sst lr;
	_ =	strace $0xD0000000  }
0x3: {  	_ = 	snop  }
0x4: {  	_ = 	snop  }
0x5: {  	_ = 	snop  }
0x6: {  	_ = 	snop  }
0x7: {  	_ = 	snop  }
__scs_overlays_trampoline_lowered:
0x8: {  	[smem:$0x3FA3] =	sst s0  }
0x9: {  	[smem:$0x3FA4] =	sst s1  }
0xa: {  	[smem:$0x3FA5] =	sst s2  }
0xb: {  	[smem:$0x3FA6] =	sst s3  }
0xc: {  	[smem:$0x3FA7] =	sst s4  }
0xd: {  	[smem:$0x3FA8] =	sst s5  }
0xe: {  	[smem:$0x3FA9] =	sst s6  }
0xf: {  	[smem:$0x3FAA] =	sst s7  }
0x10: {  	[smem:$0x3FAB] =	sst s8  }
0x11: {  	[smem:$0x3FAC] =	sst s9;
	s0 =	simm.s32 @!p0 $0x0  }
0x12: {  	s1 =	sld [smem:$0x3F92];
	s0 =	simm.s32 @p0 $0x1  }
0x13: {  	[smem:$0x3FAD] =	sst s0;
	s0 =	simm.s32 @!p1 $0x0  }
0x14: {  	s2 =	sld [smem:$0x3F91];
	s0 =	simm.s32 @p1 $0x1  }
0x15: {  	[smem:$0x3FAE] =	sst s0;
	s0 =	simm.s32 @!p2 $0x0  }
0x16: {  	s3 =	sld [smem:$0x3FDB];
	s0 =	simm.s32 @p2 $0x1  }
0x17: {  	s4 =	simm.s32 $0x1BF5;
	[smem:$0x3FB0] =	sst s0  }
0x18: {  	s0 =	sld [smem:$0x3F93];
	_ =	swait.ge [sflag:s4], $0x0  }
0x19: {  	s7 =	sld [smem:$0x3F94]  }
0x1a: {  	s8 =	sadd.s32 $0xFFFFE003, lr  }
0x1b: {  	s9 =	sadd.s32 $0xFFFFFEF7, lr;
	s5 =	simm.s32 $0xFFFFFFFF;
	p2 =	slt.u32 s8, $0xFFFFF086  }
0x1c: {  	p1 =	slt.u32 s9, $0xF7A;
	s5 =	simm.s32 @!p2 $0x0  }
0x1d: {  	s5 =	simm.s32 @p1 $0x1;
	p0 =	seq.s32 s7, s2  }
0x1e: {  	s7 =	smul.u32 @!p0 $0xF7A, s2;
	p2 =	seq.s32 @!p0 s5, $0x0  }
0x1f: {  	s9 =	smul.u32 $0xF7A, s1;
	s8 =	simm.s32 @!p0 $0x1BF5;
	p2 =	por !p2, p0  }
0x20: {  	[sflag:s8] =	ssyncset.s32 @!p0 $0xFFFFF086;
	s6 =	sadd.s32 @!p0 s3, s7;
	s7 =	simm.s32 @!p0 $0x108  }
0x21: {  	s3 =	sadd.s32 s3, s9;
	s6 =	sadd.s32 @!p0 $0x88, s6;
	s7 =	simm.s32 @p2 $0x1082  }
0x22: {  	[simem:s7], [sflag:s8] =	dma.local @!p0 [hbm:s6], $0xF7A  }
0x23: {  	s9 =	sor.u32 $0xD0000000, s2;
	s6 =	simm.s32 $0x108;
	_ =	swait.ge @!p0 [sflag:s8], $0x0  }
0x24: {  	s3 =	sadd.s32 $0x88, s3;
	s6 =	simm.s32 @!p1 $0x1082;
	[sflag:s4] =	ssyncset.s32 $0xFFFFF086  }
0x25: {  	[simem:s6], [sflag:s4] =	dma.local [hbm:s3], $0xF7A  }
0x26: {  	[smem:$0x3F94] =	sst s1;
	(tag) =	ssettag s2;
	_ =	strace s9  }
0x27: {  	s1 =	sld [smem:$0x3FA4]  }
0x28: {  	s2 =	sld [smem:$0x3FA5]  }
0x29: {  	s4 =	sld [smem:$0x3FA7]  }
0x2a: {  	p0 =	seq.s32 s5, $0x0;
	s5 =	sld [smem:$0x3FA8]  }
0x2b: {  	s6 =	sld [smem:$0x3FA9]  }
0x2c: {  	s7 =	sld [smem:$0x3FAA]  }
0x2d: {  	s3 =	simm.s32 $0x108;
	s8 =	sld [smem:$0x3FAB]  }
0x2e: {  	s3 =	simm.s32 @!p0 $0x1082;
	s9 =	sld [smem:$0x3FAC]  }
0x2f: {  	lr =	sadd.s32 s0, s3;
	s0 =	sld [smem:$0x3FA3]  }
0x30: {  	s3 =	sld [smem:$0x3FA6]  }
0x31: {  	[smem:$0x3FAF] =	sst s10  }
0x32: {  	s10 =	sld [smem:$0x3FAD];
	_ =	sdelay $0x3  }
0x33: {  	p0 =	seq.s32 s10, $0x1;
	s10 =	sld [smem:$0x3FAF];
	_ =	sdelay $0x3  }
0x34: {  	[smem:$0x3FAF] =	sst s10  }
0x35: {  	s10 =	sld [smem:$0x3FAE];
	_ =	sdelay $0x3  }
0x36: {  	p1 =	seq.s32 s10, $0x1;
	s10 =	sld [smem:$0x3FAF];
	_ =	sdelay $0x3  }
0x37: {  	[smem:$0x3FAF] =	sst s10  }
0x38: {  	s10 =	sld [smem:$0x3FB0]  }
0x39: {  	_ = 	snop;
	(pc) =	sbr.ind lr, $3  }
0x3a: {  	_ = 	snop  }
0x3b: {  	_ = 	snop  }
0x3c: {  	p2 =	seq.s32 s10, $0x1;
	s10 =	sld [smem:$0x3FAF]  }
0x3d: {  	_ =	shalt  }
0x3e: {  	_ =	shalt  }
0x3f: {  	_ =	shalt  }
0x40: {  	_ =	shalt  }
0x41: {  	_ =	shalt  }
0x42: {  	_ =	shalt  }
0x43: {  	_ =	shalt  }
0x44: {  	_ =	shalt  }
0x45: {  	_ =	shalt  }
0x46: {  	_ =	shalt  }
0x47: {  	_ =	shalt  }
0x48: {  	_ =	shalt  }
0x49: {  	_ =	shalt  }
0x4a: {  	_ =	shalt  }
0x4b: {  	_ =	shalt  }
0x4c: {  	_ =	shalt  }
0x4d: {  	_ =	shalt  }
0x4e: {  	_ =	shalt  }
0x4f: {  	_ =	shalt  }
0x50: {  	_ =	shalt  }
0x51: {  	_ =	shalt  }
0x52: {  	_ =	shalt  }
0x53: {  	_ =	shalt  }
0x54: {  	_ =	shalt  }
0x55: {  	_ =	shalt  }
0x56: {  	_ =	shalt  }
0x57: {  	_ =	shalt  }
0x58: {  	_ =	shalt  }
0x59: {  	_ =	shalt  }
0x5a: {  	_ =	shalt  }
0x5b: {  	_ =	shalt  }
0x5c: {  	_ =	shalt  }
0x5d: {  	_ =	shalt  }
0x5e: {  	_ =	shalt  }
0x5f: {  	_ =	shalt  }
0x60: {  	_ =	shalt  }
0x61: {  	_ =	shalt  }
0x62: {  	_ =	shalt  }
0x63: {  	_ =	shalt  }
0x64: {  	_ =	shalt  }
0x65: {  	_ =	shalt  }
0x66: {  	_ =	shalt  }
0x67: {  	_ =	shalt  }
0x68: {  	_ =	shalt  }
0x69: {  	_ =	shalt  }
0x6a: {  	_ =	shalt  }
0x6b: {  	_ =	shalt  }
0x6c: {  	_ =	shalt  }
0x6d: {  	_ =	shalt  }
0x6e: {  	_ =	shalt  }
0x6f: {  	_ =	shalt  }
0x70: {  	_ =	shalt  }
0x71: {  	_ =	shalt  }
0x72: {  	_ =	shalt  }
0x73: {  	_ =	shalt  }
0x74: {  	_ =	shalt  }
0x75: {  	_ =	shalt  }
0x76: {  	_ =	shalt  }
0x77: {  	_ =	shalt  }
0x78: {  	_ =	shalt  }
0x79: {  	_ =	shalt  }
0x7a: {  	_ =	shalt  }
0x7b: {  	_ =	shalt  }
0x7c: {  	_ =	shalt  }
0x7d: {  	_ =	shalt  }
0x7e: {  	_ =	shalt  }
0x7f: {  	_ =	shalt  }
0x80: {  	_ =	shalt  }
0x81: {  	_ =	shalt  }
0x82: {  	_ =	shalt  }
0x83: {  	_ =	shalt  }
0x84: {  	_ =	shalt  }
0x85: {  	_ =	shalt  }
0x86: {  	_ =	shalt  }
0x87: {  	_ =	shalt  }
.Lfunc_end0:
.L_simem_size_0:
called_computation_lowered:
.L_overlay_start_0:
0x88: {  	s2 =	sld [smem:$0x3FD9]  }
0x89: {  	s3 =	sld [smem:$0x3FFE];
	_ =	sdelay $0x1  }
0x8a: {  	s1 =	srdreg.scid  }
0x8b: {  	s0 =	sand.u32 $0x1, s1  }
0x8c: {  	s14 =	sshll.u32 s0, $0xA;
	s2 =	sadd.s32 s3, s2  }
0x8d: {  	s2 =	sadd.s32 s2, s14  }
0x8e: {  	[smem:$0x3FBB] =	sst s2  }
0x8f: {  	_ = 	snop  }
0x90: {  	s2 =	sld [smem:$0x3FD0];
	_ =	sdelay $0x2  }
0x91: {  	s15 =	simm.s32 $0xA;
	s4 =	simm.s32 $0x10  }
0x92: {  	[smem:s4], [sflag:s15] =	dma.local [hbm:s2], $0x1  }
0x93: {  	_ =	swait.eq [sflag:s15], $0x1  }
0x94: {  	s16 =	sld [smem:$0x10]  }
0x95: {  	s17 =	sld [smem:$0x11];
	[sflag:s15] =	ssyncset.done $0x0  }
0x96: {  	s5 =	sld [smem:$0x12];
	[sflag:s15] =	ssyncadd.s32 $0xFFFFFFFF  }
0x97: {  	s18 =	sld [smem:$0x17];
	(tm) =	ssettm $0x1  }
0x98: {  	s6 =	sld [smem:$0x3FFB];
	_ =	sdelay $0x3  }
0x99: {  	_ =	strace s6  }
0x9a: {  	s6 =	sld [smem:$0x3FFC];
	_ =	sdelay $0x3  }
0x9b: {  	_ =	strace s6  }
0x9c: {  	s6 =	sld [smem:$0x3FFD];
	_ =	sdelay $0x3  }
0x9d: {  	_ =	strace s6  }
0x9e: {  	_ =	strace $0x8FFFFFFF  }
0x9f: {  	s19 =	sld [smem:$0x3FDB];
	_ =	sdelay $0x1  }
0xa0: {  	s7 =	simm.s32 $_scs_section_size  }
0xa1: {  	s8 =	simm.s32 $_size__tile_overlayer_lowered;
	s9 =	simm.s32 $_tile_overlayer_lowered  }
0xa2: {  	s22 =	simm.s32 $0x1BFF;
	s21 =	sshll.u32 s9, $0x1;
	s6 =	sadd.s32 s7, s19  }
0xa3: {  	s10 =	simm.s32 $0x0;
	s20 =	sshll.u32 s8, $0x1;
	s8 =	sadd.s32 s21, s6  }
0xa4: {  	[timem:s10], [sflag:s22] =	dma.local [hbm:s8], s20  }
0xa5: {  	_ =	swait.ge [sflag:s22], s20  }
0xa6: {  	s7 =	ssub.s32 $0x0, s20;
	[sflag:s22] =	ssyncset.done $0x0  }
0xa7: {  	[sflag:s22] =	ssyncadd.s32 s7;
	_ =	sdelay $0x1  }
0xa8: {  	s23 =	simm.s32 $0x1B8B  }
0xa9: {  	_ =	swait.ge [sflag:s23], $0x1  }
0xaa: {  	[sflag:s23] =	ssyncset.done $0x0  }
0xab: {  	s25 =	simm.s32 $0x1B8E;
	s24 =	sld [smem:$0x3FFE];
	[sflag:s23] =	ssyncadd.s32 $0xFFFFFFFF  }
0xac: {  	s26 =	simm.s32 $execute0_lowered;
	[smem:$0x3FD2] =	sst s25  }
0xad: {  	s8 =	sshll.u32 s26, $0x1;
	_ =	strace $0x80000046;
	[dreg:$0x1] =	wrdreg $0xFFFFFFFF  }
0xae: {  	s28 =	simm.s32 $_size_execute0_lowered;
	s6 =	sadd.s32 s6, s8;
	[dreg:$0x0] =	wrdreg $0x0  }
0xaf: {  	s8 =	sshll.u32 s28, $0x1;
	[dreg:$0x2] =	wrdreg s6  }
0xb0: {  	[dreg:$0x3] =	wrdreg s8  }
0xb1: {  	[dreg:$0x4] =	wrdreg $0xC0  }
0xb2: {  	_ =	task [dreg:s10], $0x5FFFF  }
0xb3: {  	[dreg:$0x1] =	wrdreg $0xFFFFFFFF  }
0xb4: {  	[dreg:$0x0] =	wrdreg $0x60  }
0xb5: {  	[dreg:$0x2] =	wrdreg s24  }
0xb6: {  	[dreg:$0x3] =	wrdreg s5  }
0xb7: {  	[dreg:$0x4] =	wrdreg s16  }
0xb8: {  	[dreg:$0x5] =	wrdreg s18  }
0xb9: {  	[dreg:$0x6] =	wrdreg s17  }
0xba: {  	[dreg:$0x7] =	wrdreg $0x9  }
0xbb: {  	_ =	task.clear_ibuf [dreg:s10], $0x8FFFF;
	_ =	strace $0x90000046  }
0xbc: {  	s29 =	simm.s32 $0x9;
	_ =	strace $0x80000048  }
0xbd: {  	_ =	swait.ge [sflag:s29], $0x1  }
0xbe: {  	[sflag:s29] =	ssyncadd.s32 $0xFFFFFFFF  }
0xbf: {  	_ =	strace $0x90000048  }
0xc0: {  	_ =	sfence  }
0xc1: {  	s30 =	sld [smem:$0x0];
	_ =	sdelay $0x2  }
0xc2: {  	s31 =	sshll.u32 s1, $0xD;
	s1 =	sshrl.u32 s1, $0x2  }
0xc3: {  	s3 =	sand.u32 $0x4000, s31;
	s1 =	sadd.s32 s1, s30  }
0xc4: {  	s0 =	sor.u32 s3, s0;
	s1 =	sshll.u32 s1, $0x11  }
0xc5: {  	s0 =	sor.u32 s1, s0  }
0xc6: {  	s0 =	sadd.s32 $0x8F2B, s0  }
0xc7: {  	[sflag:s0] =	ssyncadd.remote.s32 $0x1  }
0xc8: {  	_ =	sfence.sel $0xFFFF  }
0xc9: {  	[dreg:$0x0] =	wrdreg $0xFFFFFFFF;
	(pc) =	sbr.abs _section_cstart, $3  }
0xca: {  	[dreg:$0x1] =	wrdreg $0xFFFFFFFF  }
0xcb: {  	_ =	task.clear_ibuf [dreg:s10], $0x2FFFF;
	_ =	strace $0x9FFFFFFF  }
0xcc: {  	(tm) =	ssettm $0x7FFFFFFF  }
0xcd: {  	_ =	shalt  }
tec
execute0_lowered:
.L_overlay_start_1:
0x0: {  	(tag) =	ssettag $0x1  }
0x1: {  	s6 =	stileid.u32  }
0x2: {  	s4 =	rddreg [dreg:$0x0];
	p0 =	sgt.u32 s6, $0x7  }
.Ltmp0:
0x3: {  	s9 =	rddreg [dreg:$0x1];
	(pc) =	sbr.rel @p0 .LBB2_27-.Ltmp0, $4  }
0x4: {  	s2 =	rddreg [dreg:$0x2]  }
0x5: {  	s5 =	rddreg [dreg:$0x3];
	s3 =	simm.s32 $0x0  }
0x6: {  	[smem:$0x7FF] =	sst s3  }
0x7: {  	s0 =	rddreg [dreg:$0x4];
	_ =	strace $0x80000047  }
0x8: {  	s6 =	srdreg.scid  }
0x9: {  	s8 =	stileid.u32;
	s12 =	sadd.s32 $0x1C00, s4;
	s15 =	simm.s32 $0x5400  }
0xa: {  	s16 =	simm.s32 $0x2A00;
	s7 =	sshll.u32 s8, $0x1;
	s8 =	sshrl.u32 s8, $0x2  }
0xb: {  	s17 =	simm.s32 $0x3F00;
	s18 =	simm.s32 $0x1500;
	s10 =	smul.u32 $0xC00, s8  }
0xc: {  	s19 =	simm.s32 $0x5800;
	s29 =	simm.s32 $0xF200;
	s31 =	smul.u32 $0x2A000, s8  }
0xd: {  	s28 =	simm.s32 $0xBA00;
	s6 =	sand.u32 $0x1, s6;
	s22 =	smul.u32 $0x2800, s8  }
0xe: {  	s7 =	sor.u32 s6, s7;
	s24 =	smul.u32 $0xA800, s8;
	s26 =	ssub.s32 $0x2, s6  }
0xf: {  	s8 =	simm.s32 $0x2;
	s1 =	sshll.u32 s7, $0x7;
	s11 =	smul.u32 $0x13000, s7  }
0x10: {  	s14 =	smul.u32 $0x1500, s7;
	s6 =	sshrl.u32 s26, $0x1;
	s1 =	sand.u32 $0x380, s1  }
0x11: {  	s7 =	simm.s32 $0x400;
	s10 =	sor.u32 s10, s1;
	s11 =	sshrl.u32 s11, $0x3  }
0x12: {  	s21 =	sor.u32 s31, s1;
	s25 =	sor.u32 s22, s1;
	s22 =	simm.s32 $0x5980  }
0x13: {  	v0 =	vmov s14;
	s14 =	simm.s32 $0xDA00;
	s10 =	sshrl.u32 s10, $0x3;
	s30 =	sadd.s32 s11, s4  }
0x14: {  	s23 =	sshrl.u32 s21, $0x3;
	s21 =	simm.s32 $0x5900;
	s13 =	sadd.s32 s10, s4  }
0x15: {  	s5 =	sadd.s32 s5, s10;
	s20 =	sadd.s32 $0x4600, s30;
	s4 =	sadd.s32 $0x5900, s30  }
0x16: {  	s2 =	sadd.s32 s2, s23;
	s30 =	ssub.s32 s26, s6;
	[dreg:$0x7] =	wrdreg s5  }
0x17: {  	s6 =	simm.s32 $0x80;
	s26 =	simm.s32 $0xB200;
	[dreg:$0x8] =	wrdreg s20  }
0x18: {  	s23 =	simm.s32 $0xC200;
	s10 =	simm.s32 $0x1;
	[dreg:$0x9] =	wrdreg s4  }
0x19: {  	s13 =	sadd.s32 $0x2A600, s13;
	[dreg:$0xa] =	wrdreg s2;
	s2 =	sshrl.u32 s25, $0x3  }
0x1a: {  	s5 =	sor.u32 s24, s1;
	s20 =	simm.s32 $0x5880;
	s24 =	simm.s32 $0xA200  }
0x1b: {  	[dreg:$0x6] =	wrdreg s13;
	s0 =	sadd.s32 s0, s2;
	s31 =	sshrl.u32 s5, $0x3  }
0x1c: {  	s25 =	simm.s32 $0xD200;
	[dreg:$0xb] =	wrdreg s0;
	s2 =	sadd.s32 s12, s31  }
0x1d: {  	s13 =	simm.s32 $0xCA00;
	s0 =	smax.u32 s30, $0x1;
	[dreg:$0xc] =	wrdreg s2  }
0x1e: {  	v1 =	vlaneseq.u32;
	v2 =	vimm.s32 $0x0;
	s12 =	simm.s32 $0xE200;
	[dreg:$0xd] =	wrdreg s0;
	s2 =	simm.s32 $0x0  }
.LBB2_2:
0x1f: {  	[dreg:$0xe] =	wrdreg s2  }
0x20: {  	s0 =	rddreg [dreg:$0xc]  }
0x21: {  	[tilespmem:s3], [sflag:$0x2] =	stream.strided.gather [hbm4b:s0+s6], $0x1500, s7, s6, $0x38;
	[tilespmem:$0x14B00] =	vst v63  }
0x22: {  	_ =	swait.ge [sflag:s8], $0x1500  }
0x23: {  	s11 =	simm.s32 $0x60;
	[sflag:s8] =	ssyncset.done $0x0  }
0x24: {  	s30 =	simm.s32 $0x1540;
	s31 =	simm.s32 $0x10;
	v3 =	vor.u32 s11, v1;
	[sflag:s8] =	ssyncadd.s32 $0xFFFFEB00  }
0x25: {  	s4 =	simm.s32 $0x40;
	v4 =	vor.u32 s31, v1;
	[tilespmem:s30+$0x20] =	vst v3  }
0x26: {  	s1 =	simm.s32 $0x20;
	v5 =	vor.u32 s4, v1;
	[tilespmem:s30+$0xFFFFFFD0] =	vst v4  }
0x27: {  	s2 =	simm.s32 $0x0;
	v3 =	vor.u32 s1, v1;
	[tilespmem:s30+$0x0] =	vst v5  }
0x28: {  	s31 =	simm.s32 $0x30;
	v4 =	vor.u32 s2, v1;
	[tilespmem:s30+$0xFFFFFFE0] =	vst v3  }
0x29: {  	s5 =	simm.s32 $0x50;
	v3 =	vor.u32 s31, v1;
	[tilespmem:s30+$0xFFFFFFC0] =	vst v4;
	s31 =	simm.s32 $0x70  }
0x2a: {  	s11 =	simm.s32 $0x0;
	v4 =	vor.u32 s5, v1;
	[tilespmem:s30+$0xFFFFFFF0] =	vst v3;
	v3 =	vor.u32 s31, v1;
	s31 =	simm.s32 $0xF0  }
.LBB2_3:
0x2b: {  	s0 =	sadd.s32 $0xFFFFFFA0, s31;
	s2 =	sadd.s32 $0xFFFFFFF0, s31;
	v5 =	vor.u32 s31, v1;
	s11 =	sadd.s32 $0x8, s11;
	[tilespmem:s30+$0x10] =	vst v4  }
0x2c: {  	v4 =	vor.u32 s0, v1;
	s0 =	sadd.s32 $0xFFFFFFB0, s31;
	v6 =	vor.u32 s2, v1;
	p0 =	slt.u32 s11, $0x148;
	[tilespmem:s30+$0x30] =	vst v3;
	s30 =	sadd.s32 $0x80, s30;
	v3 =	vmov v5  }
0x2d: {  	s4 =	sadd.s32 $0xFFFFFFE0, s31;
	s2 =	sadd.s32 $0xFFFFFFD0, s31;
	v5 =	vor.u32 s0, v1;
	s0 =	sadd.s32 $0xFFFFFFC0, s31;
	[tilespmem:s30+$0x20] =	vst v6  }
.Ltmp1:
0x2e: {  	s5 =	sadd.s32 $0xFFFFFF90, s31;
	v7 =	vor.u32 s2, v1;
	[tilespmem:s30+$0xFFFFFFD0] =	vst v4;
	v6 =	vor.u32 s0, v1;
	v4 =	vor.u32 s4, v1;
	(pc) =	sbr.rel @p0 .LBB2_3-.Ltmp1, $4  }
0x2f: {  	v8 =	vor.u32 s5, v1;
	[tilespmem:s30+$0xFFFFFFE0] =	vst v5  }
0x30: {  	[tilespmem:s30+$0xFFFFFFC0] =	vst v8  }
0x31: {  	[tilespmem:s30+$0xFFFFFFF0] =	vst v6  }
0x32: {  	s31 =	sadd.s32 $0x80, s31;
	[tilespmem:s30+$0x0] =	vst v7  }
0x33: {  	[tilespmem:s30+$0x10] =	vst v4  }
0x34: {  	[tilespmem:s30+$0x30] =	vst v3  }
0x35: {  	[tilespmem:$0x5400] =	vst v2  }
0x36: {  	[tilespmem:$0x5410] =	vst v2  }
0x37: {  	[tilespmem:$0x5420] =	vst v2  }
0x38: {  	[tilespmem:$0x5430] =	vst v2  }
0x39: {  	[tilespmem:$0x5440] =	vst v2  }
0x3a: {  	[tilespmem:$0x5450] =	vst v2  }
0x3b: {  	[tilespmem:$0x5460] =	vst v2  }
0x3c: {  	[tilespmem:$0x5470] =	vst v2  }
0x3d: {  	[tilespmem:$0x5480] =	vst v2  }
0x3e: {  	[tilespmem:$0x5490] =	vst v2  }
0x3f: {  	[tilespmem:$0x54A0] =	vst v2  }
0x40: {  	[tilespmem:$0x54B0] =	vst v2  }
0x41: {  	[tilespmem:$0x54C0] =	vst v2  }
0x42: {  	[tilespmem:$0x54D0] =	vst v2  }
0x43: {  	[tilespmem:$0x54E0] =	vst v2  }
0x44: {  	[tilespmem:$0x54F0] =	vst v2  }
0x45: {  	[tilespmem:$0x5500] =	vst v2  }
0x46: {  	[tilespmem:$0x5510] =	vst v2  }
0x47: {  	[tilespmem:$0x5520] =	vst v2  }
0x48: {  	[tilespmem:$0x5530] =	vst v2  }
0x49: {  	[tilespmem:$0x5540] =	vst v2  }
0x4a: {  	[tilespmem:$0x5550] =	vst v2  }
0x4b: {  	[tilespmem:$0x5560] =	vst v2  }
0x4c: {  	[tilespmem:$0x5570] =	vst v2  }
0x4d: {  	[tilespmem:$0x5580] =	vst v2  }
0x4e: {  	[tilespmem:$0x5590] =	vst v2  }
0x4f: {  	[tilespmem:$0x55A0] =	vst v2  }
0x50: {  	[tilespmem:$0x55B0] =	vst v2  }
0x51: {  	[tilespmem:$0x55C0] =	vst v2  }
0x52: {  	[tilespmem:$0x55D0] =	vst v2  }
0x53: {  	[tilespmem:$0x55E0] =	vst v2  }
0x54: {  	[tilespmem:$0x55F0] =	vst v2  }
0x55: {  	[tilespmem:$0x5600] =	vst v2  }
0x56: {  	[tilespmem:$0x5610] =	vst v2  }
0x57: {  	[tilespmem:$0x5620] =	vst v2  }
0x58: {  	[tilespmem:$0x5630] =	vst v2  }
0x59: {  	[tilespmem:$0x5640] =	vst v2  }
0x5a: {  	[tilespmem:$0x5650] =	vst v2  }
0x5b: {  	[tilespmem:$0x5660] =	vst v2  }
0x5c: {  	[tilespmem:$0x5670] =	vst v2  }
0x5d: {  	[tilespmem:$0x5680] =	vst v2  }
0x5e: {  	[tilespmem:$0x5690] =	vst v2  }
0x5f: {  	[tilespmem:$0x56A0] =	vst v2  }
0x60: {  	[tilespmem:$0x56B0] =	vst v2  }
0x61: {  	[tilespmem:$0x56C0] =	vst v2  }
0x62: {  	[tilespmem:$0x56D0] =	vst v2  }
0x63: {  	[tilespmem:$0x56E0] =	vst v2  }
0x64: {  	[tilespmem:$0x56F0] =	vst v2  }
0x65: {  	[tilespmem:$0x5700] =	vst v2  }
0x66: {  	[tilespmem:$0x5710] =	vst v2  }
0x67: {  	[tilespmem:$0x5720] =	vst v2  }
0x68: {  	[tilespmem:$0x5730] =	vst v2  }
0x69: {  	[tilespmem:$0x5740] =	vst v2  }
0x6a: {  	[tilespmem:$0x5750] =	vst v2  }
0x6b: {  	[tilespmem:$0x5760] =	vst v2  }
0x6c: {  	[tilespmem:$0x5770] =	vst v2  }
0x6d: {  	[tilespmem:$0x5780] =	vst v2  }
0x6e: {  	[tilespmem:$0x5790] =	vst v2  }
0x6f: {  	[tilespmem:$0x57A0] =	vst v2  }
0x70: {  	[tilespmem:$0x57B0] =	vst v2  }
0x71: {  	[tilespmem:$0x57C0] =	vst v2  }
0x72: {  	[tilespmem:$0x57D0] =	vst v2  }
0x73: {  	[tilespmem:$0x57E0] =	vst v2  }
0x74: {  	s11 =	simm.s32 $0xFFFFFFFC;
	s31 =	simm.s32 $0x20;
	[tilespmem:$0x57F0] =	vst v2  }
.LBB2_5:
0x75: {  	v3 =	vld [tilespmem:s31+$0xFFFFFFE0];
	_ =	sdelay $0x4  }
0x76: {  	v3 =	vand.u32 $0x3FF, v3  }
0x77: {  	(xrf1) =	vunique.msk.u32 $0xffff, v3;
	_ =	sdelay $0xd  }
0x78: {  	_, v4, vm0 =	vpop (xrf1);
	_ =	sdelay $0x5  }
0x79: {  	[tilespmem:v3+s15+$0x0] =	vst.idx.add.s32.msk vm0, v4  }
0x7a: {  	v3 =	vld [tilespmem:s31+$0xFFFFFFF0];
	_ =	sdelay $0x4  }
0x7b: {  	v3 =	vand.u32 $0x3FF, v3  }
0x7c: {  	(xrf1) =	vunique.msk.u32 $0xffff, v3;
	_ =	sdelay $0xd  }
0x7d: {  	_, v4, vm0 =	vpop (xrf1);
	_ =	sdelay $0x5  }
0x7e: {  	[tilespmem:v3+s15+$0x0] =	vst.idx.add.s32.msk vm0, v4  }
0x7f: {  	v3 =	vld [tilespmem:s31+$0x0];
	_ =	sdelay $0x4  }
0x80: {  	v3 =	vand.u32 $0x3FF, v3  }
0x81: {  	(xrf1) =	vunique.msk.u32 $0xffff, v3;
	_ =	sdelay $0xd  }
0x82: {  	_, v4, vm0 =	vpop (xrf1);
	_ =	sdelay $0x5  }
0x83: {  	[tilespmem:v3+s15+$0x0] =	vst.idx.add.s32.msk vm0, v4  }
0x84: {  	v3 =	vld [tilespmem:s31+$0x10];
	_ =	sdelay $0x4  }
0x85: {  	v3 =	vand.u32 $0x3FF, v3  }
0x86: {  	(xrf1) =	vunique.msk.u32 $0xffff, v3;
	_ =	sdelay $0xd  }
0x87: {  	s11 =	sadd.s32 $0x4, s11;
	_, v4, vm0 =	vpop (xrf1)  }
0x88: {  	p0 =	slt.u32 s11, $0x14C  }
.Ltmp2:
0x89: {  	_ = 	snop;
	(pc) =	sbr.rel @p0 .LBB2_5-.Ltmp2, $2  }
0x8a: {  	_ =	sdelay $0x2  }
0x8b: {  	s30 =	simm.s32 $0x0;
	s31 =	sadd.s32 $0x40, s31;
	[tilespmem:v3+s15+$0x0] =	vst.idx.add.s32.msk vm0, v4  }
0x8c: {  	s0 =	sshra.s32 s30, $0x2  }
0x8d: {  	v3 =	vld [tilespmem:s0+$0x5400];
	_ =	sdelay $0x4  }
0x8e: {  	(xrf0) =	vadd.scan.msk.s32 $0xffff, v3;
	_ =	sdelay $0x5  }
0x8f: {  	v4, _, _ =	vpop (xrf0)  }
0x90: {  	v5 =	vxor.u32 $0x80000000, v4  }
0x91: {  	(xrf0) =	vmax.scan.msk.u32 $0xffff, v5;
	_ =	sdelay $0x4  }
0x92: {  	v3 =	vsub.s32 s30, v3  }
0x93: {  	s2 =	sadd.s32 $0x40, s30;
	v3 =	vadd.s32 v4, v3;
	v63, _, _ =	vpop (xrf0)  }
0x94: {  	s11 =	sshra.s32 s2, $0x2;
	s31 =	sadd.s32 $0x40, s2;
	[tilespmem:s0+$0x5400] =	vst v3;
	(v2sf) =	vpush v63, $0xF  }
.LBB2_7:
0x95: {  	p0 =	sne.s32 s31, $0xFC0;
	v3 =	vld [tilespmem:s11+$0x5400];
	_ =	sdelay $0x4  }
0x96: {  	(xrf0) =	vadd.scan.msk.s32 $0xffff, v3;
	_ =	sdelay $0x5  }
0x97: {  	v4, _, _ =	vpop (xrf0)  }
0x98: {  	v5 =	vxor.u32 $0x80000000, v4  }
0x99: {  	(xrf0) =	vmax.scan.msk.u32 $0xffff, v5  }
0x9a: {  	s0 =	spop (v2sf)  }
0x9b: {  	s0 =	sadd.s32 s0, s30  }
.Ltmp3:
0x9c: {  	s30 =	sadd.s32 $0x80000000, s0;
	(pc) =	sbr.rel @p0 .LBB2_7-.Ltmp3, $4  }
0x9d: {  	v5 =	vsub.s32 s30, v3  }
0x9e: {  	v4 =	vadd.s32 v4, v5  }
0x9f: {  	[tilespmem:s11+$0x5400] =	vst v4;
	v3, _, _ =	vpop (xrf0)  }
0xa0: {  	s11 =	sshra.s32 s31, $0x2;
	s31 =	sadd.s32 $0x40, s31;
	(v2sf) =	vpush v3, $0xF  }
0xa1: {  	v3 =	vld [tilespmem:s11+$0x5400];
	_ =	sdelay $0x4  }
0xa2: {  	(xrf0) =	vadd.scan.msk.s32 $0xffff, v3;
	_ =	sdelay $0x5  }
0xa3: {  	v4, _, _ =	vpop (xrf0)  }
0xa4: {  	v5 =	vxor.u32 $0x80000000, v4  }
0xa5: {  	(xrf0) =	vmax.scan.msk.u32 $0xffff, v5;
	_ =	sdelay $0x5  }
0xa6: {  	v5, _, _ =	vpop (xrf0)  }
0xa7: {  	(v2sf) =	vpush v5, $0xF;
	_ =	sdelay $0x9  }
0xa8: {  	s0 =	spop (v2sf)  }
0xa9: {  	s0 =	sadd.s32 s0, s30  }
0xaa: {  	s0 =	sadd.s32 $0x80000000, s0  }
0xab: {  	v3 =	vsub.s32 s0, v3  }
0xac: {  	s31 =	simm.s32 $0x20;
	v3 =	vadd.s32 v4, v3  }
0xad: {  	s30 =	simm.s32 $0x1520;
	[tilespmem:s11+$0x5400] =	vst v3;
	s11 =	simm.s32 $0xFFFFFFFC;
	s5 =	spop (v2sf)  }
.LBB2_9:
0xae: {  	v3 =	vld [tilespmem:s31+$0xFFFFFFE0];
	_ =	sdelay $0x4  }
0xaf: {  	v4 =	vand.u32 $0x3FF, v3  }
0xb0: {  	(xrf1) =	vunique.msk.u32 $0xffff, v4;
	_ =	sdelay $0x9  }
0xb1: {  	v5 =	vld.idx.msk [tilespmem:v4+s15+$0x0], $0xffff;
	_ =	sdelay $0x3  }
0xb2: {  	_, v6, vm0 =	vpop (xrf1)  }
0xb3: {  	v5 =	vadd.s32 v6, v5  }
0xb4: {  	v5 =	vadd.s32 $0xFFFFFFFF, v5  }
0xb5: {  	v7 =	vld [tilespmem:s30+$0xFFFFFFE0];
	_ =	sdelay $0x3  }
0xb6: {  	[tilespmem:v5+s16+$0x0] =	vst.idx.msk $0xffff, v3  }
0xb7: {  	[tilespmem:v5+s17+$0x0] =	vst.idx.msk $0xffff, v7  }
0xb8: {  	[tilespmem:v4+s15+$0x0] =	vst.idx.add.s32.msk vm0, v6  }
0xb9: {  	v3 =	vld [tilespmem:s31+$0xFFFFFFF0];
	_ =	sdelay $0x4  }
0xba: {  	v61 =	vand.u32 $0x3FF, v3  }
0xbb: {  	(xrf1) =	vunique.msk.u32 $0xffff, v61;
	_ =	sdelay $0x9  }
0xbc: {  	v5 =	vld.idx.msk [tilespmem:v61+s15+$0x0], $0xffff;
	_ =	sdelay $0x3  }
0xbd: {  	_, v6, vm0 =	vpop (xrf1)  }
0xbe: {  	v5 =	vadd.s32 v6, v5  }
0xbf: {  	v5 =	vadd.s32 $0xFFFFFFFF, v5  }
0xc0: {  	v7 =	vld [tilespmem:s30+$0xFFFFFFF0];
	_ =	sdelay $0x3  }
0xc1: {  	[tilespmem:v5+s16+$0x0] =	vst.idx.msk $0xffff, v3  }
0xc2: {  	[tilespmem:v5+s17+$0x0] =	vst.idx.msk $0xffff, v7  }
0xc3: {  	[tilespmem:v61+s15+$0x0] =	vst.idx.add.s32.msk vm0, v6  }
0xc4: {  	v3 =	vld [tilespmem:s31+$0x0];
	_ =	sdelay $0x4  }
0xc5: {  	v62 =	vand.u32 $0x3FF, v3  }
0xc6: {  	(xrf1) =	vunique.msk.u32 $0xffff, v62;
	_ =	sdelay $0x9  }
0xc7: {  	v5 =	vld.idx.msk [tilespmem:v62+s15+$0x0], $0xffff;
	_ =	sdelay $0x3  }
0xc8: {  	_, v6, vm0 =	vpop (xrf1)  }
0xc9: {  	v5 =	vadd.s32 v6, v5  }
0xca: {  	v5 =	vadd.s32 $0xFFFFFFFF, v5  }
0xcb: {  	v7 =	vld [tilespmem:s30+$0x0];
	_ =	sdelay $0x3  }
0xcc: {  	[tilespmem:v5+s16+$0x0] =	vst.idx.msk $0xffff, v3  }
0xcd: {  	[tilespmem:v5+s17+$0x0] =	vst.idx.msk $0xffff, v7  }
0xce: {  	[tilespmem:v62+s15+$0x0] =	vst.idx.add.s32.msk vm0, v6  }
0xcf: {  	v3 =	vld [tilespmem:s31+$0x10];
	_ =	sdelay $0x4  }
0xd0: {  	v63 =	vand.u32 $0x3FF, v3  }
0xd1: {  	(xrf1) =	vunique.msk.u32 $0xffff, v63;
	_ =	sdelay $0x9  }
0xd2: {  	v5 =	vld.idx.msk [tilespmem:v63+s15+$0x0], $0xffff;
	_ =	sdelay $0x3  }
0xd3: {  	_, v6, vm0 =	vpop (xrf1)  }
0xd4: {  	v5 =	vadd.s32 v6, v5  }
0xd5: {  	v5 =	vadd.s32 $0xFFFFFFFF, v5  }
0xd6: {  	s11 =	sadd.s32 $0x4, s11;
	v7 =	vld [tilespmem:s30+$0x10]  }
0xd7: {  	p0 =	slt.u32 s11, $0x14C  }
.Ltmp4:
0xd8: {  	_ = 	snop;
	(pc) =	sbr.rel @p0 .LBB2_9-.Ltmp4, $4  }
0xd9: {  	_ = 	snop  }
0xda: {  	[tilespmem:v5+s16+$0x0] =	vst.idx.msk $0xffff, v3  }
0xdb: {  	[tilespmem:v5+s17+$0x0] =	vst.idx.msk $0xffff, v7  }
0xdc: {  	s30 =	sadd.s32 $0x40, s30;
	s31 =	sadd.s32 $0x40, s31;
	[tilespmem:v63+s15+$0x0] =	vst.idx.add.s32.msk vm0, v6  }
0xdd: {  	[tilespmem:$0x5400] =	vst v2  }
0xde: {  	[tilespmem:$0x5410] =	vst v2  }
0xdf: {  	[tilespmem:$0x5420] =	vst v2  }
0xe0: {  	[tilespmem:$0x5430] =	vst v2  }
0xe1: {  	[tilespmem:$0x5440] =	vst v2  }
0xe2: {  	[tilespmem:$0x5450] =	vst v2  }
0xe3: {  	[tilespmem:$0x5460] =	vst v2  }
0xe4: {  	[tilespmem:$0x5470] =	vst v2  }
0xe5: {  	[tilespmem:$0x5480] =	vst v2  }
0xe6: {  	[tilespmem:$0x5490] =	vst v2  }
0xe7: {  	[tilespmem:$0x54A0] =	vst v2  }
0xe8: {  	[tilespmem:$0x54B0] =	vst v2  }
0xe9: {  	[tilespmem:$0x54C0] =	vst v2  }
0xea: {  	[tilespmem:$0x54D0] =	vst v2  }
0xeb: {  	[tilespmem:$0x54E0] =	vst v2  }
0xec: {  	[tilespmem:$0x54F0] =	vst v2  }
0xed: {  	[tilespmem:$0x5500] =	vst v2  }
0xee: {  	[tilespmem:$0x5510] =	vst v2  }
0xef: {  	[tilespmem:$0x5520] =	vst v2  }
0xf0: {  	[tilespmem:$0x5530] =	vst v2  }
0xf1: {  	[tilespmem:$0x5540] =	vst v2  }
0xf2: {  	[tilespmem:$0x5550] =	vst v2  }
0xf3: {  	[tilespmem:$0x5560] =	vst v2  }
0xf4: {  	[tilespmem:$0x5570] =	vst v2  }
0xf5: {  	[tilespmem:$0x5580] =	vst v2  }
0xf6: {  	[tilespmem:$0x5590] =	vst v2  }
0xf7: {  	[tilespmem:$0x55A0] =	vst v2  }
0xf8: {  	[tilespmem:$0x55B0] =	vst v2  }
0xf9: {  	[tilespmem:$0x55C0] =	vst v2  }
0xfa: {  	[tilespmem:$0x55D0] =	vst v2  }
0xfb: {  	[tilespmem:$0x55E0] =	vst v2  }
0xfc: {  	[tilespmem:$0x55F0] =	vst v2  }
0xfd: {  	[tilespmem:$0x5600] =	vst v2  }
0xfe: {  	[tilespmem:$0x5610] =	vst v2  }
0xff: {  	[tilespmem:$0x5620] =	vst v2  }
0x100: {  	[tilespmem:$0x5630] =	vst v2  }
0x101: {  	[tilespmem:$0x5640] =	vst v2  }
0x102: {  	[tilespmem:$0x5650] =	vst v2  }
0x103: {  	[tilespmem:$0x5660] =	vst v2  }
0x104: {  	[tilespmem:$0x5670] =	vst v2  }
0x105: {  	[tilespmem:$0x5680] =	vst v2  }
0x106: {  	[tilespmem:$0x5690] =	vst v2  }
0x107: {  	[tilespmem:$0x56A0] =	vst v2  }
0x108: {  	[tilespmem:$0x56B0] =	vst v2  }
0x109: {  	[tilespmem:$0x56C0] =	vst v2  }
0x10a: {  	[tilespmem:$0x56D0] =	vst v2  }
0x10b: {  	[tilespmem:$0x56E0] =	vst v2  }
0x10c: {  	[tilespmem:$0x56F0] =	vst v2  }
0x10d: {  	[tilespmem:$0x5700] =	vst v2  }
0x10e: {  	[tilespmem:$0x5710] =	vst v2  }
0x10f: {  	[tilespmem:$0x5720] =	vst v2  }
0x110: {  	[tilespmem:$0x5730] =	vst v2  }
0x111: {  	[tilespmem:$0x5740] =	vst v2  }
0x112: {  	[tilespmem:$0x5750] =	vst v2  }
0x113: {  	[tilespmem:$0x5760] =	vst v2  }
0x114: {  	[tilespmem:$0x5770] =	vst v2  }
0x115: {  	[tilespmem:$0x5780] =	vst v2  }
0x116: {  	[tilespmem:$0x5790] =	vst v2  }
0x117: {  	[tilespmem:$0x57A0] =	vst v2  }
0x118: {  	[tilespmem:$0x57B0] =	vst v2  }
0x119: {  	[tilespmem:$0x57C0] =	vst v2  }
0x11a: {  	[tilespmem:$0x57D0] =	vst v2  }
0x11b: {  	[tilespmem:$0x57E0] =	vst v2  }
0x11c: {  	[tilespmem:$0x57F0] =	vst v2;
	s11 =	simm.s32 $0xFFFFFFFC;
	s31 =	simm.s32 $0x2A20  }
.LBB2_11:
0x11d: {  	v3 =	vld [tilespmem:s31+$0xFFFFFFE0];
	_ =	sdelay $0x4  }
0x11e: {  	v3 =	vshrl.u32 v3, $0xA  }
0x11f: {  	v3 =	vand.u32 $0x3FF, v3  }
0x120: {  	(xrf1) =	vunique.msk.u32 $0xffff, v3;
	_ =	sdelay $0xd  }
0x121: {  	_, v4, vm0 =	vpop (xrf1);
	_ =	sdelay $0x5  }
0x122: {  	[tilespmem:v3+s15+$0x0] =	vst.idx.add.s32.msk vm0, v4  }
0x123: {  	v3 =	vld [tilespmem:s31+$0xFFFFFFF0];
	_ =	sdelay $0x4  }
0x124: {  	v3 =	vshrl.u32 v3, $0xA  }
0x125: {  	v3 =	vand.u32 $0x3FF, v3  }
0x126: {  	(xrf1) =	vunique.msk.u32 $0xffff, v3;
	_ =	sdelay $0xd  }
0x127: {  	_, v4, vm0 =	vpop (xrf1);
	_ =	sdelay $0x5  }
0x128: {  	[tilespmem:v3+s15+$0x0] =	vst.idx.add.s32.msk vm0, v4  }
0x129: {  	v3 =	vld [tilespmem:s31+$0x0];
	_ =	sdelay $0x4  }
0x12a: {  	v3 =	vshrl.u32 v3, $0xA  }
0x12b: {  	v3 =	vand.u32 $0x3FF, v3  }
0x12c: {  	(xrf1) =	vunique.msk.u32 $0xffff, v3;
	_ =	sdelay $0xd  }
0x12d: {  	_, v4, vm0 =	vpop (xrf1);
	_ =	sdelay $0x5  }
0x12e: {  	[tilespmem:v3+s15+$0x0] =	vst.idx.add.s32.msk vm0, v4  }
0x12f: {  	v3 =	vld [tilespmem:s31+$0x10];
	_ =	sdelay $0x4  }
0x130: {  	v3 =	vshrl.u32 v3, $0xA  }
0x131: {  	v3 =	vand.u32 $0x3FF, v3  }
0x132: {  	(xrf1) =	vunique.msk.u32 $0xffff, v3;
	_ =	sdelay $0xd  }
0x133: {  	s11 =	sadd.s32 $0x4, s11;
	_, v4, vm0 =	vpop (xrf1)  }
0x134: {  	p0 =	slt.u32 s11, $0x14C  }
.Ltmp5:
0x135: {  	_ = 	snop;
	(pc) =	sbr.rel @p0 .LBB2_11-.Ltmp5, $2  }
0x136: {  	_ =	sdelay $0x2  }
0x137: {  	s30 =	simm.s32 $0x0;
	s31 =	sadd.s32 $0x40, s31;
	[tilespmem:v3+s15+$0x0] =	vst.idx.add.s32.msk vm0, v4  }
0x138: {  	s0 =	sshra.s32 s30, $0x2  }
0x139: {  	v3 =	vld [tilespmem:s0+$0x5400];
	_ =	sdelay $0x4  }
0x13a: {  	(xrf0) =	vadd.scan.msk.s32 $0xffff, v3;
	_ =	sdelay $0x5  }
0x13b: {  	v4, _, _ =	vpop (xrf0)  }
0x13c: {  	v5 =	vxor.u32 $0x80000000, v4  }
0x13d: {  	(xrf0) =	vmax.scan.msk.u32 $0xffff, v5;
	_ =	sdelay $0x4  }
0x13e: {  	v3 =	vsub.s32 s30, v3  }
0x13f: {  	s2 =	sadd.s32 $0x40, s30;
	v3 =	vadd.s32 v4, v3;
	v63, _, _ =	vpop (xrf0)  }
0x140: {  	s11 =	sshra.s32 s2, $0x2;
	s31 =	sadd.s32 $0x40, s2;
	[tilespmem:s0+$0x5400] =	vst v3;
	(v2sf) =	vpush v63, $0xF  }
.LBB2_13:
0x141: {  	p0 =	sne.s32 s31, $0xFC0;
	v3 =	vld [tilespmem:s11+$0x5400];
	_ =	sdelay $0x4  }
0x142: {  	(xrf0) =	vadd.scan.msk.s32 $0xffff, v3;
	_ =	sdelay $0x5  }
0x143: {  	v4, _, _ =	vpop (xrf0)  }
0x144: {  	v5 =	vxor.u32 $0x80000000, v4  }
0x145: {  	(xrf0) =	vmax.scan.msk.u32 $0xffff, v5  }
0x146: {  	s0 =	spop (v2sf)  }
0x147: {  	s0 =	sadd.s32 s0, s30  }
.Ltmp6:
0x148: {  	s30 =	sadd.s32 $0x80000000, s0;
	(pc) =	sbr.rel @p0 .LBB2_13-.Ltmp6, $4  }
0x149: {  	v5 =	vsub.s32 s30, v3  }
0x14a: {  	v4 =	vadd.s32 v4, v5  }
0x14b: {  	[tilespmem:s11+$0x5400] =	vst v4;
	v3, _, _ =	vpop (xrf0)  }
0x14c: {  	s11 =	sshra.s32 s31, $0x2;
	s31 =	sadd.s32 $0x40, s31;
	(v2sf) =	vpush v3, $0xF  }
0x14d: {  	v3 =	vld [tilespmem:s11+$0x5400];
	_ =	sdelay $0x4  }
0x14e: {  	(xrf0) =	vadd.scan.msk.s32 $0xffff, v3;
	_ =	sdelay $0x5  }
0x14f: {  	v4, _, _ =	vpop (xrf0)  }
0x150: {  	v5 =	vxor.u32 $0x80000000, v4  }
0x151: {  	(xrf0) =	vmax.scan.msk.u32 $0xffff, v5;
	_ =	sdelay $0x5  }
0x152: {  	v5, _, _ =	vpop (xrf0)  }
0x153: {  	(v2sf) =	vpush v5, $0xF;
	_ =	sdelay $0x9  }
0x154: {  	s0 =	spop (v2sf)  }
0x155: {  	s0 =	sadd.s32 s0, s30  }
0x156: {  	s0 =	sadd.s32 $0x80000000, s0  }
0x157: {  	v3 =	vsub.s32 s0, v3  }
0x158: {  	s31 =	simm.s32 $0x2A20;
	v3 =	vadd.s32 v4, v3  }
0x159: {  	s30 =	simm.s32 $0xFFFFFFFC;
	[tilespmem:s11+$0x5400] =	vst v3;
	s11 =	simm.s32 $0x3F20;
	s5 =	spop (v2sf)  }
.LBB2_15:
0x15a: {  	v3 =	vld [tilespmem:s31+$0xFFFFFFE0];
	_ =	sdelay $0x4  }
0x15b: {  	v4 =	vshrl.u32 v3, $0xA  }
0x15c: {  	v4 =	vand.u32 $0x3FF, v4  }
0x15d: {  	(xrf1) =	vunique.msk.u32 $0xffff, v4;
	_ =	sdelay $0x9  }
0x15e: {  	v5 =	vld.idx.msk [tilespmem:v4+s15+$0x0], $0xffff;
	_ =	sdelay $0x3  }
0x15f: {  	_, v6, vm0 =	vpop (xrf1)  }
0x160: {  	v5 =	vadd.s32 v6, v5  }
0x161: {  	v5 =	vadd.s32 $0xFFFFFFFF, v5  }
0x162: {  	v7 =	vld [tilespmem:s11+$0xFFFFFFE0];
	_ =	sdelay $0x3  }
0x163: {  	[tilespmem:v5+s3+$0x0] =	vst.idx.msk $0xffff, v3  }
0x164: {  	[tilespmem:v5+s18+$0x0] =	vst.idx.msk $0xffff, v7  }
0x165: {  	[tilespmem:v4+s15+$0x0] =	vst.idx.add.s32.msk vm0, v6  }
0x166: {  	v3 =	vld [tilespmem:s31+$0xFFFFFFF0];
	_ =	sdelay $0x4  }
0x167: {  	v61 =	vshrl.u32 v3, $0xA  }
0x168: {  	v4 =	vand.u32 $0x3FF, v61  }
0x169: {  	(xrf1) =	vunique.msk.u32 $0xffff, v4;
	_ =	sdelay $0x9  }
0x16a: {  	v5 =	vld.idx.msk [tilespmem:v4+s15+$0x0], $0xffff;
	_ =	sdelay $0x3  }
0x16b: {  	_, v6, vm0 =	vpop (xrf1)  }
0x16c: {  	v5 =	vadd.s32 v6, v5  }
0x16d: {  	v5 =	vadd.s32 $0xFFFFFFFF, v5  }
0x16e: {  	v7 =	vld [tilespmem:s11+$0xFFFFFFF0];
	_ =	sdelay $0x3  }
0x16f: {  	[tilespmem:v5+s3+$0x0] =	vst.idx.msk $0xffff, v3  }
0x170: {  	[tilespmem:v5+s18+$0x0] =	vst.idx.msk $0xffff, v7  }
0x171: {  	[tilespmem:v4+s15+$0x0] =	vst.idx.add.s32.msk vm0, v6  }
0x172: {  	v3 =	vld [tilespmem:s31+$0x0];
	_ =	sdelay $0x4  }
0x173: {  	v62 =	vshrl.u32 v3, $0xA  }
0x174: {  	v4 =	vand.u32 $0x3FF, v62  }
0x175: {  	(xrf1) =	vunique.msk.u32 $0xffff, v4;
	_ =	sdelay $0x9  }
0x176: {  	v5 =	vld.idx.msk [tilespmem:v4+s15+$0x0], $0xffff;
	_ =	sdelay $0x3  }
0x177: {  	_, v6, vm0 =	vpop (xrf1)  }
0x178: {  	v5 =	vadd.s32 v6, v5  }
0x179: {  	v5 =	vadd.s32 $0xFFFFFFFF, v5  }
0x17a: {  	v7 =	vld [tilespmem:s11+$0x0];
	_ =	sdelay $0x3  }
0x17b: {  	[tilespmem:v5+s3+$0x0] =	vst.idx.msk $0xffff, v3  }
0x17c: {  	[tilespmem:v5+s18+$0x0] =	vst.idx.msk $0xffff, v7  }
0x17d: {  	[tilespmem:v4+s15+$0x0] =	vst.idx.add.s32.msk vm0, v6  }
0x17e: {  	v3 =	vld [tilespmem:s31+$0x10];
	_ =	sdelay $0x4  }
0x17f: {  	v63 =	vshrl.u32 v3, $0xA  }
0x180: {  	v4 =	vand.u32 $0x3FF, v63  }
0x181: {  	(xrf1) =	vunique.msk.u32 $0xffff, v4;
	_ =	sdelay $0x9  }
0x182: {  	v5 =	vld.idx.msk [tilespmem:v4+s15+$0x0], $0xffff;
	_ =	sdelay $0x3  }
0x183: {  	_, v6, vm0 =	vpop (xrf1)  }
0x184: {  	v5 =	vadd.s32 v6, v5  }
0x185: {  	v5 =	vadd.s32 $0xFFFFFFFF, v5  }
0x186: {  	s30 =	sadd.s32 $0x4, s30;
	v7 =	vld [tilespmem:s11+$0x10]  }
0x187: {  	p0 =	slt.u32 s30, $0x14C  }
.Ltmp7:
0x188: {  	_ = 	snop;
	(pc) =	sbr.rel @p0 .LBB2_15-.Ltmp7, $4  }
0x189: {  	_ = 	snop  }
0x18a: {  	[tilespmem:v5+s3+$0x0] =	vst.idx.msk $0xffff, v3  }
0x18b: {  	[tilespmem:v5+s18+$0x0] =	vst.idx.msk $0xffff, v7  }
0x18c: {  	s11 =	sadd.s32 $0x40, s11;
	s31 =	sadd.s32 $0x40, s31;
	[tilespmem:v4+s15+$0x0] =	vst.idx.add.s32.msk vm0, v6  }
0x18d: {  	[tilespmem:$0x5400] =	vst v2  }
0x18e: {  	[tilespmem:$0x5410] =	vst v2  }
0x18f: {  	[tilespmem:$0x5420] =	vst v2  }
0x190: {  	[tilespmem:$0x5430] =	vst v2  }
0x191: {  	[tilespmem:$0x5440] =	vst v2  }
0x192: {  	[tilespmem:$0x5450] =	vst v2  }
0x193: {  	[tilespmem:$0x5460] =	vst v2  }
0x194: {  	[tilespmem:$0x5470] =	vst v2  }
0x195: {  	[tilespmem:$0x5480] =	vst v2  }
0x196: {  	[tilespmem:$0x5490] =	vst v2  }
0x197: {  	[tilespmem:$0x54A0] =	vst v2  }
0x198: {  	[tilespmem:$0x54B0] =	vst v2  }
0x199: {  	[tilespmem:$0x54C0] =	vst v2  }
0x19a: {  	[tilespmem:$0x54D0] =	vst v2  }
0x19b: {  	[tilespmem:$0x54E0] =	vst v2  }
0x19c: {  	[tilespmem:$0x54F0] =	vst v2  }
0x19d: {  	[tilespmem:$0x5500] =	vst v2  }
0x19e: {  	[tilespmem:$0x5510] =	vst v2  }
0x19f: {  	[tilespmem:$0x5520] =	vst v2  }
0x1a0: {  	[tilespmem:$0x5530] =	vst v2  }
0x1a1: {  	[tilespmem:$0x5540] =	vst v2  }
0x1a2: {  	[tilespmem:$0x5550] =	vst v2  }
0x1a3: {  	[tilespmem:$0x5560] =	vst v2  }
0x1a4: {  	[tilespmem:$0x5570] =	vst v2  }
0x1a5: {  	[tilespmem:$0x5580] =	vst v2  }
0x1a6: {  	[tilespmem:$0x5590] =	vst v2  }
0x1a7: {  	[tilespmem:$0x55A0] =	vst v2  }
0x1a8: {  	[tilespmem:$0x55B0] =	vst v2  }
0x1a9: {  	[tilespmem:$0x55C0] =	vst v2  }
0x1aa: {  	[tilespmem:$0x55D0] =	vst v2  }
0x1ab: {  	[tilespmem:$0x55E0] =	vst v2  }
0x1ac: {  	[tilespmem:$0x55F0] =	vst v2  }
0x1ad: {  	[tilespmem:$0x5600] =	vst v2  }
0x1ae: {  	[tilespmem:$0x5610] =	vst v2  }
0x1af: {  	[tilespmem:$0x5620] =	vst v2  }
0x1b0: {  	[tilespmem:$0x5630] =	vst v2  }
0x1b1: {  	[tilespmem:$0x5640] =	vst v2  }
0x1b2: {  	[tilespmem:$0x5650] =	vst v2  }
0x1b3: {  	[tilespmem:$0x5660] =	vst v2  }
0x1b4: {  	[tilespmem:$0x5670] =	vst v2  }
0x1b5: {  	[tilespmem:$0x5680] =	vst v2  }
0x1b6: {  	[tilespmem:$0x5690] =	vst v2  }
0x1b7: {  	[tilespmem:$0x56A0] =	vst v2  }
0x1b8: {  	[tilespmem:$0x56B0] =	vst v2  }
0x1b9: {  	[tilespmem:$0x56C0] =	vst v2  }
0x1ba: {  	[tilespmem:$0x56D0] =	vst v2  }
0x1bb: {  	[tilespmem:$0x56E0] =	vst v2  }
0x1bc: {  	[tilespmem:$0x56F0] =	vst v2  }
0x1bd: {  	[tilespmem:$0x5700] =	vst v2  }
0x1be: {  	[tilespmem:$0x5710] =	vst v2  }
0x1bf: {  	[tilespmem:$0x5720] =	vst v2  }
0x1c0: {  	[tilespmem:$0x5730] =	vst v2  }
0x1c1: {  	[tilespmem:$0x5740] =	vst v2  }
0x1c2: {  	[tilespmem:$0x5750] =	vst v2  }
0x1c3: {  	[tilespmem:$0x5760] =	vst v2  }
0x1c4: {  	[tilespmem:$0x5770] =	vst v2  }
0x1c5: {  	[tilespmem:$0x5780] =	vst v2  }
0x1c6: {  	[tilespmem:$0x5790] =	vst v2  }
0x1c7: {  	[tilespmem:$0x57A0] =	vst v2  }
0x1c8: {  	[tilespmem:$0x57B0] =	vst v2  }
0x1c9: {  	[tilespmem:$0x57C0] =	vst v2  }
0x1ca: {  	[tilespmem:$0x57D0] =	vst v2  }
0x1cb: {  	[tilespmem:$0x57E0] =	vst v2  }
0x1cc: {  	[tilespmem:$0x57F0] =	vst v2;
	s11 =	simm.s32 $0xFFFFFFFC;
	s31 =	simm.s32 $0x20  }
.LBB2_17:
0x1cd: {  	v3 =	vld [tilespmem:s31+$0xFFFFFFE0];
	_ =	sdelay $0x4  }
0x1ce: {  	v3 =	vshrl.u32 v3, $0x14  }
0x1cf: {  	v3 =	vand.u32 $0x3FF, v3  }
0x1d0: {  	(xrf1) =	vunique.msk.u32 $0xffff, v3;
	_ =	sdelay $0xd  }
0x1d1: {  	_, v4, vm0 =	vpop (xrf1);
	_ =	sdelay $0x5  }
0x1d2: {  	[tilespmem:v3+s15+$0x0] =	vst.idx.add.s32.msk vm0, v4  }
0x1d3: {  	v3 =	vld [tilespmem:s31+$0xFFFFFFF0];
	_ =	sdelay $0x4  }
0x1d4: {  	v3 =	vshrl.u32 v3, $0x14  }
0x1d5: {  	v3 =	vand.u32 $0x3FF, v3  }
0x1d6: {  	(xrf1) =	vunique.msk.u32 $0xffff, v3;
	_ =	sdelay $0xd  }
0x1d7: {  	_, v4, vm0 =	vpop (xrf1);
	_ =	sdelay $0x5  }
0x1d8: {  	[tilespmem:v3+s15+$0x0] =	vst.idx.add.s32.msk vm0, v4  }
0x1d9: {  	v3 =	vld [tilespmem:s31+$0x0];
	_ =	sdelay $0x4  }
0x1da: {  	v3 =	vshrl.u32 v3, $0x14  }
0x1db: {  	v3 =	vand.u32 $0x3FF, v3  }
0x1dc: {  	(xrf1) =	vunique.msk.u32 $0xffff, v3;
	_ =	sdelay $0xd  }
0x1dd: {  	_, v4, vm0 =	vpop (xrf1);
	_ =	sdelay $0x5  }
0x1de: {  	[tilespmem:v3+s15+$0x0] =	vst.idx.add.s32.msk vm0, v4  }
0x1df: {  	v3 =	vld [tilespmem:s31+$0x10];
	_ =	sdelay $0x4  }
0x1e0: {  	v3 =	vshrl.u32 v3, $0x14  }
0x1e1: {  	v3 =	vand.u32 $0x3FF, v3  }
0x1e2: {  	(xrf1) =	vunique.msk.u32 $0xffff, v3;
	_ =	sdelay $0xd  }
0x1e3: {  	s11 =	sadd.s32 $0x4, s11;
	_, v4, vm0 =	vpop (xrf1)  }
0x1e4: {  	p0 =	slt.u32 s11, $0x14C  }
.Ltmp8:
0x1e5: {  	_ = 	snop;
	(pc) =	sbr.rel @p0 .LBB2_17-.Ltmp8, $2  }
0x1e6: {  	_ =	sdelay $0x2  }
0x1e7: {  	s30 =	simm.s32 $0x0;
	s31 =	sadd.s32 $0x40, s31;
	[tilespmem:v3+s15+$0x0] =	vst.idx.add.s32.msk vm0, v4  }
0x1e8: {  	s0 =	sshra.s32 s30, $0x2  }
0x1e9: {  	v3 =	vld [tilespmem:s0+$0x5400];
	_ =	sdelay $0x4  }
0x1ea: {  	(xrf0) =	vadd.scan.msk.s32 $0xffff, v3;
	_ =	sdelay $0x5  }
0x1eb: {  	v4, _, _ =	vpop (xrf0)  }
0x1ec: {  	v5 =	vxor.u32 $0x80000000, v4  }
0x1ed: {  	(xrf0) =	vmax.scan.msk.u32 $0xffff, v5;
	_ =	sdelay $0x4  }
0x1ee: {  	v3 =	vsub.s32 s30, v3  }
0x1ef: {  	s2 =	sadd.s32 $0x40, s30;
	v3 =	vadd.s32 v4, v3;
	v63, _, _ =	vpop (xrf0)  }
0x1f0: {  	s11 =	sshra.s32 s2, $0x2;
	s31 =	sadd.s32 $0x40, s2;
	[tilespmem:s0+$0x5400] =	vst v3;
	(v2sf) =	vpush v63, $0xF  }
.LBB2_19:
0x1f1: {  	p0 =	sne.s32 s31, $0xFC0;
	v3 =	vld [tilespmem:s11+$0x5400];
	_ =	sdelay $0x4  }
0x1f2: {  	(xrf0) =	vadd.scan.msk.s32 $0xffff, v3;
	_ =	sdelay $0x5  }
0x1f3: {  	v4, _, _ =	vpop (xrf0)  }
0x1f4: {  	v5 =	vxor.u32 $0x80000000, v4  }
0x1f5: {  	(xrf0) =	vmax.scan.msk.u32 $0xffff, v5  }
0x1f6: {  	s0 =	spop (v2sf)  }
0x1f7: {  	s0 =	sadd.s32 s0, s30  }
.Ltmp9:
0x1f8: {  	s30 =	sadd.s32 $0x80000000, s0;
	(pc) =	sbr.rel @p0 .LBB2_19-.Ltmp9, $4  }
0x1f9: {  	v5 =	vsub.s32 s30, v3  }
0x1fa: {  	v4 =	vadd.s32 v4, v5  }
0x1fb: {  	[tilespmem:s11+$0x5400] =	vst v4;
	v3, _, _ =	vpop (xrf0)  }
0x1fc: {  	s11 =	sshra.s32 s31, $0x2;
	s31 =	sadd.s32 $0x40, s31;
	(v2sf) =	vpush v3, $0xF  }
0x1fd: {  	v3 =	vld [tilespmem:s11+$0x5400];
	_ =	sdelay $0x4  }
0x1fe: {  	(xrf0) =	vadd.scan.msk.s32 $0xffff, v3;
	_ =	sdelay $0x5  }
0x1ff: {  	v4, _, _ =	vpop (xrf0)  }
0x200: {  	v5 =	vxor.u32 $0x80000000, v4  }
0x201: {  	(xrf0) =	vmax.scan.msk.u32 $0xffff, v5;
	_ =	sdelay $0x5  }
0x202: {  	v5, _, _ =	vpop (xrf0)  }
0x203: {  	(v2sf) =	vpush v5, $0xF;
	_ =	sdelay $0x9  }
0x204: {  	s0 =	spop (v2sf)  }
0x205: {  	s0 =	sadd.s32 s0, s30  }
0x206: {  	s0 =	sadd.s32 $0x80000000, s0  }
0x207: {  	v3 =	vsub.s32 s0, v3  }
0x208: {  	s31 =	simm.s32 $0x20;
	v3 =	vadd.s32 v4, v3  }
0x209: {  	s30 =	simm.s32 $0xFFFFFFFC;
	[tilespmem:s11+$0x5400] =	vst v3;
	s11 =	simm.s32 $0x1520;
	s5 =	spop (v2sf)  }
.LBB2_21:
0x20a: {  	v3 =	vld [tilespmem:s31+$0xFFFFFFE0];
	_ =	sdelay $0x4  }
0x20b: {  	v4 =	vshrl.u32 v3, $0x14  }
0x20c: {  	v4 =	vand.u32 $0x3FF, v4  }
0x20d: {  	(xrf1) =	vunique.msk.u32 $0xffff, v4;
	_ =	sdelay $0x9  }
0x20e: {  	v5 =	vld.idx.msk [tilespmem:v4+s15+$0x0], $0xffff;
	_ =	sdelay $0x3  }
0x20f: {  	_, v6, vm0 =	vpop (xrf1)  }
0x210: {  	v5 =	vadd.s32 v6, v5  }
0x211: {  	v5 =	vadd.s32 $0xFFFFFFFF, v5  }
0x212: {  	v7 =	vld [tilespmem:s11+$0xFFFFFFE0];
	_ =	sdelay $0x3  }
0x213: {  	[tilespmem:v5+s16+$0x0] =	vst.idx.msk $0xffff, v3  }
0x214: {  	[tilespmem:v5+s17+$0x0] =	vst.idx.msk $0xffff, v7  }
0x215: {  	[tilespmem:v4+s15+$0x0] =	vst.idx.add.s32.msk vm0, v6  }
0x216: {  	v3 =	vld [tilespmem:s31+$0xFFFFFFF0];
	_ =	sdelay $0x4  }
0x217: {  	v61 =	vshrl.u32 v3, $0x14  }
0x218: {  	v4 =	vand.u32 $0x3FF, v61  }
0x219: {  	(xrf1) =	vunique.msk.u32 $0xffff, v4;
	_ =	sdelay $0x9  }
0x21a: {  	v5 =	vld.idx.msk [tilespmem:v4+s15+$0x0], $0xffff;
	_ =	sdelay $0x3  }
0x21b: {  	_, v6, vm0 =	vpop (xrf1)  }
0x21c: {  	v5 =	vadd.s32 v6, v5  }
0x21d: {  	v5 =	vadd.s32 $0xFFFFFFFF, v5  }
0x21e: {  	v7 =	vld [tilespmem:s11+$0xFFFFFFF0];
	_ =	sdelay $0x3  }
0x21f: {  	[tilespmem:v5+s16+$0x0] =	vst.idx.msk $0xffff, v3  }
0x220: {  	[tilespmem:v5+s17+$0x0] =	vst.idx.msk $0xffff, v7  }
0x221: {  	[tilespmem:v4+s15+$0x0] =	vst.idx.add.s32.msk vm0, v6  }
0x222: {  	v3 =	vld [tilespmem:s31+$0x0];
	_ =	sdelay $0x4  }
0x223: {  	v62 =	vshrl.u32 v3, $0x14  }
0x224: {  	v4 =	vand.u32 $0x3FF, v62  }
0x225: {  	(xrf1) =	vunique.msk.u32 $0xffff, v4;
	_ =	sdelay $0x9  }
0x226: {  	v5 =	vld.idx.msk [tilespmem:v4+s15+$0x0], $0xffff;
	_ =	sdelay $0x3  }
0x227: {  	_, v6, vm0 =	vpop (xrf1)  }
0x228: {  	v5 =	vadd.s32 v6, v5  }
0x229: {  	v5 =	vadd.s32 $0xFFFFFFFF, v5  }
0x22a: {  	v7 =	vld [tilespmem:s11+$0x0];
	_ =	sdelay $0x3  }
0x22b: {  	[tilespmem:v5+s16+$0x0] =	vst.idx.msk $0xffff, v3  }
0x22c: {  	[tilespmem:v5+s17+$0x0] =	vst.idx.msk $0xffff, v7  }
0x22d: {  	[tilespmem:v4+s15+$0x0] =	vst.idx.add.s32.msk vm0, v6  }
0x22e: {  	v3 =	vld [tilespmem:s31+$0x10];
	_ =	sdelay $0x4  }
0x22f: {  	v63 =	vshrl.u32 v3, $0x14  }
0x230: {  	v4 =	vand.u32 $0x3FF, v63  }
0x231: {  	(xrf1) =	vunique.msk.u32 $0xffff, v4;
	_ =	sdelay $0x9  }
0x232: {  	v5 =	vld.idx.msk [tilespmem:v4+s15+$0x0], $0xffff;
	_ =	sdelay $0x3  }
0x233: {  	_, v6, vm0 =	vpop (xrf1)  }
0x234: {  	v5 =	vadd.s32 v6, v5  }
0x235: {  	v5 =	vadd.s32 $0xFFFFFFFF, v5  }
0x236: {  	s30 =	sadd.s32 $0x4, s30;
	v7 =	vld [tilespmem:s11+$0x10]  }
0x237: {  	p0 =	slt.u32 s30, $0x14C  }
.Ltmp10:
0x238: {  	_ = 	snop;
	(pc) =	sbr.rel @p0 .LBB2_21-.Ltmp10, $4  }
0x239: {  	_ = 	snop  }
0x23a: {  	[tilespmem:v5+s16+$0x0] =	vst.idx.msk $0xffff, v3  }
0x23b: {  	[tilespmem:v5+s17+$0x0] =	vst.idx.msk $0xffff, v7  }
0x23c: {  	s11 =	sadd.s32 $0x40, s11;
	s31 =	sadd.s32 $0x40, s31;
	[tilespmem:v4+s15+$0x0] =	vst.idx.add.s32.msk vm0, v6  }
0x23d: {  	s0 =	rddreg [dreg:$0x6]  }
0x23e: {  	[hbm4b:s0+s6] =	stream.strided.scatter [tilespmem:s16], [sflag:$0x2], $0x180, s7, s6, $0x38;
	[tilespmem:$0x14B00] =	vst v63  }
0x23f: {  	_ =	swait.ge [sflag:s8], $0x180  }
0x240: {  	s30 =	simm.s32 $0x3F00;
	[sflag:s8] =	ssyncset.done $0x0  }
0x241: {  	s11 =	simm.s32 $0x0;
	s5 =	rddreg [dreg:$0x7];
	[sflag:s8] =	ssyncadd.s32 $0xFFFFFE80  }
0x242: {  	v4 =	vadd.s32 $0xFFFFFF68, v1;
	v3 =	vadd.s32 $0xFFFFFEE8, v1;
	v5 =	vor.u32 $0xFFFFFF80, v1;
	[hbm4b:s5+s6] =	stream.strided.scatter [tilespmem:s30], [sflag:$0x2], $0x180, s7, s6, $0x38;
	[tilespmem:$0x14B00] =	vst v63  }
0x243: {  	v6 =	vadd.s32 s11, v4;
	v7 =	vmov s11;
	v9 =	vor.u32 s11, v1;
	_ =	swait.ge [sflag:s8], $0x180  }
0x244: {  	v8 =	vadd.s32 s11, v5;
	v10 =	vadd.s32 s11, v3;
	vm1 =	vlt.s32 v9, $0x7F;
	[sflag:s8] =	ssyncset.done $0x0  }
0x245: {  	vm2 =	vgt.s32 v8, $0x0;
	vm4 =	vlt.u32 v10, $0x18;
	vm0 =	vlt.u32 v8, $0x18;
	[sflag:s8] =	ssyncadd.s32 $0xFFFFFE80  }
0x246: {  	vm3 =	vgt.s32 v6, $0x0;
	v8 =	vnsel vm2, $0x0, v8;
	vm2 =	vgt.s32 v10, $0x0;
	v11 =	vld [tilespmem:s30+$0x0]  }
0x247: {  	v13 =	vnsel vm2, $0x0, v10;
	v10 =	vnsel vm3, $0x0, v6;
	vm3 =	vlt.u32 v7, $0x80  }
0x248: {  	v12 =	vnsel vm1, $0x7F, v9  }
0x249: {  	s11 =	simm.s32 $0x10;
	v8 =	vmin.u32 v8, $0x17;
	vm2 =	vlt.u32 v6, $0x80  }
0x24a: {  	vm1 =	vmmov vm4;
	v9 =	vmov s11;
	v10 =	vmin.u32 v10, $0x7F  }
0x24b: {  	s31 =	simm.s32 $0x20;
	v6 =	vadd.s32 s11, v4;
	v7 =	vmin.u32 v13, $0x17;
	v11 =	vadd.s32 v0, v11  }
.LBB2_23:
0x24c: {  	p0 =	sne.s32 s31, $0x120  }
0x24d: {  	v13 =	vor.u32 s11, v1;
	v14 =	vadd.s32 s11, v5;
	v15 =	vadd.s32 s11, v3;
	[tilespmem:v12+s19+$0x0] =	vst.idx.msk vm3, v11;
	s30 =	sadd.s32 $0x10, s30;
	s11 =	smov.u32 s31;
	s31 =	sadd.s32 $0x10, s31  }
0x24e: {  	vm4 =	vlt.s32 v13, $0x7F;
	vm3 =	vgt.s32 v14, $0x0;
	vm5 =	vlt.u32 v15, $0x18;
	[tilespmem:v8+s20+$0x0] =	vst.idx.msk vm0, v11  }
0x24f: {  	vm0 =	vlt.u32 v14, $0x18;
	v8 =	vnsel vm3, $0x0, v14;
	vm3 =	vgt.s32 v15, $0x0;
	[tilespmem:v10+s21+$0x0] =	vst.idx.msk vm2, v11  }
0x250: {  	vm2 =	vgt.s32 v6, $0x0;
	v8 =	vmin.u32 v8, $0x17;
	v14 =	vnsel vm3, $0x0, v15;
	[tilespmem:v7+s22+$0x0] =	vst.idx.msk vm1, v11  }
0x251: {  	vm3 =	vlt.u32 v9, $0x80;
	v7 =	vnsel vm2, $0x0, v6;
	v11 =	vld [tilespmem:s30+$0x0]  }
.Ltmp11:
0x252: {  	v12 =	vnsel vm4, $0x7F, v13;
	v10 =	vmin.u32 v7, $0x7F;
	v7 =	vmin.u32 v14, $0x17;
	(pc) =	sbr.rel @p0 .LBB2_23-.Ltmp11, $3  }
0x253: {  	vm2 =	vlt.u32 v6, $0x80;
	vm1 =	vmmov vm5;
	_ =	sdelay $0x1  }
0x254: {  	v6 =	vadd.s32 s11, v4  }
0x255: {  	v9 =	vmov s11;
	v11 =	vadd.s32 v0, v11  }
0x256: {  	_ =	sdelay $0x4  }
0x257: {  	[tilespmem:v12+s19+$0x0] =	vst.idx.msk vm3, v11  }
0x258: {  	[tilespmem:v8+s20+$0x0] =	vst.idx.msk vm0, v11  }
0x259: {  	v4 =	vor.u32 s11, v1;
	v5 =	vadd.s32 s11, v5;
	v3 =	vadd.s32 s11, v3;
	[tilespmem:v10+s21+$0x0] =	vst.idx.msk vm2, v11  }
0x25a: {  	s0 =	sadd.s32 $0x10, s30;
	vm13 =	vlt.u32 v9, $0x80;
	vm5 =	vgt.s32 v6, $0x0;
	vm14 =	vlt.u32 v6, $0x80;
	[tilespmem:v7+s22+$0x0] =	vst.idx.msk vm1, v11  }
0x25b: {  	vm9 =	vlt.s32 v4, $0x7F;
	vm10 =	vgt.s32 v5, $0x0;
	vm11 =	vlt.u32 v3, $0x18;
	v7 =	vld [tilespmem:s0+$0x0]  }
0x25c: {  	vm12 =	vlt.u32 v5, $0x18;
	v5 =	vnsel vm10, $0x0, v5;
	v4 =	vnsel vm9, $0x7F, v4  }
0x25d: {  	vm4 =	vgt.s32 v3, $0x0;
	v63 =	vnsel vm5, $0x0, v6;
	v5 =	vmin.u32 v5, $0x17  }
0x25e: {  	v3 =	vnsel vm4, $0x0, v3;
	v6 =	vmin.u32 v63, $0x7F;
	vm3 =	vmmov vm11  }
0x25f: {  	v3 =	vmin.u32 v3, $0x17  }
0x260: {  	v7 =	vadd.s32 v0, v7  }
0x261: {  	[tilespmem:v4+s19+$0x0] =	vst.idx.msk vm13, v7  }
0x262: {  	[tilespmem:v5+s20+$0x0] =	vst.idx.msk vm12, v7  }
0x263: {  	[tilespmem:v6+s21+$0x0] =	vst.idx.msk vm14, v7  }
0x264: {  	[tilespmem:v3+s22+$0x0] =	vst.idx.msk vm3, v7  }
0x265: {  	v3 =	vld [tilespmem:$0x5800];
	_ =	sdelay $0x4  }
0x266: {  	v4 =	vshll.u32 v3, $0x1  }
0x267: {  	v3 =	vand.u32 $0x7, v3;
	v4 =	vand.u32 $0xFFFFFFF0, v4  }
0x268: {  	v6 =	vor.u32 v3, v4;
	v3 =	vand.u32 $0x7, v1;
	v4 =	vshrl.u32 v1, $0x3  }
0x269: {  	v7 =	vperm.xlane v6, v3;
	v4 =	vmul.u32 $0x8, v4  }
0x26a: {  	v5 =	vor.u32 $0x8, v1  }
0x26b: {  	v6 =	vperm.xlane v6, v5;
	v7 =	vadd.s32 v4, v7;
	_ =	sdelay $0x1  }
0x26c: {  	v6 =	vadd.s32 v4, v6;
	_ =	sdelay $0x1  }
0x26d: {  	vm15 =	vmmov $0xffff;
	s30 =	simm.s32 $0x0;
	s31 =	simm.s32 $0x5A00  }
0x26e: {  	[tilespmem:s31], [sflag:$0x1] =	stream.indirect_vreg.gather [hbm4b:s9+s30], $0x80, v7, vm15, $0xb8;
	[tilespmem:$0x14B00] =	vst v63  }
0x26f: {  	s2 =	simm.s32 $0x6200  }
0x270: {  	[tilespmem:s2], [sflag:$0x1] =	stream.indirect_vreg.gather [hbm4b:s9+s30], $0x80, v6, vm15, $0xb8;
	[tilespmem:$0x14B00] =	vst v63  }
0x271: {  	v6 =	vld [tilespmem:$0x5810];
	_ =	sdelay $0x4  }
0x272: {  	v7 =	vshll.u32 v6, $0x1  }
0x273: {  	v6 =	vand.u32 $0x7, v6;
	v7 =	vand.u32 $0xFFFFFFF0, v7  }
0x274: {  	v6 =	vor.u32 v6, v7  }
0x275: {  	v7 =	vperm.xlane v6, v3;
	_ =	sdelay $0x1  }
0x276: {  	v6 =	vperm.xlane v6, v5;
	v7 =	vadd.s32 v4, v7;
	_ =	sdelay $0x1  }
0x277: {  	v6 =	vadd.s32 v4, v6;
	_ =	sdelay $0x1  }
0x278: {  	s4 =	simm.s32 $0x6A00  }
0x279: {  	[tilespmem:s4], [sflag:$0x1] =	stream.indirect_vreg.gather [hbm4b:s9+s30], $0x80, v7, vm15, $0xb8;
	[tilespmem:$0x14B00] =	vst v63  }
0x27a: {  	s5 =	simm.s32 $0x7200  }
0x27b: {  	[tilespmem:s5], [sflag:$0x1] =	stream.indirect_vreg.gather [hbm4b:s9+s30], $0x80, v6, vm15, $0xb8;
	[tilespmem:$0x14B00] =	vst v63  }
0x27c: {  	v6 =	vld [tilespmem:$0x5820];
	_ =	sdelay $0x4  }
0x27d: {  	v7 =	vshll.u32 v6, $0x1  }
0x27e: {  	v6 =	vand.u32 $0x7, v6;
	v7 =	vand.u32 $0xFFFFFFF0, v7  }
0x27f: {  	v6 =	vor.u32 v6, v7  }
0x280: {  	v7 =	vperm.xlane v6, v3;
	_ =	sdelay $0x1  }
0x281: {  	v6 =	vperm.xlane v6, v5;
	v7 =	vadd.s32 v4, v7;
	_ =	sdelay $0x1  }
0x282: {  	v6 =	vadd.s32 v4, v6;
	_ =	sdelay $0x1  }
0x283: {  	s11 =	simm.s32 $0x7A00  }
0x284: {  	[tilespmem:s11], [sflag:$0x1] =	stream.indirect_vreg.gather [hbm4b:s9+s30], $0x80, v7, vm15, $0xb8;
	[tilespmem:$0x14B00] =	vst v63  }
0x285: {  	s31 =	simm.s32 $0x8200  }
0x286: {  	[tilespmem:s31], [sflag:$0x1] =	stream.indirect_vreg.gather [hbm4b:s9+s30], $0x80, v6, vm15, $0xb8;
	[tilespmem:$0x14B00] =	vst v63  }
0x287: {  	v6 =	vld [tilespmem:$0x5830];
	_ =	sdelay $0x4  }
0x288: {  	v7 =	vshll.u32 v6, $0x1  }
0x289: {  	v6 =	vand.u32 $0x7, v6;
	v7 =	vand.u32 $0xFFFFFFF0, v7  }
0x28a: {  	v6 =	vor.u32 v6, v7  }
0x28b: {  	v7 =	vperm.xlane v6, v3;
	_ =	sdelay $0x1  }
0x28c: {  	v6 =	vperm.xlane v6, v5;
	v7 =	vadd.s32 v4, v7;
	_ =	sdelay $0x1  }
0x28d: {  	v6 =	vadd.s32 v4, v6;
	_ =	sdelay $0x1  }
0x28e: {  	s6 =	simm.s32 $0x8A00  }
0x28f: {  	[tilespmem:s6], [sflag:$0x1] =	stream.indirect_vreg.gather [hbm4b:s9+s30], $0x80, v7, vm15, $0xb8;
	[tilespmem:$0x14B00] =	vst v63  }
0x290: {  	s7 =	simm.s32 $0x9200  }
0x291: {  	[tilespmem:s7], [sflag:$0x1] =	stream.indirect_vreg.gather [hbm4b:s9+s30], $0x80, v6, vm15, $0xb8;
	[tilespmem:$0x14B00] =	vst v63  }
0x292: {  	v6 =	vld [tilespmem:$0x5840];
	_ =	sdelay $0x4  }
0x293: {  	v7 =	vshll.u32 v6, $0x1  }
0x294: {  	v6 =	vand.u32 $0x7, v6;
	v7 =	vand.u32 $0xFFFFFFF0, v7  }
0x295: {  	v6 =	vor.u32 v6, v7  }
0x296: {  	v7 =	vperm.xlane v6, v3;
	_ =	sdelay $0x1  }
0x297: {  	v6 =	vperm.xlane v6, v5;
	v7 =	vadd.s32 v4, v7;
	_ =	sdelay $0x1  }
0x298: {  	v6 =	vadd.s32 v4, v6;
	_ =	sdelay $0x1  }
0x299: {  	s8 =	simm.s32 $0x9A00  }
0x29a: {  	[tilespmem:s8], [sflag:$0x1] =	stream.indirect_vreg.gather [hbm4b:s9+s30], $0x80, v7, vm15, $0xb8;
	[tilespmem:$0x14B00] =	vst v63  }
0x29b: {  	_ = 	snop  }
0x29c: {  	[tilespmem:s24], [sflag:$0x1] =	stream.indirect_vreg.gather [hbm4b:s9+s30], $0x80, v6, vm15, $0xb8;
	[tilespmem:$0x14B00] =	vst v63  }
0x29d: {  	v6 =	vld [tilespmem:$0x5850];
	_ =	sdelay $0x4  }
0x29e: {  	v7 =	vshll.u32 v6, $0x1  }
0x29f: {  	v6 =	vand.u32 $0x7, v6;
	v7 =	vand.u32 $0xFFFFFFF0, v7  }
0x2a0: {  	v6 =	vor.u32 v6, v7  }
0x2a1: {  	v7 =	vperm.xlane v6, v3;
	_ =	sdelay $0x1  }
0x2a2: {  	v6 =	vperm.xlane v6, v5;
	v7 =	vadd.s32 v4, v7;
	_ =	sdelay $0x1  }
0x2a3: {  	v6 =	vadd.s32 v4, v6;
	_ =	sdelay $0x1  }
0x2a4: {  	s1 =	simm.s32 $0xAA00  }
0x2a5: {  	[tilespmem:s1], [sflag:$0x1] =	stream.indirect_vreg.gather [hbm4b:s9+s30], $0x80, v7, vm15, $0xb8;
	[tilespmem:$0x14B00] =	vst v63  }
0x2a6: {  	_ = 	snop  }
0x2a7: {  	[tilespmem:s26], [sflag:$0x1] =	stream.indirect_vreg.gather [hbm4b:s9+s30], $0x80, v6, vm15, $0xb8;
	[tilespmem:$0x14B00] =	vst v63  }
0x2a8: {  	v6 =	vld [tilespmem:$0x5860];
	_ =	sdelay $0x4  }
0x2a9: {  	v7 =	vshll.u32 v6, $0x1  }
0x2aa: {  	v6 =	vand.u32 $0x7, v6;
	v7 =	vand.u32 $0xFFFFFFF0, v7  }
0x2ab: {  	v6 =	vor.u32 v6, v7  }
0x2ac: {  	v7 =	vperm.xlane v6, v3;
	_ =	sdelay $0x1  }
0x2ad: {  	v6 =	vperm.xlane v6, v5;
	v7 =	vadd.s32 v4, v7;
	_ =	sdelay $0x1  }
0x2ae: {  	v6 =	vadd.s32 v4, v6;
	_ =	sdelay $0x2  }
0x2af: {  	[tilespmem:s28], [sflag:$0x1] =	stream.indirect_vreg.gather [hbm4b:s9+s30], $0x80, v7, vm15, $0xb8;
	[tilespmem:$0x14B00] =	vst v63  }
0x2b0: {  	_ = 	snop  }
0x2b1: {  	[tilespmem:s23], [sflag:$0x1] =	stream.indirect_vreg.gather [hbm4b:s9+s30], $0x80, v6, vm15, $0xb8;
	[tilespmem:$0x14B00] =	vst v63  }
0x2b2: {  	v6 =	vld [tilespmem:$0x5870];
	_ =	sdelay $0x4  }
0x2b3: {  	v7 =	vshll.u32 v6, $0x1  }
0x2b4: {  	v6 =	vand.u32 $0x7, v6;
	v7 =	vand.u32 $0xFFFFFFF0, v7  }
0x2b5: {  	v6 =	vor.u32 v6, v7  }
0x2b6: {  	v7 =	vperm.xlane v6, v3;
	_ =	sdelay $0x1  }
0x2b7: {  	v6 =	vperm.xlane v6, v5;
	v7 =	vadd.s32 v4, v7;
	_ =	sdelay $0x1  }
0x2b8: {  	v6 =	vadd.s32 v4, v6;
	_ =	sdelay $0x2  }
0x2b9: {  	[tilespmem:s13], [sflag:$0x1] =	stream.indirect_vreg.gather [hbm4b:s9+s30], $0x80, v7, vm15, $0xb8;
	[tilespmem:$0x14B00] =	vst v63  }
0x2ba: {  	_ = 	snop  }
0x2bb: {  	[tilespmem:s25], [sflag:$0x1] =	stream.indirect_vreg.gather [hbm4b:s9+s30], $0x80, v6, vm15, $0xb8;
	[tilespmem:$0x14B00] =	vst v63  }
0x2bc: {  	_ =	swait.ge [sflag:s10], $0x8000  }
0x2bd: {  	[sflag:s10] =	ssyncset.done $0x0  }
0x2be: {  	[sflag:s10] =	ssyncadd.s32 $0xFFFF8000  }
0x2bf: {  	v6 =	vld [tilespmem:$0x5880];
	_ =	sdelay $0x4  }
0x2c0: {  	v7 =	vshll.u32 v6, $0x1  }
0x2c1: {  	v6 =	vand.u32 $0x7, v6;
	v7 =	vand.u32 $0xFFFFFFF0, v7  }
0x2c2: {  	v6 =	vor.u32 v6, v7  }
0x2c3: {  	v7 =	vperm.xlane v6, v3;
	_ =	sdelay $0x1  }
0x2c4: {  	v6 =	vperm.xlane v6, v5;
	v7 =	vadd.s32 v4, v7;
	_ =	sdelay $0x1  }
0x2c5: {  	v6 =	vadd.s32 v4, v6;
	_ =	sdelay $0x2  }
0x2c6: {  	[tilespmem:s14], [sflag:$0x1] =	stream.indirect_vreg.gather [hbm4b:s9+s30], $0x80, v7, vm15, $0xb8;
	[tilespmem:$0x14B00] =	vst v63  }
0x2c7: {  	_ = 	snop  }
0x2c8: {  	[tilespmem:s12], [sflag:$0x1] =	stream.indirect_vreg.gather [hbm4b:s9+s30], $0x80, v6, vm15, $0xb8;
	[tilespmem:$0x14B00] =	vst v63  }
0x2c9: {  	v6 =	vld.msk [tilespmem:$0x5890], $0xff;
	_ =	sdelay $0x4  }
0x2ca: {  	v7 =	vshll.u32 v6, $0x1  }
0x2cb: {  	v6 =	vand.u32 $0x7, v6;
	v7 =	vand.u32 $0xFFFFFFF0, v7  }
0x2cc: {  	v6 =	vor.u32 v6, v7  }
0x2cd: {  	v6 =	vperm.xlane v6, v3;
	_ =	sdelay $0x1  }
0x2ce: {  	v6 =	vadd.s32 v4, v6;
	_ =	sdelay $0x3  }
0x2cf: {  	s1 =	simm.s32 $0xEA00  }
0x2d0: {  	[tilespmem:s1], [sflag:$0x1] =	stream.indirect_vreg.gather [hbm4b:s9+s30], $0x80, v6, vm15, $0xb8;
	[tilespmem:$0x14B00] =	vst v63  }
0x2d1: {  	_ =	swait.ge [sflag:s10], $0x1800  }
0x2d2: {  	[sflag:s10] =	ssyncset.done $0x0  }
0x2d3: {  	s1 =	simm.s32 $0x5A00;
	s0 =	rddreg [dreg:$0x8];
	[sflag:s10] =	ssyncadd.s32 $0xFFFFE800  }
0x2d4: {  	[hbm4b:s0+s30] =	stream.linear.scatter [tilespmem:s1], [sflag:$0x2], $0x9800, $0x38;
	[tilespmem:$0x14B00] =	vst v63  }
0x2d5: {  	s0 =	simm.s32 $0x2  }
0x2d6: {  	_ =	swait.ge [sflag:s0], $0x9800  }
0x2d7: {  	[sflag:s0] =	ssyncset.done $0x0  }
0x2d8: {  	[sflag:s0] =	ssyncadd.s32 $0xFFFF6800  }
0x2d9: {  	v6 =	vld [tilespmem:$0x5900];
	_ =	sdelay $0x4  }
0x2da: {  	v7 =	vshll.u32 v6, $0x1  }
0x2db: {  	v6 =	vand.u32 $0x7, v6;
	v7 =	vand.u32 $0xFFFFFFF0, v7  }
0x2dc: {  	v6 =	vor.u32 v6, v7  }
0x2dd: {  	v7 =	vperm.xlane v6, v3;
	_ =	sdelay $0x1  }
0x2de: {  	v6 =	vperm.xlane v6, v5;
	v7 =	vadd.s32 v4, v7;
	_ =	sdelay $0x1  }
0x2df: {  	v6 =	vadd.s32 v4, v6;
	_ =	sdelay $0x2  }
0x2e0: {  	[tilespmem:s1], [sflag:$0x1] =	stream.indirect_vreg.gather [hbm4b:s9+s30], $0x80, v7, vm15, $0xb8;
	[tilespmem:$0x14B00] =	vst v63  }
0x2e1: {  	_ = 	snop  }
0x2e2: {  	[tilespmem:s2], [sflag:$0x1] =	stream.indirect_vreg.gather [hbm4b:s9+s30], $0x80, v6, vm15, $0xb8;
	[tilespmem:$0x14B00] =	vst v63  }
0x2e3: {  	v6 =	vld [tilespmem:$0x5910];
	_ =	sdelay $0x4  }
0x2e4: {  	v7 =	vshll.u32 v6, $0x1  }
0x2e5: {  	v6 =	vand.u32 $0x7, v6;
	v7 =	vand.u32 $0xFFFFFFF0, v7  }
0x2e6: {  	v6 =	vor.u32 v6, v7  }
0x2e7: {  	v7 =	vperm.xlane v6, v3;
	_ =	sdelay $0x1  }
0x2e8: {  	v6 =	vperm.xlane v6, v5;
	v7 =	vadd.s32 v4, v7;
	_ =	sdelay $0x1  }
0x2e9: {  	v6 =	vadd.s32 v4, v6;
	_ =	sdelay $0x2  }
0x2ea: {  	[tilespmem:s4], [sflag:$0x1] =	stream.indirect_vreg.gather [hbm4b:s9+s30], $0x80, v7, vm15, $0xb8;
	[tilespmem:$0x14B00] =	vst v63  }
0x2eb: {  	_ = 	snop  }
0x2ec: {  	[tilespmem:s5], [sflag:$0x1] =	stream.indirect_vreg.gather [hbm4b:s9+s30], $0x80, v6, vm15, $0xb8;
	[tilespmem:$0x14B00] =	vst v63  }
0x2ed: {  	v6 =	vld [tilespmem:$0x5920];
	_ =	sdelay $0x4  }
0x2ee: {  	v7 =	vshll.u32 v6, $0x1  }
0x2ef: {  	v6 =	vand.u32 $0x7, v6;
	v7 =	vand.u32 $0xFFFFFFF0, v7  }
0x2f0: {  	v6 =	vor.u32 v6, v7  }
0x2f1: {  	v7 =	vperm.xlane v6, v3;
	_ =	sdelay $0x1  }
0x2f2: {  	v6 =	vperm.xlane v6, v5;
	v7 =	vadd.s32 v4, v7;
	_ =	sdelay $0x1  }
0x2f3: {  	v6 =	vadd.s32 v4, v6;
	_ =	sdelay $0x2  }
0x2f4: {  	[tilespmem:s11], [sflag:$0x1] =	stream.indirect_vreg.gather [hbm4b:s9+s30], $0x80, v7, vm15, $0xb8;
	[tilespmem:$0x14B00] =	vst v63  }
0x2f5: {  	_ = 	snop  }
0x2f6: {  	[tilespmem:s31], [sflag:$0x1] =	stream.indirect_vreg.gather [hbm4b:s9+s30], $0x80, v6, vm15, $0xb8;
	[tilespmem:$0x14B00] =	vst v63  }
0x2f7: {  	v6 =	vld [tilespmem:$0x5930];
	_ =	sdelay $0x4  }
0x2f8: {  	v7 =	vshll.u32 v6, $0x1  }
0x2f9: {  	v6 =	vand.u32 $0x7, v6;
	v7 =	vand.u32 $0xFFFFFFF0, v7  }
0x2fa: {  	v6 =	vor.u32 v6, v7  }
0x2fb: {  	v7 =	vperm.xlane v6, v3;
	_ =	sdelay $0x1  }
0x2fc: {  	v6 =	vperm.xlane v6, v5;
	v7 =	vadd.s32 v4, v7;
	_ =	sdelay $0x1  }
0x2fd: {  	v6 =	vadd.s32 v4, v6;
	_ =	sdelay $0x2  }
0x2fe: {  	[tilespmem:s6], [sflag:$0x1] =	stream.indirect_vreg.gather [hbm4b:s9+s30], $0x80, v7, vm15, $0xb8;
	[tilespmem:$0x14B00] =	vst v63  }
0x2ff: {  	_ = 	snop  }
0x300: {  	[tilespmem:s7], [sflag:$0x1] =	stream.indirect_vreg.gather [hbm4b:s9+s30], $0x80, v6, vm15, $0xb8;
	[tilespmem:$0x14B00] =	vst v63  }
0x301: {  	v6 =	vld [tilespmem:$0x5940];
	_ =	sdelay $0x4  }
0x302: {  	v7 =	vshll.u32 v6, $0x1  }
0x303: {  	v6 =	vand.u32 $0x7, v6;
	v7 =	vand.u32 $0xFFFFFFF0, v7  }
0x304: {  	v6 =	vor.u32 v6, v7  }
0x305: {  	v7 =	vperm.xlane v6, v3;
	_ =	sdelay $0x1  }
0x306: {  	v6 =	vperm.xlane v6, v5;
	v7 =	vadd.s32 v4, v7;
	_ =	sdelay $0x1  }
0x307: {  	v6 =	vadd.s32 v4, v6;
	_ =	sdelay $0x2  }
0x308: {  	[tilespmem:s8], [sflag:$0x1] =	stream.indirect_vreg.gather [hbm4b:s9+s30], $0x80, v7, vm15, $0xb8;
	[tilespmem:$0x14B00] =	vst v63  }
0x309: {  	_ = 	snop  }
0x30a: {  	[tilespmem:s24], [sflag:$0x1] =	stream.indirect_vreg.gather [hbm4b:s9+s30], $0x80, v6, vm15, $0xb8;
	[tilespmem:$0x14B00] =	vst v63  }
0x30b: {  	v6 =	vld [tilespmem:$0x5950];
	_ =	sdelay $0x4  }
0x30c: {  	v7 =	vshll.u32 v6, $0x1  }
0x30d: {  	v6 =	vand.u32 $0x7, v6;
	v7 =	vand.u32 $0xFFFFFFF0, v7  }
0x30e: {  	v6 =	vor.u32 v6, v7  }
0x30f: {  	v7 =	vperm.xlane v6, v3;
	_ =	sdelay $0x1  }
0x310: {  	v6 =	vperm.xlane v6, v5;
	v7 =	vadd.s32 v4, v7;
	_ =	sdelay $0x1  }
0x311: {  	v6 =	vadd.s32 v4, v6;
	_ =	sdelay $0x1  }
0x312: {  	s31 =	simm.s32 $0xAA00  }
0x313: {  	[tilespmem:s31], [sflag:$0x1] =	stream.indirect_vreg.gather [hbm4b:s9+s30], $0x80, v7, vm15, $0xb8;
	[tilespmem:$0x14B00] =	vst v63  }
0x314: {  	_ = 	snop  }
0x315: {  	[tilespmem:s26], [sflag:$0x1] =	stream.indirect_vreg.gather [hbm4b:s9+s30], $0x80, v6, vm15, $0xb8;
	[tilespmem:$0x14B00] =	vst v63  }
0x316: {  	v6 =	vld [tilespmem:$0x5960];
	_ =	sdelay $0x4  }
0x317: {  	v7 =	vshll.u32 v6, $0x1  }
0x318: {  	v6 =	vand.u32 $0x7, v6;
	v7 =	vand.u32 $0xFFFFFFF0, v7  }
0x319: {  	v6 =	vor.u32 v6, v7  }
0x31a: {  	v7 =	vperm.xlane v6, v3;
	_ =	sdelay $0x1  }
0x31b: {  	v6 =	vperm.xlane v6, v5;
	v7 =	vadd.s32 v4, v7;
	_ =	sdelay $0x1  }
0x31c: {  	v6 =	vadd.s32 v4, v6;
	_ =	sdelay $0x2  }
0x31d: {  	[tilespmem:s28], [sflag:$0x1] =	stream.indirect_vreg.gather [hbm4b:s9+s30], $0x80, v7, vm15, $0xb8;
	[tilespmem:$0x14B00] =	vst v63  }
0x31e: {  	_ = 	snop  }
0x31f: {  	[tilespmem:s23], [sflag:$0x1] =	stream.indirect_vreg.gather [hbm4b:s9+s30], $0x80, v6, vm15, $0xb8;
	[tilespmem:$0x14B00] =	vst v63  }
0x320: {  	v6 =	vld [tilespmem:$0x5970];
	_ =	sdelay $0x4  }
0x321: {  	v7 =	vshll.u32 v6, $0x1  }
0x322: {  	v6 =	vand.u32 $0x7, v6;
	v7 =	vand.u32 $0xFFFFFFF0, v7  }
0x323: {  	v6 =	vor.u32 v6, v7  }
0x324: {  	v7 =	vperm.xlane v6, v3;
	_ =	sdelay $0x1  }
0x325: {  	v6 =	vperm.xlane v6, v5;
	v7 =	vadd.s32 v4, v7;
	_ =	sdelay $0x1  }
0x326: {  	v6 =	vadd.s32 v4, v6;
	_ =	sdelay $0x2  }
0x327: {  	[tilespmem:s13], [sflag:$0x1] =	stream.indirect_vreg.gather [hbm4b:s9+s30], $0x80, v7, vm15, $0xb8;
	[tilespmem:$0x14B00] =	vst v63  }
0x328: {  	_ = 	snop  }
0x329: {  	[tilespmem:s25], [sflag:$0x1] =	stream.indirect_vreg.gather [hbm4b:s9+s30], $0x80, v6, vm15, $0xb8;
	[tilespmem:$0x14B00] =	vst v63  }
0x32a: {  	_ =	swait.ge [sflag:s10], $0x8000  }
0x32b: {  	[sflag:s10] =	ssyncset.done $0x0  }
0x32c: {  	[sflag:s10] =	ssyncadd.s32 $0xFFFF8000  }
0x32d: {  	v6 =	vld [tilespmem:$0x5980];
	_ =	sdelay $0x4  }
0x32e: {  	v7 =	vshll.u32 v6, $0x1  }
0x32f: {  	v6 =	vand.u32 $0x7, v6;
	v7 =	vand.u32 $0xFFFFFFF0, v7  }
0x330: {  	v6 =	vor.u32 v6, v7  }
0x331: {  	v7 =	vperm.xlane v6, v3;
	_ =	sdelay $0x1  }
0x332: {  	v5 =	vperm.xlane v6, v5;
	v7 =	vadd.s32 v4, v7;
	_ =	sdelay $0x1  }
0x333: {  	v5 =	vadd.s32 v4, v5;
	_ =	sdelay $0x2  }
0x334: {  	[tilespmem:s14], [sflag:$0x1] =	stream.indirect_vreg.gather [hbm4b:s9+s30], $0x80, v7, vm15, $0xb8;
	[tilespmem:$0x14B00] =	vst v63  }
0x335: {  	_ = 	snop  }
0x336: {  	[tilespmem:s12], [sflag:$0x1] =	stream.indirect_vreg.gather [hbm4b:s9+s30], $0x80, v5, vm15, $0xb8;
	[tilespmem:$0x14B00] =	vst v63  }
0x337: {  	v5 =	vld.msk [tilespmem:$0x5990], $0xff;
	_ =	sdelay $0x4  }
0x338: {  	v6 =	vshll.u32 v5, $0x1  }
0x339: {  	v5 =	vand.u32 $0x7, v5;
	v6 =	vand.u32 $0xFFFFFFF0, v6  }
0x33a: {  	v5 =	vor.u32 v5, v6  }
0x33b: {  	v3 =	vperm.xlane v5, v3;
	_ =	sdelay $0x1  }
0x33c: {  	v3 =	vadd.s32 v4, v3;
	_ =	sdelay $0x3  }
0x33d: {  	s2 =	simm.s32 $0xEA00  }
0x33e: {  	[tilespmem:s2], [sflag:$0x1] =	stream.indirect_vreg.gather [hbm4b:s9+s30], $0x80, v3, vm15, $0xb8;
	[tilespmem:$0x14B00] =	vst v63  }
0x33f: {  	_ =	swait.ge [sflag:s10], $0x1800  }
0x340: {  	s1 =	simm.s32 $0x5A00;
	[sflag:s10] =	ssyncset.done $0x0  }
0x341: {  	s8 =	simm.s32 $0x2;
	s4 =	rddreg [dreg:$0x9];
	[sflag:s10] =	ssyncadd.s32 $0xFFFFE800  }
0x342: {  	[hbm4b:s4+s30] =	stream.linear.scatter [tilespmem:s1], [sflag:$0x2], $0x9800, $0x38;
	[tilespmem:$0x14B00] =	vst v63  }
0x343: {  	_ =	swait.ge [sflag:s8], $0x9800  }
0x344: {  	s6 =	simm.s32 $0x80;
	v3 =	vor.u32 s30, v1;
	[sflag:s8] =	ssyncset.done $0x0  }
0x345: {  	s7 =	simm.s32 $0x400;
	v3 =	vshrl.u32 v3, $0x2;
	s5 =	rddreg [dreg:$0xa];
	[sflag:s8] =	ssyncadd.s32 $0xFFFF6800  }
0x346: {  	[tilespmem:s29], [sflag:$0x2] =	stream.strided.gather [hbm4b:s5+s6], $0x5400, s7, s6, $0x38;
	[tilespmem:$0x14B00] =	vst v63  }
0x347: {  	_ =	swait.ge [sflag:s8], $0x5400  }
0x348: {  	[sflag:s8] =	ssyncset.done $0x0  }
0x349: {  	[sflag:s8] =	ssyncadd.s32 $0xFFFFAC00  }
0x34a: {  	v3 =	vld.idx.msk [tilespmem:v3+s17+$0x0], $0xffff;
	_ =	sdelay $0x4  }
0x34b: {  	v4 =	vshll.u32 v3, $0x2;
	v3 =	vand.u32 $0x3, v1  }
0x34c: {  	v4 =	vor.u32 v3, v4;
	_ =	sdelay $0x3  }
0x34d: {  	s11 =	simm.s32 $0x10  }
0x34e: {  	v5 =	vor.u32 s11, v1;
	v4 =	vld.idx.msk [tilespmem:v4+s29+$0x0], $0xffff  }
0x34f: {  	v5 =	vshrl.u32 v5, $0x2;
	_ =	sdelay $0x2  }
0x350: {  	s11 =	simm.s32 $0x14600  }
0x351: {  	[tilespmem:s11+$0x0] =	vst v4  }
0x352: {  	v4 =	vld.idx.msk [tilespmem:v5+s17+$0x0], $0xffff;
	_ =	sdelay $0x4  }
0x353: {  	v4 =	vshll.u32 v4, $0x2  }
0x354: {  	v4 =	vor.u32 v3, v4;
	_ =	sdelay $0x3  }
0x355: {  	s31 =	simm.s32 $0x20  }
0x356: {  	s30 =	simm.s32 $0x30;
	v5 =	vor.u32 s31, v1;
	v4 =	vld.idx.msk [tilespmem:v4+s29+$0x0], $0xffff  }
.LBB2_25:
0x357: {  	p0 =	sne.s32 s30, $0x4F0;
	v5 =	vshrl.u32 v5, $0x2;
	_ =	sdelay $0x2  }
0x358: {  	s11 =	sadd.s32 $0x10, s11  }
0x359: {  	[tilespmem:s11+$0x0] =	vst v4  }
0x35a: {  	v4 =	vld.idx.msk [tilespmem:v5+s17+$0x0], $0xffff;
	_ =	sdelay $0x5  }
0x35b: {  	v4 =	vshll.u32 v4, $0x2  }
0x35c: {  	v4 =	vor.u32 v3, v4;
	_ =	sdelay $0x1  }
.Ltmp12:
0x35d: {  	(pc) =	sbr.rel @p0 .LBB2_25-.Ltmp12, $3  }
0x35e: {  	_ =	sdelay $0x1  }
0x35f: {  	v4 =	vld.idx.msk [tilespmem:v4+s29+$0x0], $0xffff  }
0x360: {  	v5 =	vor.u32 s30, v1;
	s30 =	sadd.s32 $0x10, s30  }
0x361: {  	v5 =	vshrl.u32 v5, $0x2;
	_ =	sdelay $0x2  }
0x362: {  	s0 =	sadd.s32 $0x10, s11  }
0x363: {  	[tilespmem:s0+$0x0] =	vst v4  }
0x364: {  	v4 =	vld.idx.msk [tilespmem:v5+s17+$0x0], $0xffff;
	_ =	sdelay $0x4  }
0x365: {  	v4 =	vshll.u32 v4, $0x2  }
0x366: {  	v3 =	vor.u32 v3, v4;
	_ =	sdelay $0x4  }
0x367: {  	v3 =	vld.idx.msk [tilespmem:v3+s29+$0x0], $0xffff;
	_ =	sdelay $0x3  }
0x368: {  	s0 =	sadd.s32 $0x10, s0  }
0x369: {  	s11 =	rddreg [dreg:$0xb];
	s2 =	simm.s32 $0x14600;
	[tilespmem:s0+$0x0] =	vst v3  }
0x36a: {  	[hbm4b:s11+s6] =	stream.strided.scatter [tilespmem:s2], [sflag:$0x2], $0x500, s7, s6, $0x38;
	[tilespmem:$0x14B00] =	vst v63  }
0x36b: {  	_ =	swait.ge [sflag:s8], $0x500  }
0x36c: {  	s30 =	rddreg [dreg:$0xe]  }
0x36d: {  	s31 =	rddreg [dreg:$0xd];
	s2 =	sadd.s32 $0x1, s30  }
0x36e: {  	p0 =	sne.s32 s2, s31  }
.Ltmp13:
0x36f: {  	_ = 	snop;
	(pc) =	sbr.rel @p0 .LBB2_2-.Ltmp13, $3  }
0x370: {  	_ =	sdelay $0x1  }
0x371: {  	[sflag:s8] =	ssyncset.done $0x0  }
0x372: {  	[sflag:s8] =	ssyncadd.s32 $0xFFFFFB00  }
.LBB2_27:
0x373: {  	_ =	sfence.sel $0x180000  }
0x374: {  	[bflag:$0x0] =	sbarrier.arrive $0xFFFF  }
0x375: {  	_ =	strace $0x90000047  }
0x376: {  	s0 =	stileid.u32;
	[bflag:$0x2] =	sbarrier.arrive $0xFFFF  }
0x377: {  	p0 =	sne.s32 s0, $0x0;
	s0 =	rddreg [dreg:$0x5]  }
0x378: {  	s0 =	sadd.s32 @!p0 $0x100000, s0  }
0x379: {  	[sflag:s0] =	ssyncadd.tile.s32 @!p0 $0x1;
	_ =	shalt  }
.Lfunc_end2:
_tile_overlayer_lowered:
.L_overlay_start_2:
0x37a: {  	(tag) =	ssettag $0x2  }
0x37b: {  	s0 =	rddreg [dreg:$0x0];
	s2 =	stileid.u32  }
0x37c: {  	s1 =	rddreg [dreg:$0x1];
	p0 =	sne.s32 s2, $0x0  }
0x37d: {  	s3 =	rddreg [dreg:$0x2];
	[bflag:$0x3] =	sbarrier.arrive $0xFFFF;
	s2 =	simm.s32 @!p0 $0x1C02  }
0x37e: {  	[timem:s3], [sflag:s2] =	dma.local @!p0 [hbm:s0], s1  }
0x37f: {  	s0 =	simm.s32 @!p0 $0x2  }
0x380: {  	_ =	swait.ge @!p0 [sflag:s0], s1  }
0x381: {  	s1 =	ssub.s32 @!p0 $0x0, s1;
	[sflag:s0] =	ssyncset.done @!p0 $0x0  }
0x382: {  	[sflag:s0] =	ssyncadd.s32 @!p0 s1  }
0x383: {  	[bflag:$0x3] =	sbarrier.arrive $0xFFFF  }
0x384: {  	_ =	shalt  }

</sc_bundles>
